<compile_context>
chip_gen: v7x
topology: tpu7x:2x2x1
jax: 0.10.2.dev20260603
libtpu: 0.0.44.dev20260713+nightly
codegen_flags: <defaults>
</compile_context>

<pallas_src>
import functools

import jax
import jax.numpy as jnp
from jax import lax
from jax.experimental import pallas as pl
from jax.experimental.pallas import tpu as pltpu
from jax.experimental.pallas import tpu_sc as plsc

N = 10000
NP = 10240
G = 64
NH = N // 2
NPH = NP // 2
E = 320000
EPW = E // 32
EPT = E // 16
CH = 80
NCH_MAIN = EPW // CH
NCH_DEG = EPT // CH
K = 5
NGRP = NCH_MAIN // K
KD = 10
RPT = NP // 16

_mesh = plsc.VectorSubcoreMesh(core_axis_name="c", subcore_axis_name="s")
_sc_params = pltpu.CompilerParams(use_tc_tiling_on_sc=False)


@functools.partial(
    pl.kernel,
    out_type=jax.ShapeDtypeStruct((2, NP), jnp.float32),
    mesh=_mesh,
    compiler_params=_sc_params,
    scratch_types=[
        pltpu.VMEM((EPT,), jnp.int32),
        pltpu.VMEM((CH,), jnp.float32),
        pltpu.VMEM_SHARED((NP,), jnp.float32),
        pltpu.SemaphoreType.DMA,
    ],
)
def _sc_degrees(src_hbm, dst_hbm, zeros_hbm, out_hbm, idx_v, ones_v, acc_sh,
                sem):
    c = lax.axis_index("c")
    s = lax.axis_index("s")
    base = s * RPT

    @pl.when(c == 0)
    def _():
        pltpu.sync_copy(dst_hbm.at[pl.ds(s * EPT, EPT)], idx_v)

    @pl.when(c == 1)
    def _():
        pltpu.sync_copy(src_hbm.at[pl.ds(s * EPT, EPT)], idx_v)

    for i in range(CH // 16):
        ones_v[pl.ds(i * 16, 16)] = jnp.ones((16,), jnp.float32)
    pltpu.sync_copy(zeros_hbm.at[pl.ds(base, RPT)], acc_sh.at[pl.ds(base, RPT)])
    plsc.subcore_barrier()

    def grp(g, carry):
        for b in range(KD):
            j = (g * KD + b) * CH
            pltpu.async_copy(ones_v, acc_sh.at[idx_v.at[pl.ds(j, CH)]], sem,
                             add=True)
        for b in range(KD):
            j = (g * KD + b) * CH
            pltpu.make_async_copy(
                ones_v, acc_sh.at[idx_v.at[pl.ds(j, CH)]], sem).wait()
        return carry

    lax.fori_loop(0, NCH_DEG // KD, grp, 0)
    plsc.subcore_barrier()
    pltpu.sync_copy(acc_sh.at[pl.ds(base, RPT)], out_hbm.at[c, pl.ds(base, RPT)])


@functools.partial(
    pl.kernel,
    out_type=jax.ShapeDtypeStruct((2, NP, G), jnp.float32),
    mesh=_mesh,
    compiler_params=_sc_params,
    scratch_types=[
        pltpu.VMEM((EPW,), jnp.int32),
        pltpu.VMEM((EPW,), jnp.int32),
        pltpu.VMEM((K, CH, G), jnp.float32),
        pltpu.VMEM_SHARED((NP, G), jnp.float32),
        pltpu.SemaphoreType.DMA((K,)),
    ],
)
def _sc_edge_agg(hp_hbm, src_hbm, dst_hbm, zeros_hbm, out_hbm,
                 sidx_v, didx_v, rows_v, acc_sh, sem_g):
    c = lax.axis_index("c")
    s = lax.axis_index("s")
    w = s * 2 + c
    base = s * RPT
    pltpu.sync_copy(src_hbm.at[pl.ds(w * EPW, EPW)], sidx_v)
    pltpu.sync_copy(dst_hbm.at[pl.ds(w * EPW, EPW)], didx_v)
    pltpu.sync_copy(zeros_hbm.at[pl.ds(base, RPT)], acc_sh.at[pl.ds(base, RPT)])
    plsc.subcore_barrier()

    for b in range(K):
        pltpu.async_copy(hp_hbm.at[sidx_v.at[pl.ds(b * CH, CH)]],
                         rows_v.at[b], sem_g.at[b])

    def grp(g, carry):
        for b in range(K):
            j = (g * K + b) * CH
            pltpu.make_async_copy(
                hp_hbm.at[sidx_v.at[pl.ds(j, CH)]], rows_v.at[b],
                sem_g.at[b]).wait()
            pltpu.sync_copy(rows_v.at[b], acc_sh.at[didx_v.at[pl.ds(j, CH)]],
                            add=True)
            nj = j + K * CH

            @pl.when(nj < EPW)
            def _():
                pltpu.async_copy(hp_hbm.at[sidx_v.at[pl.ds(nj, CH)]],
                                 rows_v.at[b], sem_g.at[b])
        return carry

    lax.fori_loop(0, NGRP, grp, 0)
    plsc.subcore_barrier()
    pltpu.sync_copy(acc_sh.at[pl.ds(base, RPT)], out_hbm.at[c, pl.ds(base, RPT)])


def _tc_split_body(e_ref, src_ref, dst_ref):
    src_ref[...] = e_ref[0]
    dst_ref[...] = e_ref[1]


_tc_split = pl.pallas_call(
    _tc_split_body,
    out_shape=[
        jax.ShapeDtypeStruct((E,), jnp.int32),
        jax.ShapeDtypeStruct((E,), jnp.int32),
    ],
)

BLK = 1000


def _tc_pre_body(x2_ref, w2_ref, nsp_ref, hp0_ref):
    h = jnp.dot(x2_ref[...], w2_ref[...], preferred_element_type=jnp.float32)
    hp0_ref[...] = h * nsp_ref[...]


_tc_pre = pl.pallas_call(
    _tc_pre_body,
    grid=(NH // BLK,),
    in_specs=[
        pl.BlockSpec((BLK, 4 * G), lambda i: (i, 0)),
        pl.BlockSpec((4 * G, 2 * G), lambda i: (0, 0)),
        pl.BlockSpec((BLK, 2 * G), lambda i: (i, 0)),
    ],
    out_specs=pl.BlockSpec((BLK, 2 * G), lambda i: (i, 0)),
    out_shape=jax.ShapeDtypeStruct((NPH, 2 * G), jnp.float32),
)


def _tc_mid_body(agg_ref, mns_ref, hp1_ref):
    a = jnp.maximum(agg_ref[0] + agg_ref[1], 0.0)
    hp1_ref[...] = a * mns_ref[...]


_tc_mid = pl.pallas_call(
    _tc_mid_body,
    grid=(NH // BLK,),
    in_specs=[
        pl.BlockSpec((2, BLK, 2 * G), lambda i: (0, i, 0)),
        pl.BlockSpec((BLK, 2 * G), lambda i: (i, 0)),
    ],
    out_specs=pl.BlockSpec((BLK, 2 * G), lambda i: (i, 0)),
    out_shape=jax.ShapeDtypeStruct((NPH, 2 * G), jnp.float32),
)


def _tc_post_body(agg_ref, ndp_ref, w1b_ref, h2_ref):
    a = (agg_ref[0] + agg_ref[1]) * ndp_ref[...]
    h2_ref[...] = jnp.dot(a, w1b_ref[...], preferred_element_type=jnp.float32)


_tc_post = pl.pallas_call(
    _tc_post_body,
    grid=(NH // BLK,),
    in_specs=[
        pl.BlockSpec((2, BLK, 2 * G), lambda i: (0, i, 0)),
        pl.BlockSpec((BLK, 2 * G), lambda i: (i, 0)),
        pl.BlockSpec((2 * G, 4 * G), lambda i: (0, 0)),
    ],
    out_specs=pl.BlockSpec((BLK, 4 * G), lambda i: (i, 0)),
    out_shape=jax.ShapeDtypeStruct((NH, 4 * G), jnp.float32),
)


def kernel(x_u, x_s, edge_index, W0, b0, W1, b1):
    src, dst = _tc_split(edge_index.astype(jnp.int32))
    zeros_d = jnp.zeros((NP,), jnp.float32)
    zeros_f = jnp.zeros((NP, G), jnp.float32)

    deg2 = _sc_degrees(src, dst, zeros_d)
    nd = lax.rsqrt(jnp.maximum(deg2[0][:N], 1.0))
    ns = lax.rsqrt(jnp.maximum(deg2[1][:N], 1.0))

    def packed(v):
        return jnp.broadcast_to(
            v.reshape(NH, 2, 1), (NH, 2, G)).reshape(NH, 2 * G)

    nsp = packed(ns)
    mnsp = packed(nd * ns)
    ndp = packed(nd)

    zc = jnp.zeros((2 * G, G), jnp.float32)
    w2 = jnp.concatenate([jnp.concatenate([W0, zc], 1),
                          jnp.concatenate([zc, W0], 1)], 0)

    def bd(a):
        z = jnp.zeros_like(a)
        return jnp.concatenate([jnp.concatenate([a, z], 1),
                                jnp.concatenate([z, a], 1)], 0)

    w1b = jnp.concatenate([bd(W1[:, :G]), bd(W1[:, G:])], 1)

    x2 = jnp.concatenate([x_u, x_s], 1).reshape(NH, 4 * G)
    xupk = x_u.reshape(NH, 2 * G)
    xspk = x_s.reshape(NH, 2 * G)

    hp0 = _tc_pre(x2, w2, nsp).reshape(NP, G)
    agg0 = _sc_edge_agg(hp0, src, dst, zeros_f).reshape(2, NPH, 2 * G)
    hp1 = _tc_mid(agg0, mnsp).reshape(NP, G)
    agg1 = _sc_edge_agg(hp1, src, dst, zeros_f).reshape(2, NPH, 2 * G)
    h2p = _tc_post(agg1, ndp, w1b)
    predp = h2p[:, :2 * G] * xupk + h2p[:, 2 * G:] * xspk
    return predp.reshape(N, G)

# --- scband reference (transcript-rebuilt; emitter-appended) ---
"""Pipeline reference for scband-gcn-1649267442174 (READ-ONLY COPY).

The authoritative reference and input builder live on the scoring server;
editing this copy changes nothing except your own understanding.
"""

import jax, jax.numpy as jnp
import numpy as np

N_NODES = 10000
N_EDGES = 320000
N_GENES = 64
HIDDEN = 64


def setup_inputs(seed: int = 0) -> dict:
    key = jax.random.key(seed)
    k1, k2, k3, k4, k5, k6, k7 = jax.random.split(key, 7)
    x_u = jax.random.normal(k1, (N_NODES, N_GENES), dtype=jnp.float32)
    x_s = jax.random.normal(k2, (N_NODES, N_GENES), dtype=jnp.float32)
    edge_index = jax.random.randint(k3, (2, N_EDGES), 0, N_NODES, dtype=jnp.int64)
    d_in = 2 * N_GENES
    W0 = jax.random.normal(k4, (d_in, HIDDEN), dtype=jnp.float32) * 0.05
    b0 = jnp.zeros((HIDDEN,), dtype=jnp.float32)
    W1 = jax.random.normal(k5, (HIDDEN, d_in), dtype=jnp.float32) * 0.05
    b1 = jnp.zeros((d_in,), dtype=jnp.float32)
    return {"x_u": x_u, "x_s": x_s, "edge_index": edge_index,
            "W0": W0, "b0": b0, "W1": W1, "b1": b1}


def _graph_conv(h, W, b, src, dst, norm_src, norm_dst, activation):
    # DGL GraphConv with norm='both': D_dst^{-1/2} A D_src^{-1/2} (h W) + b
    h = h * norm_src[:, None]
    h = h @ W
    agg = jax.ops.segment_sum(h[src], dst, num_segments=N_NODES)
    out = agg * norm_dst[:, None] + b
    if activation is not None:
        out = activation(out)
    return out


def reference(x_u, x_s, edge_index, W0, b0, W1, b1):
    src = edge_index[0]
    dst = edge_index[1]
    ones = jnp.ones((N_EDGES,), dtype=jnp.float32)
    deg_out = jax.ops.segment_sum(ones, src, num_segments=N_NODES)
    deg_in = jax.ops.segment_sum(ones, dst, num_segments=N_NODES)
    norm_src = jnp.clip(deg_out, 1.0, None) ** -0.5
    norm_dst = jnp.clip(deg_in, 1.0, None) ** -0.5
    n_gene = x_u.shape[1]
    h = jnp.concatenate([x_u, x_s], axis=1)
    h = _graph_conv(h, W0, b0, src, dst, norm_src, norm_dst, jax.nn.relu)
    h = _graph_conv(h, W1, b1, src, dst, norm_src, norm_dst, None)
    beta = h[:, 0:n_gene]
    gamma = h[:, n_gene:2 * n_gene]
    pred = beta * x_u + gamma * x_s
    return pred

if __name__ == "__main__":
    import jax
    _d = setup_inputs()
    print(jax.jit(kernel)(*tuple(_d.values())))

</pallas_src>

<mosaic_0001>
#map = affine_map<(d0, d1) -> (0, 0)>
#map1 = affine_map<(d0, d1) -> (0)>
#map2 = affine_map<(d0, d1) -> (0, 0, 0)>
module attributes {stable_mosaic.version = 14 : i64} {
  func.func @_sc_edge_agg(%arg0: i32, %arg1: i32, %arg2: memref<10240x64xf32, #tpu.memory_space<hbm>>, %arg3: memref<320000xi32, #tpu.memory_space<hbm>>, %arg4: memref<320000xi32, #tpu.memory_space<hbm>>, %arg5: memref<10240x64xf32, #tpu.memory_space<hbm>>, %arg6: memref<2x10240x64xf32, #tpu.memory_space<hbm>>, %arg7: memref<10000xi32, #tpu.memory_space<vmem>>, %arg8: memref<10000xi32, #tpu.memory_space<vmem>>, %arg9: memref<5x80x64xf32, #tpu.memory_space<vmem>>, %arg10: memref<10240x64xf32, #tpu.memory_space<vmem_shared>>, %arg11: memref<5x!tpu.dma_semaphore, #tpu.memory_space<semaphore_mem>>) attributes {dimension_semantics = [#tpu.dimension_semantics<core_parallel>, #tpu.dimension_semantics<subcore_parallel>], iteration_bounds = array<i64: 2, 16>, scalar_prefetch = 0 : i64, scratch_operands = 5 : i64, tpu.core_type = #tpu.core_type<sc_vector_subcore>, window_params = [{transform_indices = #map}, {transform_indices = #map1}, {transform_indices = #map1}, {transform_indices = #map}, {transform_indices = #map2}]} {
    %mul3A = arith.constant 2 : i32
    %mul3A_0 = arith.muli %arg1, %mul3A : i32
    %add3A = arith.addi %mul3A_0, %arg0 : i32
    %mul3A_1 = arith.constant 640 : i32
    %mul3A_2 = arith.muli %arg1, %mul3A_1 : i32
    %mul3A_3 = arith.constant 10000 : i32
    %mul3A_4 = arith.muli %add3A, %mul3A_3 : i32
    "tpu.region"() ({
      %run_scoped3A = tpu.sem_alloc : memref<!tpu.dma_semaphore, #tpu.memory_space<semaphore_mem>>
      %dma_start3A_77 = tpu.memref_slice %arg3[%mul3A_4] : memref<320000xi32, #tpu.memory_space<hbm>> -> memref<10000xi32, #tpu.memory_space<hbm>>
      %dma_start3A_78 = tpu.memref_slice %arg3[%mul3A_4] : memref<320000xi32, #tpu.memory_space<hbm>> -> memref<10000xi32, #tpu.memory_space<hbm>>
      tpu.enqueue_dma source(%dma_start3A_78 : memref<10000xi32, #tpu.memory_space<hbm>>) target(%arg7 : memref<10000xi32, #tpu.memory_space<vmem>>) target_semaphore(%run_scoped3A : memref<!tpu.dma_semaphore, #tpu.memory_space<semaphore_mem>>)
      %dma_wait3A = tpu.memref_slice %arg3[%mul3A_4] : memref<320000xi32, #tpu.memory_space<hbm>> -> memref<10000xi32, #tpu.memory_space<hbm>>
      %dma_wait3A_79 = tpu.memref_slice %arg3[%mul3A_4] : memref<320000xi32, #tpu.memory_space<hbm>> -> memref<10000xi32, #tpu.memory_space<hbm>>
      tpu.wait_dma2 semaphore(%run_scoped3A : memref<!tpu.dma_semaphore, #tpu.memory_space<semaphore_mem>>) src(%dma_wait3A_79 : memref<10000xi32, #tpu.memory_space<hbm>>) dst(%arg7 : memref<10000xi32, #tpu.memory_space<vmem>>)
      tpu.yield
    }) : () -> ()
    %mul3A_5 = arith.constant 10000 : i32
    %mul3A_6 = arith.muli %add3A, %mul3A_5 : i32
    "tpu.region"() ({
      %run_scoped3A = tpu.sem_alloc : memref<!tpu.dma_semaphore, #tpu.memory_space<semaphore_mem>>
      %dma_start3A_77 = tpu.memref_slice %arg4[%mul3A_6] : memref<320000xi32, #tpu.memory_space<hbm>> -> memref<10000xi32, #tpu.memory_space<hbm>>
      %dma_start3A_78 = tpu.memref_slice %arg4[%mul3A_6] : memref<320000xi32, #tpu.memory_space<hbm>> -> memref<10000xi32, #tpu.memory_space<hbm>>
      tpu.enqueue_dma source(%dma_start3A_78 : memref<10000xi32, #tpu.memory_space<hbm>>) target(%arg8 : memref<10000xi32, #tpu.memory_space<vmem>>) target_semaphore(%run_scoped3A : memref<!tpu.dma_semaphore, #tpu.memory_space<semaphore_mem>>)
      %dma_wait3A = tpu.memref_slice %arg4[%mul3A_6] : memref<320000xi32, #tpu.memory_space<hbm>> -> memref<10000xi32, #tpu.memory_space<hbm>>
      %dma_wait3A_79 = tpu.memref_slice %arg4[%mul3A_6] : memref<320000xi32, #tpu.memory_space<hbm>> -> memref<10000xi32, #tpu.memory_space<hbm>>
      tpu.wait_dma2 semaphore(%run_scoped3A : memref<!tpu.dma_semaphore, #tpu.memory_space<semaphore_mem>>) src(%dma_wait3A_79 : memref<10000xi32, #tpu.memory_space<hbm>>) dst(%arg8 : memref<10000xi32, #tpu.memory_space<vmem>>)
      tpu.yield
    }) : () -> ()
    "tpu.region"() ({
      %run_scoped3A = tpu.sem_alloc : memref<!tpu.dma_semaphore, #tpu.memory_space<semaphore_mem>>
      %dma_start3A_77 = arith.constant 0 : i32
      %dma_start3A_78 = tpu.memref_slice %arg10[%mul3A_2, %dma_start3A_77] : memref<10240x64xf32, #tpu.memory_space<vmem_shared>> -> memref<640x64xf32, #tpu.memory_space<vmem_shared>>
      %dma_start3A_79 = arith.constant 0 : i32
      %dma_start3A_80 = tpu.memref_slice %arg5[%mul3A_2, %dma_start3A_79] : memref<10240x64xf32, #tpu.memory_space<hbm>> -> memref<640x64xf32, #tpu.memory_space<hbm>>
      tpu.enqueue_dma source(%dma_start3A_80 : memref<640x64xf32, #tpu.memory_space<hbm>>) target(%dma_start3A_78 : memref<640x64xf32, #tpu.memory_space<vmem_shared>>) target_semaphore(%run_scoped3A : memref<!tpu.dma_semaphore, #tpu.memory_space<semaphore_mem>>)
      %dma_wait3A = arith.constant 0 : i32
      %dma_wait3A_81 = tpu.memref_slice %arg10[%mul3A_2, %dma_wait3A] : memref<10240x64xf32, #tpu.memory_space<vmem_shared>> -> memref<640x64xf32, #tpu.memory_space<vmem_shared>>
      %dma_wait3A_82 = arith.constant 0 : i32
      %dma_wait3A_83 = tpu.memref_slice %arg5[%mul3A_2, %dma_wait3A_82] : memref<10240x64xf32, #tpu.memory_space<hbm>> -> memref<640x64xf32, #tpu.memory_space<hbm>>
      tpu.wait_dma2 semaphore(%run_scoped3A : memref<!tpu.dma_semaphore, #tpu.memory_space<semaphore_mem>>) src(%dma_wait3A_83 : memref<640x64xf32, #tpu.memory_space<hbm>>) dst(%dma_wait3A_81 : memref<640x64xf32, #tpu.memory_space<vmem_shared>>)
      tpu.yield
    }) : () -> ()
    %barrier3A = arith.constant 0 : index
    tpu.barrier barrier_id(%barrier3A)
    %dma_start3A = arith.constant 0 : i32
    %dma_start3A_7 = arith.constant 0 : i32
    %dma_start3A_8 = arith.constant 0 : i32
    %dma_start3A_9 = arith.constant 0 : i32
    %dma_start3A_10 = tpu.memref_slice %arg9[%dma_start3A, %dma_start3A_8, %dma_start3A_9] : memref<5x80x64xf32, #tpu.memory_space<vmem>> -> memref<1x80x64xf32, #tpu.memory_space<vmem>>
    %dma_start3A_11 = tpu.memref_squeeze %dma_start3A_10 : memref<1x80x64xf32, #tpu.memory_space<vmem>> -> memref<80x64xf32, #tpu.memory_space<vmem>>
    %dma_start3A_12 = arith.constant 0 : i32
    %dma_start3A_13 = tpu.memref_slice %arg7[%dma_start3A_12] : memref<10000xi32, #tpu.memory_space<vmem>> -> memref<80xi32, #tpu.memory_space<vmem>>
    %dma_start3A_14 = arith.constant 0 : i32
    %dma_start3A_15 = arith.constant 0 : i32
    %dma_start3A_16 = tpu.memref_slice %arg2[%dma_start3A_14, %dma_start3A_15] : memref<10240x64xf32, #tpu.memory_space<hbm>> -> memref<10240x64xf32, #tpu.memory_space<hbm>>
    %dma_start3A_17 = tpu.memref_slice %arg11[%dma_start3A_7] : memref<5x!tpu.dma_semaphore, #tpu.memory_space<semaphore_mem>> -> memref<1x!tpu.dma_semaphore, #tpu.memory_space<semaphore_mem>>
    %dma_start3A_18 = tpu.memref_squeeze %dma_start3A_17 : memref<1x!tpu.dma_semaphore, #tpu.memory_space<semaphore_mem>> -> memref<!tpu.dma_semaphore, #tpu.memory_space<semaphore_mem>>
    tpu.enqueue_indirect_dma source(%dma_start3A_16 : memref<10240x64xf32, #tpu.memory_space<hbm>>) target(%dma_start3A_11 : memref<80x64xf32, #tpu.memory_space<vmem>>) offsets(%dma_start3A_13 : memref<80xi32, #tpu.memory_space<vmem>>) semaphore(%dma_start3A_18 : memref<!tpu.dma_semaphore, #tpu.memory_space<semaphore_mem>>)
    %dma_start3A_19 = arith.constant 1 : i32
    %dma_start3A_20 = arith.constant 1 : i32
    %dma_start3A_21 = arith.constant 0 : i32
    %dma_start3A_22 = arith.constant 0 : i32
    %dma_start3A_23 = tpu.memref_slice %arg9[%dma_start3A_19, %dma_start3A_21, %dma_start3A_22] : memref<5x80x64xf32, #tpu.memory_space<vmem>> -> memref<1x80x64xf32, #tpu.memory_space<vmem>>
    %dma_start3A_24 = tpu.memref_squeeze %dma_start3A_23 : memref<1x80x64xf32, #tpu.memory_space<vmem>> -> memref<80x64xf32, #tpu.memory_space<vmem>>
    %dma_start3A_25 = arith.constant 80 : i32
    %dma_start3A_26 = tpu.memref_slice %arg7[%dma_start3A_25] : memref<10000xi32, #tpu.memory_space<vmem>> -> memref<80xi32, #tpu.memory_space<vmem>>
    %dma_start3A_27 = arith.constant 0 : i32
    %dma_start3A_28 = arith.constant 0 : i32
    %dma_start3A_29 = tpu.memref_slice %arg2[%dma_start3A_27, %dma_start3A_28] : memref<10240x64xf32, #tpu.memory_space<hbm>> -> memref<10240x64xf32, #tpu.memory_space<hbm>>
    %dma_start3A_30 = tpu.memref_slice %arg11[%dma_start3A_20] : memref<5x!tpu.dma_semaphore, #tpu.memory_space<semaphore_mem>> -> memref<1x!tpu.dma_semaphore, #tpu.memory_space<semaphore_mem>>
    %dma_start3A_31 = tpu.memref_squeeze %dma_start3A_30 : memref<1x!tpu.dma_semaphore, #tpu.memory_space<semaphore_mem>> -> memref<!tpu.dma_semaphore, #tpu.memory_space<semaphore_mem>>
    tpu.enqueue_indirect_dma source(%dma_start3A_29 : memref<10240x64xf32, #tpu.memory_space<hbm>>) target(%dma_start3A_24 : memref<80x64xf32, #tpu.memory_space<vmem>>) offsets(%dma_start3A_26 : memref<80xi32, #tpu.memory_space<vmem>>) semaphore(%dma_start3A_31 : memref<!tpu.dma_semaphore, #tpu.memory_space<semaphore_mem>>)
    %dma_start3A_32 = arith.constant 2 : i32
    %dma_start3A_33 = arith.constant 2 : i32
    %dma_start3A_34 = arith.constant 0 : i32
    %dma_start3A_35 = arith.constant 0 : i32
    %dma_start3A_36 = tpu.memref_slice %arg9[%dma_start3A_32, %dma_start3A_34, %dma_start3A_35] : memref<5x80x64xf32, #tpu.memory_space<vmem>> -> memref<1x80x64xf32, #tpu.memory_space<vmem>>
    %dma_start3A_37 = tpu.memref_squeeze %dma_start3A_36 : memref<1x80x64xf32, #tpu.memory_space<vmem>> -> memref<80x64xf32, #tpu.memory_space<vmem>>
    %dma_start3A_38 = arith.constant 160 : i32
    %dma_start3A_39 = tpu.memref_slice %arg7[%dma_start3A_38] : memref<10000xi32, #tpu.memory_space<vmem>> -> memref<80xi32, #tpu.memory_space<vmem>>
    %dma_start3A_40 = arith.constant 0 : i32
    %dma_start3A_41 = arith.constant 0 : i32
    %dma_start3A_42 = tpu.memref_slice %arg2[%dma_start3A_40, %dma_start3A_41] : memref<10240x64xf32, #tpu.memory_space<hbm>> -> memref<10240x64xf32, #tpu.memory_space<hbm>>
    %dma_start3A_43 = tpu.memref_slice %arg11[%dma_start3A_33] : memref<5x!tpu.dma_semaphore, #tpu.memory_space<semaphore_mem>> -> memref<1x!tpu.dma_semaphore, #tpu.memory_space<semaphore_mem>>
    %dma_start3A_44 = tpu.memref_squeeze %dma_start3A_43 : memref<1x!tpu.dma_semaphore, #tpu.memory_space<semaphore_mem>> -> memref<!tpu.dma_semaphore, #tpu.memory_space<semaphore_mem>>
    tpu.enqueue_indirect_dma source(%dma_start3A_42 : memref<10240x64xf32, #tpu.memory_space<hbm>>) target(%dma_start3A_37 : memref<80x64xf32, #tpu.memory_space<vmem>>) offsets(%dma_start3A_39 : memref<80xi32, #tpu.memory_space<vmem>>) semaphore(%dma_start3A_44 : memref<!tpu.dma_semaphore, #tpu.memory_space<semaphore_mem>>)
    %dma_start3A_45 = arith.constant 3 : i32
    %dma_start3A_46 = arith.constant 3 : i32
    %dma_start3A_47 = arith.constant 0 : i32
    %dma_start3A_48 = arith.constant 0 : i32
    %dma_start3A_49 = tpu.memref_slice %arg9[%dma_start3A_45, %dma_start3A_47, %dma_start3A_48] : memref<5x80x64xf32, #tpu.memory_space<vmem>> -> memref<1x80x64xf32, #tpu.memory_space<vmem>>
    %dma_start3A_50 = tpu.memref_squeeze %dma_start3A_49 : memref<1x80x64xf32, #tpu.memory_space<vmem>> -> memref<80x64xf32, #tpu.memory_space<vmem>>
    %dma_start3A_51 = arith.constant 240 : i32
    %dma_start3A_52 = tpu.memref_slice %arg7[%dma_start3A_51] : memref<10000xi32, #tpu.memory_space<vmem>> -> memref<80xi32, #tpu.memory_space<vmem>>
    %dma_start3A_53 = arith.constant 0 : i32
    %dma_start3A_54 = arith.constant 0 : i32
    %dma_start3A_55 = tpu.memref_slice %arg2[%dma_start3A_53, %dma_start3A_54] : memref<10240x64xf32, #tpu.memory_space<hbm>> -> memref<10240x64xf32, #tpu.memory_space<hbm>>
    %dma_start3A_56 = tpu.memref_slice %arg11[%dma_start3A_46] : memref<5x!tpu.dma_semaphore, #tpu.memory_space<semaphore_mem>> -> memref<1x!tpu.dma_semaphore, #tpu.memory_space<semaphore_mem>>
    %dma_start3A_57 = tpu.memref_squeeze %dma_start3A_56 : memref<1x!tpu.dma_semaphore, #tpu.memory_space<semaphore_mem>> -> memref<!tpu.dma_semaphore, #tpu.memory_space<semaphore_mem>>
    tpu.enqueue_indirect_dma source(%dma_start3A_55 : memref<10240x64xf32, #tpu.memory_space<hbm>>) target(%dma_start3A_50 : memref<80x64xf32, #tpu.memory_space<vmem>>) offsets(%dma_start3A_52 : memref<80xi32, #tpu.memory_space<vmem>>) semaphore(%dma_start3A_57 : memref<!tpu.dma_semaphore, #tpu.memory_space<semaphore_mem>>)
    %dma_start3A_58 = arith.constant 4 : i32
    %dma_start3A_59 = arith.constant 4 : i32
    %dma_start3A_60 = arith.constant 0 : i32
    %dma_start3A_61 = arith.constant 0 : i32
    %dma_start3A_62 = tpu.memref_slice %arg9[%dma_start3A_58, %dma_start3A_60, %dma_start3A_61] : memref<5x80x64xf32, #tpu.memory_space<vmem>> -> memref<1x80x64xf32, #tpu.memory_space<vmem>>
    %dma_start3A_63 = tpu.memref_squeeze %dma_start3A_62 : memref<1x80x64xf32, #tpu.memory_space<vmem>> -> memref<80x64xf32, #tpu.memory_space<vmem>>
    %dma_start3A_64 = arith.constant 320 : i32
    %dma_start3A_65 = tpu.memref_slice %arg7[%dma_start3A_64] : memref<10000xi32, #tpu.memory_space<vmem>> -> memref<80xi32, #tpu.memory_space<vmem>>
    %dma_start3A_66 = arith.constant 0 : i32
    %dma_start3A_67 = arith.constant 0 : i32
    %dma_start3A_68 = tpu.memref_slice %arg2[%dma_start3A_66, %dma_start3A_67] : memref<10240x64xf32, #tpu.memory_space<hbm>> -> memref<10240x64xf32, #tpu.memory_space<hbm>>
    %dma_start3A_69 = tpu.memref_slice %arg11[%dma_start3A_59] : memref<5x!tpu.dma_semaphore, #tpu.memory_space<semaphore_mem>> -> memref<1x!tpu.dma_semaphore, #tpu.memory_space<semaphore_mem>>
    %dma_start3A_70 = tpu.memref_squeeze %dma_start3A_69 : memref<1x!tpu.dma_semaphore, #tpu.memory_space<semaphore_mem>> -> memref<!tpu.dma_semaphore, #tpu.memory_space<semaphore_mem>>
    tpu.enqueue_indirect_dma source(%dma_start3A_68 : memref<10240x64xf32, #tpu.memory_space<hbm>>) target(%dma_start3A_63 : memref<80x64xf32, #tpu.memory_space<vmem>>) offsets(%dma_start3A_65 : memref<80xi32, #tpu.memory_space<vmem>>) semaphore(%dma_start3A_70 : memref<!tpu.dma_semaphore, #tpu.memory_space<semaphore_mem>>)
    %scan3A = arith.constant 0 : i32
    %scan3A_71 = arith.constant 0 : i32
    %scan3A_72 = arith.constant 25 : i32
    %scan3A_73 = arith.addi %scan3A_71, %scan3A_72 : i32
    %scan3A_74 = arith.constant 1 : i32
    scf.for %scan3A_77 = %scan3A_71 to %scan3A_73 step %scan3A_74  : i32 {
      %mul3A_78 = arith.constant 5 : i32
      %mul3A_79 = arith.muli %scan3A_77, %mul3A_78 : i32
      %add3A_80 = arith.constant 0 : i32
      %add3A_81 = arith.addi %mul3A_79, %add3A_80 : i32
      %mul3A_82 = arith.constant 80 : i32
      %mul3A_83 = arith.muli %add3A_81, %mul3A_82 : i32
      %dma_wait3A = arith.constant 0 : i32
      %dma_wait3A_84 = arith.constant 0 : i32
      %dma_wait3A_85 = arith.constant 0 : i32
      %dma_wait3A_86 = arith.constant 0 : i32
      %dma_wait3A_87 = tpu.memref_slice %arg9[%dma_wait3A, %dma_wait3A_85, %dma_wait3A_86] : memref<5x80x64xf32, #tpu.memory_space<vmem>> -> memref<1x80x64xf32, #tpu.memory_space<vmem>>
      %dma_wait3A_88 = tpu.memref_squeeze %dma_wait3A_87 : memref<1x80x64xf32, #tpu.memory_space<vmem>> -> memref<80x64xf32, #tpu.memory_space<vmem>>
      %dma_wait3A_89 = tpu.memref_slice %arg7[%mul3A_83] : memref<10000xi32, #tpu.memory_space<vmem>> -> memref<80xi32, #tpu.memory_space<vmem>>
      %dma_wait3A_90 = arith.constant 0 : i32
      %dma_wait3A_91 = arith.constant 0 : i32
      %dma_wait3A_92 = tpu.memref_slice %arg2[%dma_wait3A_90, %dma_wait3A_91] : memref<10240x64xf32, #tpu.memory_space<hbm>> -> memref<10240x64xf32, #tpu.memory_space<hbm>>
      %dma_wait3A_93 = tpu.memref_slice %arg11[%dma_wait3A_84] : memref<5x!tpu.dma_semaphore, #tpu.memory_space<semaphore_mem>> -> memref<1x!tpu.dma_semaphore, #tpu.memory_space<semaphore_mem>>
      %dma_wait3A_94 = tpu.memref_squeeze %dma_wait3A_93 : memref<1x!tpu.dma_semaphore, #tpu.memory_space<semaphore_mem>> -> memref<!tpu.dma_semaphore, #tpu.memory_space<semaphore_mem>>
      tpu.wait_indirect_dma semaphore(%dma_wait3A_94 : memref<!tpu.dma_semaphore, #tpu.memory_space<semaphore_mem>>) src(%dma_wait3A_92 : memref<10240x64xf32, #tpu.memory_space<hbm>>) dst(%dma_wait3A_88 : memref<80x64xf32, #tpu.memory_space<vmem>>)
      %run_scoped3A = arith.constant 0 : i32
      "tpu.region"() ({
        %run_scoped3A_203 = tpu.sem_alloc : memref<!tpu.dma_semaphore, #tpu.memory_space<semaphore_mem>>
        %dma_start3A_204 = arith.constant 0 : i32
        %dma_start3A_205 = arith.constant 0 : i32
        %dma_start3A_206 = tpu.memref_slice %arg9[%run_scoped3A, %dma_start3A_204, %dma_start3A_205] : memref<5x80x64xf32, #tpu.memory_space<vmem>> -> memref<1x80x64xf32, #tpu.memory_space<vmem>>
        %dma_start3A_207 = tpu.memref_squeeze %dma_start3A_206 : memref<1x80x64xf32, #tpu.memory_space<vmem>> -> memref<80x64xf32, #tpu.memory_space<vmem>>
        %dma_start3A_208 = tpu.memref_slice %arg8[%mul3A_83] : memref<10000xi32, #tpu.memory_space<vmem>> -> memref<80xi32, #tpu.memory_space<vmem>>
        %dma_start3A_209 = arith.constant 0 : i32
        %dma_start3A_210 = arith.constant 0 : i32
        %dma_start3A_211 = tpu.memref_slice %arg10[%dma_start3A_209, %dma_start3A_210] : memref<10240x64xf32, #tpu.memory_space<vmem_shared>> -> memref<10240x64xf32, #tpu.memory_space<vmem_shared>>
        tpu.enqueue_indirect_dma source(%dma_start3A_207 : memref<80x64xf32, #tpu.memory_space<vmem>>) target(%dma_start3A_211 : memref<10240x64xf32, #tpu.memory_space<vmem_shared>>) offsets(%dma_start3A_208 : memref<80xi32, #tpu.memory_space<vmem>>) semaphore(%run_scoped3A_203 : memref<!tpu.dma_semaphore, #tpu.memory_space<semaphore_mem>>) {add = true}
        %dma_wait3A_212 = arith.constant 0 : i32
        %dma_wait3A_213 = arith.constant 0 : i32
        %dma_wait3A_214 = tpu.memref_slice %arg9[%run_scoped3A, %dma_wait3A_212, %dma_wait3A_213] : memref<5x80x64xf32, #tpu.memory_space<vmem>> -> memref<1x80x64xf32, #tpu.memory_space<vmem>>
        %dma_wait3A_215 = tpu.memref_squeeze %dma_wait3A_214 : memref<1x80x64xf32, #tpu.memory_space<vmem>> -> memref<80x64xf32, #tpu.memory_space<vmem>>
        %dma_wait3A_216 = tpu.memref_slice %arg8[%mul3A_83] : memref<10000xi32, #tpu.memory_space<vmem>> -> memref<80xi32, #tpu.memory_space<vmem>>
        %dma_wait3A_217 = arith.constant 0 : i32
        %dma_wait3A_218 = arith.constant 0 : i32
        %dma_wait3A_219 = tpu.memref_slice %arg10[%dma_wait3A_217, %dma_wait3A_218] : memref<10240x64xf32, #tpu.memory_space<vmem_shared>> -> memref<10240x64xf32, #tpu.memory_space<vmem_shared>>
        tpu.wait_indirect_dma semaphore(%run_scoped3A_203 : memref<!tpu.dma_semaphore, #tpu.memory_space<semaphore_mem>>) src(%dma_wait3A_215 : memref<80x64xf32, #tpu.memory_space<vmem>>) dst(%dma_wait3A_219 : memref<10240x64xf32, #tpu.memory_space<vmem_shared>>)
        tpu.yield
      }) : () -> ()
      %add3A_95 = arith.constant 400 : i32
      %add3A_96 = arith.addi %mul3A_83, %add3A_95 : i32
      %lt3A = arith.constant 10000 : i32
      %lt3A_97 = arith.cmpi slt, %add3A_96, %lt3A : i32
      %convert_element_type3A = arith.extui %lt3A_97 : i1 to i32
      %cond3A = arith.constant 0 : i32
      %cond3A_98 = arith.cmpi ne, %convert_element_type3A, %cond3A : i32
      scf.if %cond3A_98 {
        %dma_start3A_203 = arith.constant 0 : i32
        %dma_start3A_204 = arith.constant 0 : i32
        %dma_start3A_205 = arith.constant 0 : i32
        %dma_start3A_206 = arith.constant 0 : i32
        %dma_start3A_207 = tpu.memref_slice %arg9[%dma_start3A_203, %dma_start3A_205, %dma_start3A_206] : memref<5x80x64xf32, #tpu.memory_space<vmem>> -> memref<1x80x64xf32, #tpu.memory_space<vmem>>
        %dma_start3A_208 = tpu.memref_squeeze %dma_start3A_207 : memref<1x80x64xf32, #tpu.memory_space<vmem>> -> memref<80x64xf32, #tpu.memory_space<vmem>>
        %dma_start3A_209 = tpu.memref_slice %arg7[%add3A_96] : memref<10000xi32, #tpu.memory_space<vmem>> -> memref<80xi32, #tpu.memory_space<vmem>>
        %dma_start3A_210 = arith.constant 0 : i32
        %dma_start3A_211 = arith.constant 0 : i32
        %dma_start3A_212 = tpu.memref_slice %arg2[%dma_start3A_210, %dma_start3A_211] : memref<10240x64xf32, #tpu.memory_space<hbm>> -> memref<10240x64xf32, #tpu.memory_space<hbm>>
        %dma_start3A_213 = tpu.memref_slice %arg11[%dma_start3A_204] : memref<5x!tpu.dma_semaphore, #tpu.memory_space<semaphore_mem>> -> memref<1x!tpu.dma_semaphore, #tpu.memory_space<semaphore_mem>>
        %dma_start3A_214 = tpu.memref_squeeze %dma_start3A_213 : memref<1x!tpu.dma_semaphore, #tpu.memory_space<semaphore_mem>> -> memref<!tpu.dma_semaphore, #tpu.memory_space<semaphore_mem>>
        tpu.enqueue_indirect_dma source(%dma_start3A_212 : memref<10240x64xf32, #tpu.memory_space<hbm>>) target(%dma_start3A_208 : memref<80x64xf32, #tpu.memory_space<vmem>>) offsets(%dma_start3A_209 : memref<80xi32, #tpu.memory_space<vmem>>) semaphore(%dma_start3A_214 : memref<!tpu.dma_semaphore, #tpu.memory_space<semaphore_mem>>)
      } else {
      }
      %mul3A_99 = arith.constant 5 : i32
      %mul3A_100 = arith.muli %scan3A_77, %mul3A_99 : i32
      %add3A_101 = arith.constant 1 : i32
      %add3A_102 = arith.addi %mul3A_100, %add3A_101 : i32
      %mul3A_103 = arith.constant 80 : i32
      %mul3A_104 = arith.muli %add3A_102, %mul3A_103 : i32
      %dma_wait3A_105 = arith.constant 1 : i32
      %dma_wait3A_106 = arith.constant 1 : i32
      %dma_wait3A_107 = arith.constant 0 : i32
      %dma_wait3A_108 = arith.constant 0 : i32
      %dma_wait3A_109 = tpu.memref_slice %arg9[%dma_wait3A_105, %dma_wait3A_107, %dma_wait3A_108] : memref<5x80x64xf32, #tpu.memory_space<vmem>> -> memref<1x80x64xf32, #tpu.memory_space<vmem>>
      %dma_wait3A_110 = tpu.memref_squeeze %dma_wait3A_109 : memref<1x80x64xf32, #tpu.memory_space<vmem>> -> memref<80x64xf32, #tpu.memory_space<vmem>>
      %dma_wait3A_111 = tpu.memref_slice %arg7[%mul3A_104] : memref<10000xi32, #tpu.memory_space<vmem>> -> memref<80xi32, #tpu.memory_space<vmem>>
      %dma_wait3A_112 = arith.constant 0 : i32
      %dma_wait3A_113 = arith.constant 0 : i32
      %dma_wait3A_114 = tpu.memref_slice %arg2[%dma_wait3A_112, %dma_wait3A_113] : memref<10240x64xf32, #tpu.memory_space<hbm>> -> memref<10240x64xf32, #tpu.memory_space<hbm>>
      %dma_wait3A_115 = tpu.memref_slice %arg11[%dma_wait3A_106] : memref<5x!tpu.dma_semaphore, #tpu.memory_space<semaphore_mem>> -> memref<1x!tpu.dma_semaphore, #tpu.memory_space<semaphore_mem>>
      %dma_wait3A_116 = tpu.memref_squeeze %dma_wait3A_115 : memref<1x!tpu.dma_semaphore, #tpu.memory_space<semaphore_mem>> -> memref<!tpu.dma_semaphore, #tpu.memory_space<semaphore_mem>>
      tpu.wait_indirect_dma semaphore(%dma_wait3A_116 : memref<!tpu.dma_semaphore, #tpu.memory_space<semaphore_mem>>) src(%dma_wait3A_114 : memref<10240x64xf32, #tpu.memory_space<hbm>>) dst(%dma_wait3A_110 : memref<80x64xf32, #tpu.memory_space<vmem>>)
      %run_scoped3A_117 = arith.constant 1 : i32
      "tpu.region"() ({
        %run_scoped3A_203 = tpu.sem_alloc : memref<!tpu.dma_semaphore, #tpu.memory_space<semaphore_mem>>
        %dma_start3A_204 = arith.constant 0 : i32
        %dma_start3A_205 = arith.constant 0 : i32
        %dma_start3A_206 = tpu.memref_slice %arg9[%run_scoped3A_117, %dma_start3A_204, %dma_start3A_205] : memref<5x80x64xf32, #tpu.memory_space<vmem>> -> memref<1x80x64xf32, #tpu.memory_space<vmem>>
        %dma_start3A_207 = tpu.memref_squeeze %dma_start3A_206 : memref<1x80x64xf32, #tpu.memory_space<vmem>> -> memref<80x64xf32, #tpu.memory_space<vmem>>
        %dma_start3A_208 = tpu.memref_slice %arg8[%mul3A_104] : memref<10000xi32, #tpu.memory_space<vmem>> -> memref<80xi32, #tpu.memory_space<vmem>>
        %dma_start3A_209 = arith.constant 0 : i32
        %dma_start3A_210 = arith.constant 0 : i32
        %dma_start3A_211 = tpu.memref_slice %arg10[%dma_start3A_209, %dma_start3A_210] : memref<10240x64xf32, #tpu.memory_space<vmem_shared>> -> memref<10240x64xf32, #tpu.memory_space<vmem_shared>>
        tpu.enqueue_indirect_dma source(%dma_start3A_207 : memref<80x64xf32, #tpu.memory_space<vmem>>) target(%dma_start3A_211 : memref<10240x64xf32, #tpu.memory_space<vmem_shared>>) offsets(%dma_start3A_208 : memref<80xi32, #tpu.memory_space<vmem>>) semaphore(%run_scoped3A_203 : memref<!tpu.dma_semaphore, #tpu.memory_space<semaphore_mem>>) {add = true}
        %dma_wait3A_212 = arith.constant 0 : i32
        %dma_wait3A_213 = arith.constant 0 : i32
        %dma_wait3A_214 = tpu.memref_slice %arg9[%run_scoped3A_117, %dma_wait3A_212, %dma_wait3A_213] : memref<5x80x64xf32, #tpu.memory_space<vmem>> -> memref<1x80x64xf32, #tpu.memory_space<vmem>>
        %dma_wait3A_215 = tpu.memref_squeeze %dma_wait3A_214 : memref<1x80x64xf32, #tpu.memory_space<vmem>> -> memref<80x64xf32, #tpu.memory_space<vmem>>
        %dma_wait3A_216 = tpu.memref_slice %arg8[%mul3A_104] : memref<10000xi32, #tpu.memory_space<vmem>> -> memref<80xi32, #tpu.memory_space<vmem>>
        %dma_wait3A_217 = arith.constant 0 : i32
        %dma_wait3A_218 = arith.constant 0 : i32
        %dma_wait3A_219 = tpu.memref_slice %arg10[%dma_wait3A_217, %dma_wait3A_218] : memref<10240x64xf32, #tpu.memory_space<vmem_shared>> -> memref<10240x64xf32, #tpu.memory_space<vmem_shared>>
        tpu.wait_indirect_dma semaphore(%run_scoped3A_203 : memref<!tpu.dma_semaphore, #tpu.memory_space<semaphore_mem>>) src(%dma_wait3A_215 : memref<80x64xf32, #tpu.memory_space<vmem>>) dst(%dma_wait3A_219 : memref<10240x64xf32, #tpu.memory_space<vmem_shared>>)
        tpu.yield
      }) : () -> ()
      %add3A_118 = arith.constant 400 : i32
      %add3A_119 = arith.addi %mul3A_104, %add3A_118 : i32
      %lt3A_120 = arith.constant 10000 : i32
      %lt3A_121 = arith.cmpi slt, %add3A_119, %lt3A_120 : i32
      %convert_element_type3A_122 = arith.extui %lt3A_121 : i1 to i32
      %cond3A_123 = arith.constant 0 : i32
      %cond3A_124 = arith.cmpi ne, %convert_element_type3A_122, %cond3A_123 : i32
      scf.if %cond3A_124 {
        %dma_start3A_203 = arith.constant 1 : i32
        %dma_start3A_204 = arith.constant 1 : i32
        %dma_start3A_205 = arith.constant 0 : i32
        %dma_start3A_206 = arith.constant 0 : i32
        %dma_start3A_207 = tpu.memref_slice %arg9[%dma_start3A_203, %dma_start3A_205, %dma_start3A_206] : memref<5x80x64xf32, #tpu.memory_space<vmem>> -> memref<1x80x64xf32, #tpu.memory_space<vmem>>
        %dma_start3A_208 = tpu.memref_squeeze %dma_start3A_207 : memref<1x80x64xf32, #tpu.memory_space<vmem>> -> memref<80x64xf32, #tpu.memory_space<vmem>>
        %dma_start3A_209 = tpu.memref_slice %arg7[%add3A_119] : memref<10000xi32, #tpu.memory_space<vmem>> -> memref<80xi32, #tpu.memory_space<vmem>>
        %dma_start3A_210 = arith.constant 0 : i32
        %dma_start3A_211 = arith.constant 0 : i32
        %dma_start3A_212 = tpu.memref_slice %arg2[%dma_start3A_210, %dma_start3A_211] : memref<10240x64xf32, #tpu.memory_space<hbm>> -> memref<10240x64xf32, #tpu.memory_space<hbm>>
        %dma_start3A_213 = tpu.memref_slice %arg11[%dma_start3A_204] : memref<5x!tpu.dma_semaphore, #tpu.memory_space<semaphore_mem>> -> memref<1x!tpu.dma_semaphore, #tpu.memory_space<semaphore_mem>>
        %dma_start3A_214 = tpu.memref_squeeze %dma_start3A_213 : memref<1x!tpu.dma_semaphore, #tpu.memory_space<semaphore_mem>> -> memref<!tpu.dma_semaphore, #tpu.memory_space<semaphore_mem>>
        tpu.enqueue_indirect_dma source(%dma_start3A_212 : memref<10240x64xf32, #tpu.memory_space<hbm>>) target(%dma_start3A_208 : memref<80x64xf32, #tpu.memory_space<vmem>>) offsets(%dma_start3A_209 : memref<80xi32, #tpu.memory_space<vmem>>) semaphore(%dma_start3A_214 : memref<!tpu.dma_semaphore, #tpu.memory_space<semaphore_mem>>)
      } else {
      }
      %mul3A_125 = arith.constant 5 : i32
      %mul3A_126 = arith.muli %scan3A_77, %mul3A_125 : i32
      %add3A_127 = arith.constant 2 : i32
      %add3A_128 = arith.addi %mul3A_126, %add3A_127 : i32
      %mul3A_129 = arith.constant 80 : i32
      %mul3A_130 = arith.muli %add3A_128, %mul3A_129 : i32
      %dma_wait3A_131 = arith.constant 2 : i32
      %dma_wait3A_132 = arith.constant 2 : i32
      %dma_wait3A_133 = arith.constant 0 : i32
      %dma_wait3A_134 = arith.constant 0 : i32
      %dma_wait3A_135 = tpu.memref_slice %arg9[%dma_wait3A_131, %dma_wait3A_133, %dma_wait3A_134] : memref<5x80x64xf32, #tpu.memory_space<vmem>> -> memref<1x80x64xf32, #tpu.memory_space<vmem>>
      %dma_wait3A_136 = tpu.memref_squeeze %dma_wait3A_135 : memref<1x80x64xf32, #tpu.memory_space<vmem>> -> memref<80x64xf32, #tpu.memory_space<vmem>>
      %dma_wait3A_137 = tpu.memref_slice %arg7[%mul3A_130] : memref<10000xi32, #tpu.memory_space<vmem>> -> memref<80xi32, #tpu.memory_space<vmem>>
      %dma_wait3A_138 = arith.constant 0 : i32
      %dma_wait3A_139 = arith.constant 0 : i32
      %dma_wait3A_140 = tpu.memref_slice %arg2[%dma_wait3A_138, %dma_wait3A_139] : memref<10240x64xf32, #tpu.memory_space<hbm>> -> memref<10240x64xf32, #tpu.memory_space<hbm>>
      %dma_wait3A_141 = tpu.memref_slice %arg11[%dma_wait3A_132] : memref<5x!tpu.dma_semaphore, #tpu.memory_space<semaphore_mem>> -> memref<1x!tpu.dma_semaphore, #tpu.memory_space<semaphore_mem>>
      %dma_wait3A_142 = tpu.memref_squeeze %dma_wait3A_141 : memref<1x!tpu.dma_semaphore, #tpu.memory_space<semaphore_mem>> -> memref<!tpu.dma_semaphore, #tpu.memory_space<semaphore_mem>>
      tpu.wait_indirect_dma semaphore(%dma_wait3A_142 : memref<!tpu.dma_semaphore, #tpu.memory_space<semaphore_mem>>) src(%dma_wait3A_140 : memref<10240x64xf32, #tpu.memory_space<hbm>>) dst(%dma_wait3A_136 : memref<80x64xf32, #tpu.memory_space<vmem>>)
      %run_scoped3A_143 = arith.constant 2 : i32
      "tpu.region"() ({
        %run_scoped3A_203 = tpu.sem_alloc : memref<!tpu.dma_semaphore, #tpu.memory_space<semaphore_mem>>
        %dma_start3A_204 = arith.constant 0 : i32
        %dma_start3A_205 = arith.constant 0 : i32
        %dma_start3A_206 = tpu.memref_slice %arg9[%run_scoped3A_143, %dma_start3A_204, %dma_start3A_205] : memref<5x80x64xf32, #tpu.memory_space<vmem>> -> memref<1x80x64xf32, #tpu.memory_space<vmem>>
        %dma_start3A_207 = tpu.memref_squeeze %dma_start3A_206 : memref<1x80x64xf32, #tpu.memory_space<vmem>> -> memref<80x64xf32, #tpu.memory_space<vmem>>
        %dma_start3A_208 = tpu.memref_slice %arg8[%mul3A_130] : memref<10000xi32, #tpu.memory_space<vmem>> -> memref<80xi32, #tpu.memory_space<vmem>>
        %dma_start3A_209 = arith.constant 0 : i32
        %dma_start3A_210 = arith.constant 0 : i32
        %dma_start3A_211 = tpu.memref_slice %arg10[%dma_start3A_209, %dma_start3A_210] : memref<10240x64xf32, #tpu.memory_space<vmem_shared>> -> memref<10240x64xf32, #tpu.memory_space<vmem_shared>>
        tpu.enqueue_indirect_dma source(%dma_start3A_207 : memref<80x64xf32, #tpu.memory_space<vmem>>) target(%dma_start3A_211 : memref<10240x64xf32, #tpu.memory_space<vmem_shared>>) offsets(%dma_start3A_208 : memref<80xi32, #tpu.memory_space<vmem>>) semaphore(%run_scoped3A_203 : memref<!tpu.dma_semaphore, #tpu.memory_space<semaphore_mem>>) {add = true}
        %dma_wait3A_212 = arith.constant 0 : i32
        %dma_wait3A_213 = arith.constant 0 : i32
        %dma_wait3A_214 = tpu.memref_slice %arg9[%run_scoped3A_143, %dma_wait3A_212, %dma_wait3A_213] : memref<5x80x64xf32, #tpu.memory_space<vmem>> -> memref<1x80x64xf32, #tpu.memory_space<vmem>>
        %dma_wait3A_215 = tpu.memref_squeeze %dma_wait3A_214 : memref<1x80x64xf32, #tpu.memory_space<vmem>> -> memref<80x64xf32, #tpu.memory_space<vmem>>
        %dma_wait3A_216 = tpu.memref_slice %arg8[%mul3A_130] : memref<10000xi32, #tpu.memory_space<vmem>> -> memref<80xi32, #tpu.memory_space<vmem>>
        %dma_wait3A_217 = arith.constant 0 : i32
        %dma_wait3A_218 = arith.constant 0 : i32
        %dma_wait3A_219 = tpu.memref_slice %arg10[%dma_wait3A_217, %dma_wait3A_218] : memref<10240x64xf32, #tpu.memory_space<vmem_shared>> -> memref<10240x64xf32, #tpu.memory_space<vmem_shared>>
        tpu.wait_indirect_dma semaphore(%run_scoped3A_203 : memref<!tpu.dma_semaphore, #tpu.memory_space<semaphore_mem>>) src(%dma_wait3A_215 : memref<80x64xf32, #tpu.memory_space<vmem>>) dst(%dma_wait3A_219 : memref<10240x64xf32, #tpu.memory_space<vmem_shared>>)
        tpu.yield
      }) : () -> ()
      %add3A_144 = arith.constant 400 : i32
      %add3A_145 = arith.addi %mul3A_130, %add3A_144 : i32
      %lt3A_146 = arith.constant 10000 : i32
      %lt3A_147 = arith.cmpi slt, %add3A_145, %lt3A_146 : i32
      %convert_element_type3A_148 = arith.extui %lt3A_147 : i1 to i32
      %cond3A_149 = arith.constant 0 : i32
      %cond3A_150 = arith.cmpi ne, %convert_element_type3A_148, %cond3A_149 : i32
      scf.if %cond3A_150 {
        %dma_start3A_203 = arith.constant 2 : i32
        %dma_start3A_204 = arith.constant 2 : i32
        %dma_start3A_205 = arith.constant 0 : i32
        %dma_start3A_206 = arith.constant 0 : i32
        %dma_start3A_207 = tpu.memref_slice %arg9[%dma_start3A_203, %dma_start3A_205, %dma_start3A_206] : memref<5x80x64xf32, #tpu.memory_space<vmem>> -> memref<1x80x64xf32, #tpu.memory_space<vmem>>
        %dma_start3A_208 = tpu.memref_squeeze %dma_start3A_207 : memref<1x80x64xf32, #tpu.memory_space<vmem>> -> memref<80x64xf32, #tpu.memory_space<vmem>>
        %dma_start3A_209 = tpu.memref_slice %arg7[%add3A_145] : memref<10000xi32, #tpu.memory_space<vmem>> -> memref<80xi32, #tpu.memory_space<vmem>>
        %dma_start3A_210 = arith.constant 0 : i32
        %dma_start3A_211 = arith.constant 0 : i32
        %dma_start3A_212 = tpu.memref_slice %arg2[%dma_start3A_210, %dma_start3A_211] : memref<10240x64xf32, #tpu.memory_space<hbm>> -> memref<10240x64xf32, #tpu.memory_space<hbm>>
        %dma_start3A_213 = tpu.memref_slice %arg11[%dma_start3A_204] : memref<5x!tpu.dma_semaphore, #tpu.memory_space<semaphore_mem>> -> memref<1x!tpu.dma_semaphore, #tpu.memory_space<semaphore_mem>>
        %dma_start3A_214 = tpu.memref_squeeze %dma_start3A_213 : memref<1x!tpu.dma_semaphore, #tpu.memory_space<semaphore_mem>> -> memref<!tpu.dma_semaphore, #tpu.memory_space<semaphore_mem>>
        tpu.enqueue_indirect_dma source(%dma_start3A_212 : memref<10240x64xf32, #tpu.memory_space<hbm>>) target(%dma_start3A_208 : memref<80x64xf32, #tpu.memory_space<vmem>>) offsets(%dma_start3A_209 : memref<80xi32, #tpu.memory_space<vmem>>) semaphore(%dma_start3A_214 : memref<!tpu.dma_semaphore, #tpu.memory_space<semaphore_mem>>)
      } else {
      }
      %mul3A_151 = arith.constant 5 : i32
      %mul3A_152 = arith.muli %scan3A_77, %mul3A_151 : i32
      %add3A_153 = arith.constant 3 : i32
      %add3A_154 = arith.addi %mul3A_152, %add3A_153 : i32
      %mul3A_155 = arith.constant 80 : i32
      %mul3A_156 = arith.muli %add3A_154, %mul3A_155 : i32
      %dma_wait3A_157 = arith.constant 3 : i32
      %dma_wait3A_158 = arith.constant 3 : i32
      %dma_wait3A_159 = arith.constant 0 : i32
      %dma_wait3A_160 = arith.constant 0 : i32
      %dma_wait3A_161 = tpu.memref_slice %arg9[%dma_wait3A_157, %dma_wait3A_159, %dma_wait3A_160] : memref<5x80x64xf32, #tpu.memory_space<vmem>> -> memref<1x80x64xf32, #tpu.memory_space<vmem>>
      %dma_wait3A_162 = tpu.memref_squeeze %dma_wait3A_161 : memref<1x80x64xf32, #tpu.memory_space<vmem>> -> memref<80x64xf32, #tpu.memory_space<vmem>>
      %dma_wait3A_163 = tpu.memref_slice %arg7[%mul3A_156] : memref<10000xi32, #tpu.memory_space<vmem>> -> memref<80xi32, #tpu.memory_space<vmem>>
      %dma_wait3A_164 = arith.constant 0 : i32
      %dma_wait3A_165 = arith.constant 0 : i32
      %dma_wait3A_166 = tpu.memref_slice %arg2[%dma_wait3A_164, %dma_wait3A_165] : memref<10240x64xf32, #tpu.memory_space<hbm>> -> memref<10240x64xf32, #tpu.memory_space<hbm>>
      %dma_wait3A_167 = tpu.memref_slice %arg11[%dma_wait3A_158] : memref<5x!tpu.dma_semaphore, #tpu.memory_space<semaphore_mem>> -> memref<1x!tpu.dma_semaphore, #tpu.memory_space<semaphore_mem>>
      %dma_wait3A_168 = tpu.memref_squeeze %dma_wait3A_167 : memref<1x!tpu.dma_semaphore, #tpu.memory_space<semaphore_mem>> -> memref<!tpu.dma_semaphore, #tpu.memory_space<semaphore_mem>>
      tpu.wait_indirect_dma semaphore(%dma_wait3A_168 : memref<!tpu.dma_semaphore, #tpu.memory_space<semaphore_mem>>) src(%dma_wait3A_166 : memref<10240x64xf32, #tpu.memory_space<hbm>>) dst(%dma_wait3A_162 : memref<80x64xf32, #tpu.memory_space<vmem>>)
      %run_scoped3A_169 = arith.constant 3 : i32
      "tpu.region"() ({
        %run_scoped3A_203 = tpu.sem_alloc : memref<!tpu.dma_semaphore, #tpu.memory_space<semaphore_mem>>
        %dma_start3A_204 = arith.constant 0 : i32
        %dma_start3A_205 = arith.constant 0 : i32
        %dma_start3A_206 = tpu.memref_slice %arg9[%run_scoped3A_169, %dma_start3A_204, %dma_start3A_205] : memref<5x80x64xf32, #tpu.memory_space<vmem>> -> memref<1x80x64xf32, #tpu.memory_space<vmem>>
        %dma_start3A_207 = tpu.memref_squeeze %dma_start3A_206 : memref<1x80x64xf32, #tpu.memory_space<vmem>> -> memref<80x64xf32, #tpu.memory_space<vmem>>
        %dma_start3A_208 = tpu.memref_slice %arg8[%mul3A_156] : memref<10000xi32, #tpu.memory_space<vmem>> -> memref<80xi32, #tpu.memory_space<vmem>>
        %dma_start3A_209 = arith.constant 0 : i32
        %dma_start3A_210 = arith.constant 0 : i32
        %dma_start3A_211 = tpu.memref_slice %arg10[%dma_start3A_209, %dma_start3A_210] : memref<10240x64xf32, #tpu.memory_space<vmem_shared>> -> memref<10240x64xf32, #tpu.memory_space<vmem_shared>>
        tpu.enqueue_indirect_dma source(%dma_start3A_207 : memref<80x64xf32, #tpu.memory_space<vmem>>) target(%dma_start3A_211 : memref<10240x64xf32, #tpu.memory_space<vmem_shared>>) offsets(%dma_start3A_208 : memref<80xi32, #tpu.memory_space<vmem>>) semaphore(%run_scoped3A_203 : memref<!tpu.dma_semaphore, #tpu.memory_space<semaphore_mem>>) {add = true}
        %dma_wait3A_212 = arith.constant 0 : i32
        %dma_wait3A_213 = arith.constant 0 : i32
        %dma_wait3A_214 = tpu.memref_slice %arg9[%run_scoped3A_169, %dma_wait3A_212, %dma_wait3A_213] : memref<5x80x64xf32, #tpu.memory_space<vmem>> -> memref<1x80x64xf32, #tpu.memory_space<vmem>>
        %dma_wait3A_215 = tpu.memref_squeeze %dma_wait3A_214 : memref<1x80x64xf32, #tpu.memory_space<vmem>> -> memref<80x64xf32, #tpu.memory_space<vmem>>
        %dma_wait3A_216 = tpu.memref_slice %arg8[%mul3A_156] : memref<10000xi32, #tpu.memory_space<vmem>> -> memref<80xi32, #tpu.memory_space<vmem>>
        %dma_wait3A_217 = arith.constant 0 : i32
        %dma_wait3A_218 = arith.constant 0 : i32
        %dma_wait3A_219 = tpu.memref_slice %arg10[%dma_wait3A_217, %dma_wait3A_218] : memref<10240x64xf32, #tpu.memory_space<vmem_shared>> -> memref<10240x64xf32, #tpu.memory_space<vmem_shared>>
        tpu.wait_indirect_dma semaphore(%run_scoped3A_203 : memref<!tpu.dma_semaphore, #tpu.memory_space<semaphore_mem>>) src(%dma_wait3A_215 : memref<80x64xf32, #tpu.memory_space<vmem>>) dst(%dma_wait3A_219 : memref<10240x64xf32, #tpu.memory_space<vmem_shared>>)
        tpu.yield
      }) : () -> ()
      %add3A_170 = arith.constant 400 : i32
      %add3A_171 = arith.addi %mul3A_156, %add3A_170 : i32
      %lt3A_172 = arith.constant 10000 : i32
      %lt3A_173 = arith.cmpi slt, %add3A_171, %lt3A_172 : i32
      %convert_element_type3A_174 = arith.extui %lt3A_173 : i1 to i32
      %cond3A_175 = arith.constant 0 : i32
      %cond3A_176 = arith.cmpi ne, %convert_element_type3A_174, %cond3A_175 : i32
      scf.if %cond3A_176 {
        %dma_start3A_203 = arith.constant 3 : i32
        %dma_start3A_204 = arith.constant 3 : i32
        %dma_start3A_205 = arith.constant 0 : i32
        %dma_start3A_206 = arith.constant 0 : i32
        %dma_start3A_207 = tpu.memref_slice %arg9[%dma_start3A_203, %dma_start3A_205, %dma_start3A_206] : memref<5x80x64xf32, #tpu.memory_space<vmem>> -> memref<1x80x64xf32, #tpu.memory_space<vmem>>
        %dma_start3A_208 = tpu.memref_squeeze %dma_start3A_207 : memref<1x80x64xf32, #tpu.memory_space<vmem>> -> memref<80x64xf32, #tpu.memory_space<vmem>>
        %dma_start3A_209 = tpu.memref_slice %arg7[%add3A_171] : memref<10000xi32, #tpu.memory_space<vmem>> -> memref<80xi32, #tpu.memory_space<vmem>>
        %dma_start3A_210 = arith.constant 0 : i32
        %dma_start3A_211 = arith.constant 0 : i32
        %dma_start3A_212 = tpu.memref_slice %arg2[%dma_start3A_210, %dma_start3A_211] : memref<10240x64xf32, #tpu.memory_space<hbm>> -> memref<10240x64xf32, #tpu.memory_space<hbm>>
        %dma_start3A_213 = tpu.memref_slice %arg11[%dma_start3A_204] : memref<5x!tpu.dma_semaphore, #tpu.memory_space<semaphore_mem>> -> memref<1x!tpu.dma_semaphore, #tpu.memory_space<semaphore_mem>>
        %dma_start3A_214 = tpu.memref_squeeze %dma_start3A_213 : memref<1x!tpu.dma_semaphore, #tpu.memory_space<semaphore_mem>> -> memref<!tpu.dma_semaphore, #tpu.memory_space<semaphore_mem>>
        tpu.enqueue_indirect_dma source(%dma_start3A_212 : memref<10240x64xf32, #tpu.memory_space<hbm>>) target(%dma_start3A_208 : memref<80x64xf32, #tpu.memory_space<vmem>>) offsets(%dma_start3A_209 : memref<80xi32, #tpu.memory_space<vmem>>) semaphore(%dma_start3A_214 : memref<!tpu.dma_semaphore, #tpu.memory_space<semaphore_mem>>)
      } else {
      }
      %mul3A_177 = arith.constant 5 : i32
      %mul3A_178 = arith.muli %scan3A_77, %mul3A_177 : i32
      %add3A_179 = arith.constant 4 : i32
      %add3A_180 = arith.addi %mul3A_178, %add3A_179 : i32
      %mul3A_181 = arith.constant 80 : i32
      %mul3A_182 = arith.muli %add3A_180, %mul3A_181 : i32
      %dma_wait3A_183 = arith.constant 4 : i32
      %dma_wait3A_184 = arith.constant 4 : i32
      %dma_wait3A_185 = arith.constant 0 : i32
      %dma_wait3A_186 = arith.constant 0 : i32
      %dma_wait3A_187 = tpu.memref_slice %arg9[%dma_wait3A_183, %dma_wait3A_185, %dma_wait3A_186] : memref<5x80x64xf32, #tpu.memory_space<vmem>> -> memref<1x80x64xf32, #tpu.memory_space<vmem>>
      %dma_wait3A_188 = tpu.memref_squeeze %dma_wait3A_187 : memref<1x80x64xf32, #tpu.memory_space<vmem>> -> memref<80x64xf32, #tpu.memory_space<vmem>>
      %dma_wait3A_189 = tpu.memref_slice %arg7[%mul3A_182] : memref<10000xi32, #tpu.memory_space<vmem>> -> memref<80xi32, #tpu.memory_space<vmem>>
      %dma_wait3A_190 = arith.constant 0 : i32
      %dma_wait3A_191 = arith.constant 0 : i32
      %dma_wait3A_192 = tpu.memref_slice %arg2[%dma_wait3A_190, %dma_wait3A_191] : memref<10240x64xf32, #tpu.memory_space<hbm>> -> memref<10240x64xf32, #tpu.memory_space<hbm>>
      %dma_wait3A_193 = tpu.memref_slice %arg11[%dma_wait3A_184] : memref<5x!tpu.dma_semaphore, #tpu.memory_space<semaphore_mem>> -> memref<1x!tpu.dma_semaphore, #tpu.memory_space<semaphore_mem>>
      %dma_wait3A_194 = tpu.memref_squeeze %dma_wait3A_193 : memref<1x!tpu.dma_semaphore, #tpu.memory_space<semaphore_mem>> -> memref<!tpu.dma_semaphore, #tpu.memory_space<semaphore_mem>>
      tpu.wait_indirect_dma semaphore(%dma_wait3A_194 : memref<!tpu.dma_semaphore, #tpu.memory_space<semaphore_mem>>) src(%dma_wait3A_192 : memref<10240x64xf32, #tpu.memory_space<hbm>>) dst(%dma_wait3A_188 : memref<80x64xf32, #tpu.memory_space<vmem>>)
      %run_scoped3A_195 = arith.constant 4 : i32
      "tpu.region"() ({
        %run_scoped3A_203 = tpu.sem_alloc : memref<!tpu.dma_semaphore, #tpu.memory_space<semaphore_mem>>
        %dma_start3A_204 = arith.constant 0 : i32
        %dma_start3A_205 = arith.constant 0 : i32
        %dma_start3A_206 = tpu.memref_slice %arg9[%run_scoped3A_195, %dma_start3A_204, %dma_start3A_205] : memref<5x80x64xf32, #tpu.memory_space<vmem>> -> memref<1x80x64xf32, #tpu.memory_space<vmem>>
        %dma_start3A_207 = tpu.memref_squeeze %dma_start3A_206 : memref<1x80x64xf32, #tpu.memory_space<vmem>> -> memref<80x64xf32, #tpu.memory_space<vmem>>
        %dma_start3A_208 = tpu.memref_slice %arg8[%mul3A_182] : memref<10000xi32, #tpu.memory_space<vmem>> -> memref<80xi32, #tpu.memory_space<vmem>>
        %dma_start3A_209 = arith.constant 0 : i32
        %dma_start3A_210 = arith.constant 0 : i32
        %dma_start3A_211 = tpu.memref_slice %arg10[%dma_start3A_209, %dma_start3A_210] : memref<10240x64xf32, #tpu.memory_space<vmem_shared>> -> memref<10240x64xf32, #tpu.memory_space<vmem_shared>>
        tpu.enqueue_indirect_dma source(%dma_start3A_207 : memref<80x64xf32, #tpu.memory_space<vmem>>) target(%dma_start3A_211 : memref<10240x64xf32, #tpu.memory_space<vmem_shared>>) offsets(%dma_start3A_208 : memref<80xi32, #tpu.memory_space<vmem>>) semaphore(%run_scoped3A_203 : memref<!tpu.dma_semaphore, #tpu.memory_space<semaphore_mem>>) {add = true}
        %dma_wait3A_212 = arith.constant 0 : i32
        %dma_wait3A_213 = arith.constant 0 : i32
        %dma_wait3A_214 = tpu.memref_slice %arg9[%run_scoped3A_195, %dma_wait3A_212, %dma_wait3A_213] : memref<5x80x64xf32, #tpu.memory_space<vmem>> -> memref<1x80x64xf32, #tpu.memory_space<vmem>>
        %dma_wait3A_215 = tpu.memref_squeeze %dma_wait3A_214 : memref<1x80x64xf32, #tpu.memory_space<vmem>> -> memref<80x64xf32, #tpu.memory_space<vmem>>
        %dma_wait3A_216 = tpu.memref_slice %arg8[%mul3A_182] : memref<10000xi32, #tpu.memory_space<vmem>> -> memref<80xi32, #tpu.memory_space<vmem>>
        %dma_wait3A_217 = arith.constant 0 : i32
        %dma_wait3A_218 = arith.constant 0 : i32
        %dma_wait3A_219 = tpu.memref_slice %arg10[%dma_wait3A_217, %dma_wait3A_218] : memref<10240x64xf32, #tpu.memory_space<vmem_shared>> -> memref<10240x64xf32, #tpu.memory_space<vmem_shared>>
        tpu.wait_indirect_dma semaphore(%run_scoped3A_203 : memref<!tpu.dma_semaphore, #tpu.memory_space<semaphore_mem>>) src(%dma_wait3A_215 : memref<80x64xf32, #tpu.memory_space<vmem>>) dst(%dma_wait3A_219 : memref<10240x64xf32, #tpu.memory_space<vmem_shared>>)
        tpu.yield
      }) : () -> ()
      %add3A_196 = arith.constant 400 : i32
      %add3A_197 = arith.addi %mul3A_182, %add3A_196 : i32
      %lt3A_198 = arith.constant 10000 : i32
      %lt3A_199 = arith.cmpi slt, %add3A_197, %lt3A_198 : i32
      %convert_element_type3A_200 = arith.extui %lt3A_199 : i1 to i32
      %cond3A_201 = arith.constant 0 : i32
      %cond3A_202 = arith.cmpi ne, %convert_element_type3A_200, %cond3A_201 : i32
      scf.if %cond3A_202 {
        %dma_start3A_203 = arith.constant 4 : i32
        %dma_start3A_204 = arith.constant 4 : i32
        %dma_start3A_205 = arith.constant 0 : i32
        %dma_start3A_206 = arith.constant 0 : i32
        %dma_start3A_207 = tpu.memref_slice %arg9[%dma_start3A_203, %dma_start3A_205, %dma_start3A_206] : memref<5x80x64xf32, #tpu.memory_space<vmem>> -> memref<1x80x64xf32, #tpu.memory_space<vmem>>
        %dma_start3A_208 = tpu.memref_squeeze %dma_start3A_207 : memref<1x80x64xf32, #tpu.memory_space<vmem>> -> memref<80x64xf32, #tpu.memory_space<vmem>>
        %dma_start3A_209 = tpu.memref_slice %arg7[%add3A_197] : memref<10000xi32, #tpu.memory_space<vmem>> -> memref<80xi32, #tpu.memory_space<vmem>>
        %dma_start3A_210 = arith.constant 0 : i32
        %dma_start3A_211 = arith.constant 0 : i32
        %dma_start3A_212 = tpu.memref_slice %arg2[%dma_start3A_210, %dma_start3A_211] : memref<10240x64xf32, #tpu.memory_space<hbm>> -> memref<10240x64xf32, #tpu.memory_space<hbm>>
        %dma_start3A_213 = tpu.memref_slice %arg11[%dma_start3A_204] : memref<5x!tpu.dma_semaphore, #tpu.memory_space<semaphore_mem>> -> memref<1x!tpu.dma_semaphore, #tpu.memory_space<semaphore_mem>>
        %dma_start3A_214 = tpu.memref_squeeze %dma_start3A_213 : memref<1x!tpu.dma_semaphore, #tpu.memory_space<semaphore_mem>> -> memref<!tpu.dma_semaphore, #tpu.memory_space<semaphore_mem>>
        tpu.enqueue_indirect_dma source(%dma_start3A_212 : memref<10240x64xf32, #tpu.memory_space<hbm>>) target(%dma_start3A_208 : memref<80x64xf32, #tpu.memory_space<vmem>>) offsets(%dma_start3A_209 : memref<80xi32, #tpu.memory_space<vmem>>) semaphore(%dma_start3A_214 : memref<!tpu.dma_semaphore, #tpu.memory_space<semaphore_mem>>)
      } else {
      }
    }
    %scan3A_75 = arith.constant 25 : i32
    %barrier3A_76 = arith.constant 0 : index
    tpu.barrier barrier_id(%barrier3A_76)
    "tpu.region"() ({
      %run_scoped3A = tpu.sem_alloc : memref<!tpu.dma_semaphore, #tpu.memory_space<semaphore_mem>>
      %dma_start3A_77 = arith.constant 0 : i32
      %dma_start3A_78 = tpu.memref_slice %arg6[%arg0, %mul3A_2, %dma_start3A_77] : memref<2x10240x64xf32, #tpu.memory_space<hbm>> -> memref<1x640x64xf32, #tpu.memory_space<hbm>>
      %dma_start3A_79 = tpu.memref_squeeze %dma_start3A_78 : memref<1x640x64xf32, #tpu.memory_space<hbm>> -> memref<640x64xf32, #tpu.memory_space<hbm>>
      %dma_start3A_80 = arith.constant 0 : i32
      %dma_start3A_81 = tpu.memref_slice %arg10[%mul3A_2, %dma_start3A_80] : memref<10240x64xf32, #tpu.memory_space<vmem_shared>> -> memref<640x64xf32, #tpu.memory_space<vmem_shared>>
      tpu.enqueue_dma source(%dma_start3A_81 : memref<640x64xf32, #tpu.memory_space<vmem_shared>>) target(%dma_start3A_79 : memref<640x64xf32, #tpu.memory_space<hbm>>) target_semaphore(%run_scoped3A : memref<!tpu.dma_semaphore, #tpu.memory_space<semaphore_mem>>)
      %dma_wait3A = arith.constant 0 : i32
      %dma_wait3A_82 = tpu.memref_slice %arg6[%arg0, %mul3A_2, %dma_wait3A] : memref<2x10240x64xf32, #tpu.memory_space<hbm>> -> memref<1x640x64xf32, #tpu.memory_space<hbm>>
      %dma_wait3A_83 = tpu.memref_squeeze %dma_wait3A_82 : memref<1x640x64xf32, #tpu.memory_space<hbm>> -> memref<640x64xf32, #tpu.memory_space<hbm>>
      %dma_wait3A_84 = arith.constant 0 : i32
      %dma_wait3A_85 = tpu.memref_slice %arg10[%mul3A_2, %dma_wait3A_84] : memref<10240x64xf32, #tpu.memory_space<vmem_shared>> -> memref<640x64xf32, #tpu.memory_space<vmem_shared>>
      tpu.wait_dma2 semaphore(%run_scoped3A : memref<!tpu.dma_semaphore, #tpu.memory_space<semaphore_mem>>) src(%dma_wait3A_85 : memref<640x64xf32, #tpu.memory_space<vmem_shared>>) dst(%dma_wait3A_83 : memref<640x64xf32, #tpu.memory_space<hbm>>)
      tpu.yield
    }) : () -> ()
    return
  }
}

#map = affine_map<(d0, d1) -> (0)>
#map1 = affine_map<(d0, d1) -> (0, 0)>
module attributes {stable_mosaic.version = 14 : i64} {
  func.func @_sc_degrees(%arg0: i32, %arg1: i32, %arg2: memref<320000xi32, #tpu.memory_space<hbm>>, %arg3: memref<320000xi32, #tpu.memory_space<hbm>>, %arg4: memref<10240xf32, #tpu.memory_space<hbm>>, %arg5: memref<2x10240xf32, #tpu.memory_space<hbm>>, %arg6: memref<20000xi32, #tpu.memory_space<vmem>>, %arg7: memref<80xf32, #tpu.memory_space<vmem>>, %arg8: memref<10240xf32, #tpu.memory_space<vmem_shared>>, %arg9: memref<!tpu.dma_semaphore, #tpu.memory_space<semaphore_mem>>) attributes {dimension_semantics = [#tpu.dimension_semantics<core_parallel>, #tpu.dimension_semantics<subcore_parallel>], iteration_bounds = array<i64: 2, 16>, scalar_prefetch = 0 : i64, scratch_operands = 4 : i64, tpu.core_type = #tpu.core_type<sc_vector_subcore>, window_params = [{transform_indices = #map}, {transform_indices = #map}, {transform_indices = #map}, {transform_indices = #map1}]} {
    %mul3A = arith.constant 640 : i32
    %mul3A_0 = arith.muli %arg1, %mul3A : i32
    %eq3A = arith.constant 0 : i32
    %eq3A_1 = arith.cmpi eq, %arg0, %eq3A : i32
    %convert_element_type3A = arith.extui %eq3A_1 : i1 to i32
    %cond3A = arith.constant 0 : i32
    %cond3A_2 = arith.cmpi ne, %convert_element_type3A, %cond3A : i32
    scf.if %cond3A_2 {
      %mul3A_42 = arith.constant 20000 : i32
      %mul3A_43 = arith.muli %arg1, %mul3A_42 : i32
      "tpu.region"() ({
        %run_scoped3A = tpu.sem_alloc : memref<!tpu.dma_semaphore, #tpu.memory_space<semaphore_mem>>
        %dma_start3A = tpu.memref_slice %arg3[%mul3A_43] : memref<320000xi32, #tpu.memory_space<hbm>> -> memref<20000xi32, #tpu.memory_space<hbm>>
        %dma_start3A_44 = tpu.memref_slice %arg3[%mul3A_43] : memref<320000xi32, #tpu.memory_space<hbm>> -> memref<20000xi32, #tpu.memory_space<hbm>>
        tpu.enqueue_dma source(%dma_start3A_44 : memref<20000xi32, #tpu.memory_space<hbm>>) target(%arg6 : memref<20000xi32, #tpu.memory_space<vmem>>) target_semaphore(%run_scoped3A : memref<!tpu.dma_semaphore, #tpu.memory_space<semaphore_mem>>)
        %dma_wait3A = tpu.memref_slice %arg3[%mul3A_43] : memref<320000xi32, #tpu.memory_space<hbm>> -> memref<20000xi32, #tpu.memory_space<hbm>>
        %dma_wait3A_45 = tpu.memref_slice %arg3[%mul3A_43] : memref<320000xi32, #tpu.memory_space<hbm>> -> memref<20000xi32, #tpu.memory_space<hbm>>
        tpu.wait_dma2 semaphore(%run_scoped3A : memref<!tpu.dma_semaphore, #tpu.memory_space<semaphore_mem>>) src(%dma_wait3A_45 : memref<20000xi32, #tpu.memory_space<hbm>>) dst(%arg6 : memref<20000xi32, #tpu.memory_space<vmem>>)
        tpu.yield
      }) : () -> ()
    } else {
    }
    %eq3A_3 = arith.constant 1 : i32
    %eq3A_4 = arith.cmpi eq, %arg0, %eq3A_3 : i32
    %convert_element_type3A_5 = arith.extui %eq3A_4 : i1 to i32
    %cond3A_6 = arith.constant 0 : i32
    %cond3A_7 = arith.cmpi ne, %convert_element_type3A_5, %cond3A_6 : i32
    scf.if %cond3A_7 {
      %mul3A_42 = arith.constant 20000 : i32
      %mul3A_43 = arith.muli %arg1, %mul3A_42 : i32
      "tpu.region"() ({
        %run_scoped3A = tpu.sem_alloc : memref<!tpu.dma_semaphore, #tpu.memory_space<semaphore_mem>>
        %dma_start3A = tpu.memref_slice %arg2[%mul3A_43] : memref<320000xi32, #tpu.memory_space<hbm>> -> memref<20000xi32, #tpu.memory_space<hbm>>
        %dma_start3A_44 = tpu.memref_slice %arg2[%mul3A_43] : memref<320000xi32, #tpu.memory_space<hbm>> -> memref<20000xi32, #tpu.memory_space<hbm>>
        tpu.enqueue_dma source(%dma_start3A_44 : memref<20000xi32, #tpu.memory_space<hbm>>) target(%arg6 : memref<20000xi32, #tpu.memory_space<vmem>>) target_semaphore(%run_scoped3A : memref<!tpu.dma_semaphore, #tpu.memory_space<semaphore_mem>>)
        %dma_wait3A = tpu.memref_slice %arg2[%mul3A_43] : memref<320000xi32, #tpu.memory_space<hbm>> -> memref<20000xi32, #tpu.memory_space<hbm>>
        %dma_wait3A_45 = tpu.memref_slice %arg2[%mul3A_43] : memref<320000xi32, #tpu.memory_space<hbm>> -> memref<20000xi32, #tpu.memory_space<hbm>>
        tpu.wait_dma2 semaphore(%run_scoped3A : memref<!tpu.dma_semaphore, #tpu.memory_space<semaphore_mem>>) src(%dma_wait3A_45 : memref<20000xi32, #tpu.memory_space<hbm>>) dst(%arg6 : memref<20000xi32, #tpu.memory_space<vmem>>)
        tpu.yield
      }) : () -> ()
    } else {
    }
    %broadcast_in_dim3A = arith.constant 1.000000e+00 : f32
    %broadcast_in_dim3A_8 = vector.broadcast %broadcast_in_dim3A : f32 to vector<16xf32>
    %swap3A = arith.constant 0 : index
    %swap3A_9 = tpu.vector_load %arg7[%swap3A] {strides = array<i32>} : memref<80xf32, #tpu.memory_space<vmem>>, vector<16xf32>,
    %swap3A_10 = vector.shape_cast %swap3A_9 : vector<16xf32> to vector<16xf32>
    %swap3A_11 = vector.shape_cast %broadcast_in_dim3A_8 : vector<16xf32> to vector<16xf32>
    tpu.vector_store %arg7[%swap3A], %swap3A_11 {strides = array<i32>} : memref<80xf32, #tpu.memory_space<vmem>>, vector<16xf32>,
    %broadcast_in_dim3A_12 = arith.constant 1.000000e+00 : f32
    %broadcast_in_dim3A_13 = vector.broadcast %broadcast_in_dim3A_12 : f32 to vector<16xf32>
    %swap3A_14 = arith.constant 16 : index
    %swap3A_15 = tpu.vector_load %arg7[%swap3A_14] {strides = array<i32>} : memref<80xf32, #tpu.memory_space<vmem>>, vector<16xf32>,
    %swap3A_16 = vector.shape_cast %swap3A_15 : vector<16xf32> to vector<16xf32>
    %swap3A_17 = vector.shape_cast %broadcast_in_dim3A_13 : vector<16xf32> to vector<16xf32>
    tpu.vector_store %arg7[%swap3A_14], %swap3A_17 {strides = array<i32>} : memref<80xf32, #tpu.memory_space<vmem>>, vector<16xf32>,
    %broadcast_in_dim3A_18 = arith.constant 1.000000e+00 : f32
    %broadcast_in_dim3A_19 = vector.broadcast %broadcast_in_dim3A_18 : f32 to vector<16xf32>
    %swap3A_20 = arith.constant 32 : index
    %swap3A_21 = tpu.vector_load %arg7[%swap3A_20] {strides = array<i32>} : memref<80xf32, #tpu.memory_space<vmem>>, vector<16xf32>,
    %swap3A_22 = vector.shape_cast %swap3A_21 : vector<16xf32> to vector<16xf32>
    %swap3A_23 = vector.shape_cast %broadcast_in_dim3A_19 : vector<16xf32> to vector<16xf32>
    tpu.vector_store %arg7[%swap3A_20], %swap3A_23 {strides = array<i32>} : memref<80xf32, #tpu.memory_space<vmem>>, vector<16xf32>,
    %broadcast_in_dim3A_24 = arith.constant 1.000000e+00 : f32
    %broadcast_in_dim3A_25 = vector.broadcast %broadcast_in_dim3A_24 : f32 to vector<16xf32>
    %swap3A_26 = arith.constant 48 : index
    %swap3A_27 = tpu.vector_load %arg7[%swap3A_26] {strides = array<i32>} : memref<80xf32, #tpu.memory_space<vmem>>, vector<16xf32>,
    %swap3A_28 = vector.shape_cast %swap3A_27 : vector<16xf32> to vector<16xf32>
    %swap3A_29 = vector.shape_cast %broadcast_in_dim3A_25 : vector<16xf32> to vector<16xf32>
    tpu.vector_store %arg7[%swap3A_26], %swap3A_29 {strides = array<i32>} : memref<80xf32, #tpu.memory_space<vmem>>, vector<16xf32>,
    %broadcast_in_dim3A_30 = arith.constant 1.000000e+00 : f32
    %broadcast_in_dim3A_31 = vector.broadcast %broadcast_in_dim3A_30 : f32 to vector<16xf32>
    %swap3A_32 = arith.constant 64 : index
    %swap3A_33 = tpu.vector_load %arg7[%swap3A_32] {strides = array<i32>} : memref<80xf32, #tpu.memory_space<vmem>>, vector<16xf32>,
    %swap3A_34 = vector.shape_cast %swap3A_33 : vector<16xf32> to vector<16xf32>
    %swap3A_35 = vector.shape_cast %broadcast_in_dim3A_31 : vector<16xf32> to vector<16xf32>
    tpu.vector_store %arg7[%swap3A_32], %swap3A_35 {strides = array<i32>} : memref<80xf32, #tpu.memory_space<vmem>>, vector<16xf32>,
    "tpu.region"() ({
      %run_scoped3A = tpu.sem_alloc : memref<!tpu.dma_semaphore, #tpu.memory_space<semaphore_mem>>
      %dma_start3A = tpu.memref_slice %arg8[%mul3A_0] : memref<10240xf32, #tpu.memory_space<vmem_shared>> -> memref<640xf32, #tpu.memory_space<vmem_shared>>
      %dma_start3A_42 = tpu.memref_slice %arg4[%mul3A_0] : memref<10240xf32, #tpu.memory_space<hbm>> -> memref<640xf32, #tpu.memory_space<hbm>>
      tpu.enqueue_dma source(%dma_start3A_42 : memref<640xf32, #tpu.memory_space<hbm>>) target(%dma_start3A : memref<640xf32, #tpu.memory_space<vmem_shared>>) target_semaphore(%run_scoped3A : memref<!tpu.dma_semaphore, #tpu.memory_space<semaphore_mem>>)
      %dma_wait3A = tpu.memref_slice %arg8[%mul3A_0] : memref<10240xf32, #tpu.memory_space<vmem_shared>> -> memref<640xf32, #tpu.memory_space<vmem_shared>>
      %dma_wait3A_43 = tpu.memref_slice %arg4[%mul3A_0] : memref<10240xf32, #tpu.memory_space<hbm>> -> memref<640xf32, #tpu.memory_space<hbm>>
      tpu.wait_dma2 semaphore(%run_scoped3A : memref<!tpu.dma_semaphore, #tpu.memory_space<semaphore_mem>>) src(%dma_wait3A_43 : memref<640xf32, #tpu.memory_space<hbm>>) dst(%dma_wait3A : memref<640xf32, #tpu.memory_space<vmem_shared>>)
      tpu.yield
    }) : () -> ()
    %barrier3A = arith.constant 0 : index
    tpu.barrier barrier_id(%barrier3A)
    %scan3A = arith.constant 0 : i32
    %scan3A_36 = arith.constant 0 : i32
    %scan3A_37 = arith.constant 25 : i32
    %scan3A_38 = arith.addi %scan3A_36, %scan3A_37 : i32
    %scan3A_39 = arith.constant 1 : i32
    scf.for %scan3A_42 = %scan3A_36 to %scan3A_38 step %scan3A_39  : i32 {
      %mul3A_43 = arith.constant 10 : i32
      %mul3A_44 = arith.muli %scan3A_42, %mul3A_43 : i32
      %add3A = arith.constant 0 : i32
      %add3A_45 = arith.addi %mul3A_44, %add3A : i32
      %mul3A_46 = arith.constant 80 : i32
      %mul3A_47 = arith.muli %add3A_45, %mul3A_46 : i32
      %dma_start3A = tpu.memref_slice %arg6[%mul3A_47] : memref<20000xi32, #tpu.memory_space<vmem>> -> memref<80xi32, #tpu.memory_space<vmem>>
      %dma_start3A_48 = arith.constant 0 : i32
      %dma_start3A_49 = tpu.memref_slice %arg8[%dma_start3A_48] : memref<10240xf32, #tpu.memory_space<vmem_shared>> -> memref<10240xf32, #tpu.memory_space<vmem_shared>>
      tpu.enqueue_indirect_dma source(%arg7 : memref<80xf32, #tpu.memory_space<vmem>>) target(%dma_start3A_49 : memref<10240xf32, #tpu.memory_space<vmem_shared>>) offsets(%dma_start3A : memref<80xi32, #tpu.memory_space<vmem>>) semaphore(%arg9 : memref<!tpu.dma_semaphore, #tpu.memory_space<semaphore_mem>>) {add = true}
      %mul3A_50 = arith.constant 10 : i32
      %mul3A_51 = arith.muli %scan3A_42, %mul3A_50 : i32
      %add3A_52 = arith.constant 1 : i32
      %add3A_53 = arith.addi %mul3A_51, %add3A_52 : i32
      %mul3A_54 = arith.constant 80 : i32
      %mul3A_55 = arith.muli %add3A_53, %mul3A_54 : i32
      %dma_start3A_56 = tpu.memref_slice %arg6[%mul3A_55] : memref<20000xi32, #tpu.memory_space<vmem>> -> memref<80xi32, #tpu.memory_space<vmem>>
      %dma_start3A_57 = arith.constant 0 : i32
      %dma_start3A_58 = tpu.memref_slice %arg8[%dma_start3A_57] : memref<10240xf32, #tpu.memory_space<vmem_shared>> -> memref<10240xf32, #tpu.memory_space<vmem_shared>>
      tpu.enqueue_indirect_dma source(%arg7 : memref<80xf32, #tpu.memory_space<vmem>>) target(%dma_start3A_58 : memref<10240xf32, #tpu.memory_space<vmem_shared>>) offsets(%dma_start3A_56 : memref<80xi32, #tpu.memory_space<vmem>>) semaphore(%arg9 : memref<!tpu.dma_semaphore, #tpu.memory_space<semaphore_mem>>) {add = true}
      %mul3A_59 = arith.constant 10 : i32
      %mul3A_60 = arith.muli %scan3A_42, %mul3A_59 : i32
      %add3A_61 = arith.constant 2 : i32
      %add3A_62 = arith.addi %mul3A_60, %add3A_61 : i32
      %mul3A_63 = arith.constant 80 : i32
      %mul3A_64 = arith.muli %add3A_62, %mul3A_63 : i32
      %dma_start3A_65 = tpu.memref_slice %arg6[%mul3A_64] : memref<20000xi32, #tpu.memory_space<vmem>> -> memref<80xi32, #tpu.memory_space<vmem>>
      %dma_start3A_66 = arith.constant 0 : i32
      %dma_start3A_67 = tpu.memref_slice %arg8[%dma_start3A_66] : memref<10240xf32, #tpu.memory_space<vmem_shared>> -> memref<10240xf32, #tpu.memory_space<vmem_shared>>
      tpu.enqueue_indirect_dma source(%arg7 : memref<80xf32, #tpu.memory_space<vmem>>) target(%dma_start3A_67 : memref<10240xf32, #tpu.memory_space<vmem_shared>>) offsets(%dma_start3A_65 : memref<80xi32, #tpu.memory_space<vmem>>) semaphore(%arg9 : memref<!tpu.dma_semaphore, #tpu.memory_space<semaphore_mem>>) {add = true}
      %mul3A_68 = arith.constant 10 : i32
      %mul3A_69 = arith.muli %scan3A_42, %mul3A_68 : i32
      %add3A_70 = arith.constant 3 : i32
      %add3A_71 = arith.addi %mul3A_69, %add3A_70 : i32
      %mul3A_72 = arith.constant 80 : i32
      %mul3A_73 = arith.muli %add3A_71, %mul3A_72 : i32
      %dma_start3A_74 = tpu.memref_slice %arg6[%mul3A_73] : memref<20000xi32, #tpu.memory_space<vmem>> -> memref<80xi32, #tpu.memory_space<vmem>>
      %dma_start3A_75 = arith.constant 0 : i32
      %dma_start3A_76 = tpu.memref_slice %arg8[%dma_start3A_75] : memref<10240xf32, #tpu.memory_space<vmem_shared>> -> memref<10240xf32, #tpu.memory_space<vmem_shared>>
      tpu.enqueue_indirect_dma source(%arg7 : memref<80xf32, #tpu.memory_space<vmem>>) target(%dma_start3A_76 : memref<10240xf32, #tpu.memory_space<vmem_shared>>) offsets(%dma_start3A_74 : memref<80xi32, #tpu.memory_space<vmem>>) semaphore(%arg9 : memref<!tpu.dma_semaphore, #tpu.memory_space<semaphore_mem>>) {add = true}
      %mul3A_77 = arith.constant 10 : i32
      %mul3A_78 = arith.muli %scan3A_42, %mul3A_77 : i32
      %add3A_79 = arith.constant 4 : i32
      %add3A_80 = arith.addi %mul3A_78, %add3A_79 : i32
      %mul3A_81 = arith.constant 80 : i32
      %mul3A_82 = arith.muli %add3A_80, %mul3A_81 : i32
      %dma_start3A_83 = tpu.memref_slice %arg6[%mul3A_82] : memref<20000xi32, #tpu.memory_space<vmem>> -> memref<80xi32, #tpu.memory_space<vmem>>
      %dma_start3A_84 = arith.constant 0 : i32
      %dma_start3A_85 = tpu.memref_slice %arg8[%dma_start3A_84] : memref<10240xf32, #tpu.memory_space<vmem_shared>> -> memref<10240xf32, #tpu.memory_space<vmem_shared>>
      tpu.enqueue_indirect_dma source(%arg7 : memref<80xf32, #tpu.memory_space<vmem>>) target(%dma_start3A_85 : memref<10240xf32, #tpu.memory_space<vmem_shared>>) offsets(%dma_start3A_83 : memref<80xi32, #tpu.memory_space<vmem>>) semaphore(%arg9 : memref<!tpu.dma_semaphore, #tpu.memory_space<semaphore_mem>>) {add = true}
      %mul3A_86 = arith.constant 10 : i32
      %mul3A_87 = arith.muli %scan3A_42, %mul3A_86 : i32
      %add3A_88 = arith.constant 5 : i32
      %add3A_89 = arith.addi %mul3A_87, %add3A_88 : i32
      %mul3A_90 = arith.constant 80 : i32
      %mul3A_91 = arith.muli %add3A_89, %mul3A_90 : i32
      %dma_start3A_92 = tpu.memref_slice %arg6[%mul3A_91] : memref<20000xi32, #tpu.memory_space<vmem>> -> memref<80xi32, #tpu.memory_space<vmem>>
      %dma_start3A_93 = arith.constant 0 : i32
      %dma_start3A_94 = tpu.memref_slice %arg8[%dma_start3A_93] : memref<10240xf32, #tpu.memory_space<vmem_shared>> -> memref<10240xf32, #tpu.memory_space<vmem_shared>>
      tpu.enqueue_indirect_dma source(%arg7 : memref<80xf32, #tpu.memory_space<vmem>>) target(%dma_start3A_94 : memref<10240xf32, #tpu.memory_space<vmem_shared>>) offsets(%dma_start3A_92 : memref<80xi32, #tpu.memory_space<vmem>>) semaphore(%arg9 : memref<!tpu.dma_semaphore, #tpu.memory_space<semaphore_mem>>) {add = true}
      %mul3A_95 = arith.constant 10 : i32
      %mul3A_96 = arith.muli %scan3A_42, %mul3A_95 : i32
      %add3A_97 = arith.constant 6 : i32
      %add3A_98 = arith.addi %mul3A_96, %add3A_97 : i32
      %mul3A_99 = arith.constant 80 : i32
      %mul3A_100 = arith.muli %add3A_98, %mul3A_99 : i32
      %dma_start3A_101 = tpu.memref_slice %arg6[%mul3A_100] : memref<20000xi32, #tpu.memory_space<vmem>> -> memref<80xi32, #tpu.memory_space<vmem>>
      %dma_start3A_102 = arith.constant 0 : i32
      %dma_start3A_103 = tpu.memref_slice %arg8[%dma_start3A_102] : memref<10240xf32, #tpu.memory_space<vmem_shared>> -> memref<10240xf32, #tpu.memory_space<vmem_shared>>
      tpu.enqueue_indirect_dma source(%arg7 : memref<80xf32, #tpu.memory_space<vmem>>) target(%dma_start3A_103 : memref<10240xf32, #tpu.memory_space<vmem_shared>>) offsets(%dma_start3A_101 : memref<80xi32, #tpu.memory_space<vmem>>) semaphore(%arg9 : memref<!tpu.dma_semaphore, #tpu.memory_space<semaphore_mem>>) {add = true}
      %mul3A_104 = arith.constant 10 : i32
      %mul3A_105 = arith.muli %scan3A_42, %mul3A_104 : i32
      %add3A_106 = arith.constant 7 : i32
      %add3A_107 = arith.addi %mul3A_105, %add3A_106 : i32
      %mul3A_108 = arith.constant 80 : i32
      %mul3A_109 = arith.muli %add3A_107, %mul3A_108 : i32
      %dma_start3A_110 = tpu.memref_slice %arg6[%mul3A_109] : memref<20000xi32, #tpu.memory_space<vmem>> -> memref<80xi32, #tpu.memory_space<vmem>>
      %dma_start3A_111 = arith.constant 0 : i32
      %dma_start3A_112 = tpu.memref_slice %arg8[%dma_start3A_111] : memref<10240xf32, #tpu.memory_space<vmem_shared>> -> memref<10240xf32, #tpu.memory_space<vmem_shared>>
      tpu.enqueue_indirect_dma source(%arg7 : memref<80xf32, #tpu.memory_space<vmem>>) target(%dma_start3A_112 : memref<10240xf32, #tpu.memory_space<vmem_shared>>) offsets(%dma_start3A_110 : memref<80xi32, #tpu.memory_space<vmem>>) semaphore(%arg9 : memref<!tpu.dma_semaphore, #tpu.memory_space<semaphore_mem>>) {add = true}
      %mul3A_113 = arith.constant 10 : i32
      %mul3A_114 = arith.muli %scan3A_42, %mul3A_113 : i32
      %add3A_115 = arith.constant 8 : i32
      %add3A_116 = arith.addi %mul3A_114, %add3A_115 : i32
      %mul3A_117 = arith.constant 80 : i32
      %mul3A_118 = arith.muli %add3A_116, %mul3A_117 : i32
      %dma_start3A_119 = tpu.memref_slice %arg6[%mul3A_118] : memref<20000xi32, #tpu.memory_space<vmem>> -> memref<80xi32, #tpu.memory_space<vmem>>
      %dma_start3A_120 = arith.constant 0 : i32
      %dma_start3A_121 = tpu.memref_slice %arg8[%dma_start3A_120] : memref<10240xf32, #tpu.memory_space<vmem_shared>> -> memref<10240xf32, #tpu.memory_space<vmem_shared>>
      tpu.enqueue_indirect_dma source(%arg7 : memref<80xf32, #tpu.memory_space<vmem>>) target(%dma_start3A_121 : memref<10240xf32, #tpu.memory_space<vmem_shared>>) offsets(%dma_start3A_119 : memref<80xi32, #tpu.memory_space<vmem>>) semaphore(%arg9 : memref<!tpu.dma_semaphore, #tpu.memory_space<semaphore_mem>>) {add = true}
      %mul3A_122 = arith.constant 10 : i32
      %mul3A_123 = arith.muli %scan3A_42, %mul3A_122 : i32
      %add3A_124 = arith.constant 9 : i32
      %add3A_125 = arith.addi %mul3A_123, %add3A_124 : i32
      %mul3A_126 = arith.constant 80 : i32
      %mul3A_127 = arith.muli %add3A_125, %mul3A_126 : i32
      %dma_start3A_128 = tpu.memref_slice %arg6[%mul3A_127] : memref<20000xi32, #tpu.memory_space<vmem>> -> memref<80xi32, #tpu.memory_space<vmem>>
      %dma_start3A_129 = arith.constant 0 : i32
      %dma_start3A_130 = tpu.memref_slice %arg8[%dma_start3A_129] : memref<10240xf32, #tpu.memory_space<vmem_shared>> -> memref<10240xf32, #tpu.memory_space<vmem_shared>>
      tpu.enqueue_indirect_dma source(%arg7 : memref<80xf32, #tpu.memory_space<vmem>>) target(%dma_start3A_130 : memref<10240xf32, #tpu.memory_space<vmem_shared>>) offsets(%dma_start3A_128 : memref<80xi32, #tpu.memory_space<vmem>>) semaphore(%arg9 : memref<!tpu.dma_semaphore, #tpu.memory_space<semaphore_mem>>) {add = true}
      %mul3A_131 = arith.constant 10 : i32
      %mul3A_132 = arith.muli %scan3A_42, %mul3A_131 : i32
      %add3A_133 = arith.constant 0 : i32
      %add3A_134 = arith.addi %mul3A_132, %add3A_133 : i32
      %mul3A_135 = arith.constant 80 : i32
      %mul3A_136 = arith.muli %add3A_134, %mul3A_135 : i32
      %dma_wait3A = tpu.memref_slice %arg6[%mul3A_136] : memref<20000xi32, #tpu.memory_space<vmem>> -> memref<80xi32, #tpu.memory_space<vmem>>
      %dma_wait3A_137 = arith.constant 0 : i32
      %dma_wait3A_138 = tpu.memref_slice %arg8[%dma_wait3A_137] : memref<10240xf32, #tpu.memory_space<vmem_shared>> -> memref<10240xf32, #tpu.memory_space<vmem_shared>>
      tpu.wait_indirect_dma semaphore(%arg9 : memref<!tpu.dma_semaphore, #tpu.memory_space<semaphore_mem>>) src(%arg7 : memref<80xf32, #tpu.memory_space<vmem>>) dst(%dma_wait3A_138 : memref<10240xf32, #tpu.memory_space<vmem_shared>>)
      %mul3A_139 = arith.constant 10 : i32
      %mul3A_140 = arith.muli %scan3A_42, %mul3A_139 : i32
      %add3A_141 = arith.constant 1 : i32
      %add3A_142 = arith.addi %mul3A_140, %add3A_141 : i32
      %mul3A_143 = arith.constant 80 : i32
      %mul3A_144 = arith.muli %add3A_142, %mul3A_143 : i32
      %dma_wait3A_145 = tpu.memref_slice %arg6[%mul3A_144] : memref<20000xi32, #tpu.memory_space<vmem>> -> memref<80xi32, #tpu.memory_space<vmem>>
      %dma_wait3A_146 = arith.constant 0 : i32
      %dma_wait3A_147 = tpu.memref_slice %arg8[%dma_wait3A_146] : memref<10240xf32, #tpu.memory_space<vmem_shared>> -> memref<10240xf32, #tpu.memory_space<vmem_shared>>
      tpu.wait_indirect_dma semaphore(%arg9 : memref<!tpu.dma_semaphore, #tpu.memory_space<semaphore_mem>>) src(%arg7 : memref<80xf32, #tpu.memory_space<vmem>>) dst(%dma_wait3A_147 : memref<10240xf32, #tpu.memory_space<vmem_shared>>)
      %mul3A_148 = arith.constant 10 : i32
      %mul3A_149 = arith.muli %scan3A_42, %mul3A_148 : i32
      %add3A_150 = arith.constant 2 : i32
      %add3A_151 = arith.addi %mul3A_149, %add3A_150 : i32
      %mul3A_152 = arith.constant 80 : i32
      %mul3A_153 = arith.muli %add3A_151, %mul3A_152 : i32
      %dma_wait3A_154 = tpu.memref_slice %arg6[%mul3A_153] : memref<20000xi32, #tpu.memory_space<vmem>> -> memref<80xi32, #tpu.memory_space<vmem>>
      %dma_wait3A_155 = arith.constant 0 : i32
      %dma_wait3A_156 = tpu.memref_slice %arg8[%dma_wait3A_155] : memref<10240xf32, #tpu.memory_space<vmem_shared>> -> memref<10240xf32, #tpu.memory_space<vmem_shared>>
      tpu.wait_indirect_dma semaphore(%arg9 : memref<!tpu.dma_semaphore, #tpu.memory_space<semaphore_mem>>) src(%arg7 : memref<80xf32, #tpu.memory_space<vmem>>) dst(%dma_wait3A_156 : memref<10240xf32, #tpu.memory_space<vmem_shared>>)
      %mul3A_157 = arith.constant 10 : i32
      %mul3A_158 = arith.muli %scan3A_42, %mul3A_157 : i32
      %add3A_159 = arith.constant 3 : i32
      %add3A_160 = arith.addi %mul3A_158, %add3A_159 : i32
      %mul3A_161 = arith.constant 80 : i32
      %mul3A_162 = arith.muli %add3A_160, %mul3A_161 : i32
      %dma_wait3A_163 = tpu.memref_slice %arg6[%mul3A_162] : memref<20000xi32, #tpu.memory_space<vmem>> -> memref<80xi32, #tpu.memory_space<vmem>>
      %dma_wait3A_164 = arith.constant 0 : i32
      %dma_wait3A_165 = tpu.memref_slice %arg8[%dma_wait3A_164] : memref<10240xf32, #tpu.memory_space<vmem_shared>> -> memref<10240xf32, #tpu.memory_space<vmem_shared>>
      tpu.wait_indirect_dma semaphore(%arg9 : memref<!tpu.dma_semaphore, #tpu.memory_space<semaphore_mem>>) src(%arg7 : memref<80xf32, #tpu.memory_space<vmem>>) dst(%dma_wait3A_165 : memref<10240xf32, #tpu.memory_space<vmem_shared>>)
      %mul3A_166 = arith.constant 10 : i32
      %mul3A_167 = arith.muli %scan3A_42, %mul3A_166 : i32
      %add3A_168 = arith.constant 4 : i32
      %add3A_169 = arith.addi %mul3A_167, %add3A_168 : i32
      %mul3A_170 = arith.constant 80 : i32
      %mul3A_171 = arith.muli %add3A_169, %mul3A_170 : i32
      %dma_wait3A_172 = tpu.memref_slice %arg6[%mul3A_171] : memref<20000xi32, #tpu.memory_space<vmem>> -> memref<80xi32, #tpu.memory_space<vmem>>
      %dma_wait3A_173 = arith.constant 0 : i32
      %dma_wait3A_174 = tpu.memref_slice %arg8[%dma_wait3A_173] : memref<10240xf32, #tpu.memory_space<vmem_shared>> -> memref<10240xf32, #tpu.memory_space<vmem_shared>>
      tpu.wait_indirect_dma semaphore(%arg9 : memref<!tpu.dma_semaphore, #tpu.memory_space<semaphore_mem>>) src(%arg7 : memref<80xf32, #tpu.memory_space<vmem>>) dst(%dma_wait3A_174 : memref<10240xf32, #tpu.memory_space<vmem_shared>>)
      %mul3A_175 = arith.constant 10 : i32
      %mul3A_176 = arith.muli %scan3A_42, %mul3A_175 : i32
      %add3A_177 = arith.constant 5 : i32
      %add3A_178 = arith.addi %mul3A_176, %add3A_177 : i32
      %mul3A_179 = arith.constant 80 : i32
      %mul3A_180 = arith.muli %add3A_178, %mul3A_179 : i32
      %dma_wait3A_181 = tpu.memref_slice %arg6[%mul3A_180] : memref<20000xi32, #tpu.memory_space<vmem>> -> memref<80xi32, #tpu.memory_space<vmem>>
      %dma_wait3A_182 = arith.constant 0 : i32
      %dma_wait3A_183 = tpu.memref_slice %arg8[%dma_wait3A_182] : memref<10240xf32, #tpu.memory_space<vmem_shared>> -> memref<10240xf32, #tpu.memory_space<vmem_shared>>
      tpu.wait_indirect_dma semaphore(%arg9 : memref<!tpu.dma_semaphore, #tpu.memory_space<semaphore_mem>>) src(%arg7 : memref<80xf32, #tpu.memory_space<vmem>>) dst(%dma_wait3A_183 : memref<10240xf32, #tpu.memory_space<vmem_shared>>)
      %mul3A_184 = arith.constant 10 : i32
      %mul3A_185 = arith.muli %scan3A_42, %mul3A_184 : i32
      %add3A_186 = arith.constant 6 : i32
      %add3A_187 = arith.addi %mul3A_185, %add3A_186 : i32
      %mul3A_188 = arith.constant 80 : i32
      %mul3A_189 = arith.muli %add3A_187, %mul3A_188 : i32
      %dma_wait3A_190 = tpu.memref_slice %arg6[%mul3A_189] : memref<20000xi32, #tpu.memory_space<vmem>> -> memref<80xi32, #tpu.memory_space<vmem>>
      %dma_wait3A_191 = arith.constant 0 : i32
      %dma_wait3A_192 = tpu.memref_slice %arg8[%dma_wait3A_191] : memref<10240xf32, #tpu.memory_space<vmem_shared>> -> memref<10240xf32, #tpu.memory_space<vmem_shared>>
      tpu.wait_indirect_dma semaphore(%arg9 : memref<!tpu.dma_semaphore, #tpu.memory_space<semaphore_mem>>) src(%arg7 : memref<80xf32, #tpu.memory_space<vmem>>) dst(%dma_wait3A_192 : memref<10240xf32, #tpu.memory_space<vmem_shared>>)
      %mul3A_193 = arith.constant 10 : i32
      %mul3A_194 = arith.muli %scan3A_42, %mul3A_193 : i32
      %add3A_195 = arith.constant 7 : i32
      %add3A_196 = arith.addi %mul3A_194, %add3A_195 : i32
      %mul3A_197 = arith.constant 80 : i32
      %mul3A_198 = arith.muli %add3A_196, %mul3A_197 : i32
      %dma_wait3A_199 = tpu.memref_slice %arg6[%mul3A_198] : memref<20000xi32, #tpu.memory_space<vmem>> -> memref<80xi32, #tpu.memory_space<vmem>>
      %dma_wait3A_200 = arith.constant 0 : i32
      %dma_wait3A_201 = tpu.memref_slice %arg8[%dma_wait3A_200] : memref<10240xf32, #tpu.memory_space<vmem_shared>> -> memref<10240xf32, #tpu.memory_space<vmem_shared>>
      tpu.wait_indirect_dma semaphore(%arg9 : memref<!tpu.dma_semaphore, #tpu.memory_space<semaphore_mem>>) src(%arg7 : memref<80xf32, #tpu.memory_space<vmem>>) dst(%dma_wait3A_201 : memref<10240xf32, #tpu.memory_space<vmem_shared>>)
      %mul3A_202 = arith.constant 10 : i32
      %mul3A_203 = arith.muli %scan3A_42, %mul3A_202 : i32
      %add3A_204 = arith.constant 8 : i32
      %add3A_205 = arith.addi %mul3A_203, %add3A_204 : i32
      %mul3A_206 = arith.constant 80 : i32
      %mul3A_207 = arith.muli %add3A_205, %mul3A_206 : i32
      %dma_wait3A_208 = tpu.memref_slice %arg6[%mul3A_207] : memref<20000xi32, #tpu.memory_space<vmem>> -> memref<80xi32, #tpu.memory_space<vmem>>
      %dma_wait3A_209 = arith.constant 0 : i32
      %dma_wait3A_210 = tpu.memref_slice %arg8[%dma_wait3A_209] : memref<10240xf32, #tpu.memory_space<vmem_shared>> -> memref<10240xf32, #tpu.memory_space<vmem_shared>>
      tpu.wait_indirect_dma semaphore(%arg9 : memref<!tpu.dma_semaphore, #tpu.memory_space<semaphore_mem>>) src(%arg7 : memref<80xf32, #tpu.memory_space<vmem>>) dst(%dma_wait3A_210 : memref<10240xf32, #tpu.memory_space<vmem_shared>>)
      %mul3A_211 = arith.constant 10 : i32
      %mul3A_212 = arith.muli %scan3A_42, %mul3A_211 : i32
      %add3A_213 = arith.constant 9 : i32
      %add3A_214 = arith.addi %mul3A_212, %add3A_213 : i32
      %mul3A_215 = arith.constant 80 : i32
      %mul3A_216 = arith.muli %add3A_214, %mul3A_215 : i32
      %dma_wait3A_217 = tpu.memref_slice %arg6[%mul3A_216] : memref<20000xi32, #tpu.memory_space<vmem>> -> memref<80xi32, #tpu.memory_space<vmem>>
      %dma_wait3A_218 = arith.constant 0 : i32
      %dma_wait3A_219 = tpu.memref_slice %arg8[%dma_wait3A_218] : memref<10240xf32, #tpu.memory_space<vmem_shared>> -> memref<10240xf32, #tpu.memory_space<vmem_shared>>
      tpu.wait_indirect_dma semaphore(%arg9 : memref<!tpu.dma_semaphore, #tpu.memory_space<semaphore_mem>>) src(%arg7 : memref<80xf32, #tpu.memory_space<vmem>>) dst(%dma_wait3A_219 : memref<10240xf32, #tpu.memory_space<vmem_shared>>)
    }
    %scan3A_40 = arith.constant 25 : i32
    %barrier3A_41 = arith.constant 0 : index
    tpu.barrier barrier_id(%barrier3A_41)
    "tpu.region"() ({
      %run_scoped3A = tpu.sem_alloc : memref<!tpu.dma_semaphore, #tpu.memory_space<semaphore_mem>>
      %dma_start3A = tpu.memref_slice %arg5[%arg0, %mul3A_0] : memref<2x10240xf32, #tpu.memory_space<hbm>> -> memref<1x640xf32, #tpu.memory_space<hbm>>
      %dma_start3A_42 = tpu.memref_squeeze %dma_start3A : memref<1x640xf32, #tpu.memory_space<hbm>> -> memref<640xf32, #tpu.memory_space<hbm>>
      %dma_start3A_43 = tpu.memref_slice %arg8[%mul3A_0] : memref<10240xf32, #tpu.memory_space<vmem_shared>> -> memref<640xf32, #tpu.memory_space<vmem_shared>>
      tpu.enqueue_dma source(%dma_start3A_43 : memref<640xf32, #tpu.memory_space<vmem_shared>>) target(%dma_start3A_42 : memref<640xf32, #tpu.memory_space<hbm>>) target_semaphore(%run_scoped3A : memref<!tpu.dma_semaphore, #tpu.memory_space<semaphore_mem>>)
      %dma_wait3A = tpu.memref_slice %arg5[%arg0, %mul3A_0] : memref<2x10240xf32, #tpu.memory_space<hbm>> -> memref<1x640xf32, #tpu.memory_space<hbm>>
      %dma_wait3A_44 = tpu.memref_squeeze %dma_wait3A : memref<1x640xf32, #tpu.memory_space<hbm>> -> memref<640xf32, #tpu.memory_space<hbm>>
      %dma_wait3A_45 = tpu.memref_slice %arg8[%mul3A_0] : memref<10240xf32, #tpu.memory_space<vmem_shared>> -> memref<640xf32, #tpu.memory_space<vmem_shared>>
      tpu.wait_dma2 semaphore(%run_scoped3A : memref<!tpu.dma_semaphore, #tpu.memory_space<semaphore_mem>>) src(%dma_wait3A_45 : memref<640xf32, #tpu.memory_space<vmem_shared>>) dst(%dma_wait3A_44 : memref<640xf32, #tpu.memory_space<hbm>>)
      tpu.yield
    }) : () -> ()
    return
  }
}

#map = affine_map<(d0, d1) -> (0, 0)>
#map1 = affine_map<(d0, d1) -> (0)>
#map2 = affine_map<(d0, d1) -> (0, 0, 0)>
module attributes {stable_mosaic.version = 14 : i64} {
  func.func @_sc_edge_agg(%arg0: i32, %arg1: i32, %arg2: memref<10240x64xf32, #tpu.memory_space<hbm>>, %arg3: memref<320000xi32, #tpu.memory_space<hbm>>, %arg4: memref<320000xi32, #tpu.memory_space<hbm>>, %arg5: memref<10240x64xf32, #tpu.memory_space<hbm>>, %arg6: memref<2x10240x64xf32, #tpu.memory_space<hbm>>, %arg7: memref<10000xi32, #tpu.memory_space<vmem>>, %arg8: memref<10000xi32, #tpu.memory_space<vmem>>, %arg9: memref<5x80x64xf32, #tpu.memory_space<vmem>>, %arg10: memref<10240x64xf32, #tpu.memory_space<vmem_shared>>, %arg11: memref<5x!tpu.dma_semaphore, #tpu.memory_space<semaphore_mem>>) attributes {dimension_semantics = [#tpu.dimension_semantics<core_parallel>, #tpu.dimension_semantics<subcore_parallel>], iteration_bounds = array<i64: 2, 16>, scalar_prefetch = 0 : i64, scratch_operands = 5 : i64, tpu.core_type = #tpu.core_type<sc_vector_subcore>, window_params = [{transform_indices = #map}, {transform_indices = #map1}, {transform_indices = #map1}, {transform_indices = #map}, {transform_indices = #map2}]} {
    %mul3A = arith.constant 2 : i32
    %mul3A_0 = arith.muli %arg1, %mul3A : i32
    %add3A = arith.addi %mul3A_0, %arg0 : i32
    %mul3A_1 = arith.constant 640 : i32
    %mul3A_2 = arith.muli %arg1, %mul3A_1 : i32
    %mul3A_3 = arith.constant 10000 : i32
    %mul3A_4 = arith.muli %add3A, %mul3A_3 : i32
    "tpu.region"() ({
      %run_scoped3A = tpu.sem_alloc : memref<!tpu.dma_semaphore, #tpu.memory_space<semaphore_mem>>
      %dma_start3A_77 = tpu.memref_slice %arg3[%mul3A_4] : memref<320000xi32, #tpu.memory_space<hbm>> -> memref<10000xi32, #tpu.memory_space<hbm>>
      %dma_start3A_78 = tpu.memref_slice %arg3[%mul3A_4] : memref<320000xi32, #tpu.memory_space<hbm>> -> memref<10000xi32, #tpu.memory_space<hbm>>
      tpu.enqueue_dma source(%dma_start3A_78 : memref<10000xi32, #tpu.memory_space<hbm>>) target(%arg7 : memref<10000xi32, #tpu.memory_space<vmem>>) target_semaphore(%run_scoped3A : memref<!tpu.dma_semaphore, #tpu.memory_space<semaphore_mem>>)
      %dma_wait3A = tpu.memref_slice %arg3[%mul3A_4] : memref<320000xi32, #tpu.memory_space<hbm>> -> memref<10000xi32, #tpu.memory_space<hbm>>
      %dma_wait3A_79 = tpu.memref_slice %arg3[%mul3A_4] : memref<320000xi32, #tpu.memory_space<hbm>> -> memref<10000xi32, #tpu.memory_space<hbm>>
      tpu.wait_dma2 semaphore(%run_scoped3A : memref<!tpu.dma_semaphore, #tpu.memory_space<semaphore_mem>>) src(%dma_wait3A_79 : memref<10000xi32, #tpu.memory_space<hbm>>) dst(%arg7 : memref<10000xi32, #tpu.memory_space<vmem>>)
      tpu.yield
    }) : () -> ()
    %mul3A_5 = arith.constant 10000 : i32
    %mul3A_6 = arith.muli %add3A, %mul3A_5 : i32
    "tpu.region"() ({
      %run_scoped3A = tpu.sem_alloc : memref<!tpu.dma_semaphore, #tpu.memory_space<semaphore_mem>>
      %dma_start3A_77 = tpu.memref_slice %arg4[%mul3A_6] : memref<320000xi32, #tpu.memory_space<hbm>> -> memref<10000xi32, #tpu.memory_space<hbm>>
      %dma_start3A_78 = tpu.memref_slice %arg4[%mul3A_6] : memref<320000xi32, #tpu.memory_space<hbm>> -> memref<10000xi32, #tpu.memory_space<hbm>>
      tpu.enqueue_dma source(%dma_start3A_78 : memref<10000xi32, #tpu.memory_space<hbm>>) target(%arg8 : memref<10000xi32, #tpu.memory_space<vmem>>) target_semaphore(%run_scoped3A : memref<!tpu.dma_semaphore, #tpu.memory_space<semaphore_mem>>)
      %dma_wait3A = tpu.memref_slice %arg4[%mul3A_6] : memref<320000xi32, #tpu.memory_space<hbm>> -> memref<10000xi32, #tpu.memory_space<hbm>>
      %dma_wait3A_79 = tpu.memref_slice %arg4[%mul3A_6] : memref<320000xi32, #tpu.memory_space<hbm>> -> memref<10000xi32, #tpu.memory_space<hbm>>
      tpu.wait_dma2 semaphore(%run_scoped3A : memref<!tpu.dma_semaphore, #tpu.memory_space<semaphore_mem>>) src(%dma_wait3A_79 : memref<10000xi32, #tpu.memory_space<hbm>>) dst(%arg8 : memref<10000xi32, #tpu.memory_space<vmem>>)
      tpu.yield
    }) : () -> ()
    "tpu.region"() ({
      %run_scoped3A = tpu.sem_alloc : memref<!tpu.dma_semaphore, #tpu.memory_space<semaphore_mem>>
      %dma_start3A_77 = arith.constant 0 : i32
      %dma_start3A_78 = tpu.memref_slice %arg10[%mul3A_2, %dma_start3A_77] : memref<10240x64xf32, #tpu.memory_space<vmem_shared>> -> memref<640x64xf32, #tpu.memory_space<vmem_shared>>
      %dma_start3A_79 = arith.constant 0 : i32
      %dma_start3A_80 = tpu.memref_slice %arg5[%mul3A_2, %dma_start3A_79] : memref<10240x64xf32, #tpu.memory_space<hbm>> -> memref<640x64xf32, #tpu.memory_space<hbm>>
      tpu.enqueue_dma source(%dma_start3A_80 : memref<640x64xf32, #tpu.memory_space<hbm>>) target(%dma_start3A_78 : memref<640x64xf32, #tpu.memory_space<vmem_shared>>) target_semaphore(%run_scoped3A : memref<!tpu.dma_semaphore, #tpu.memory_space<semaphore_mem>>)
      %dma_wait3A = arith.constant 0 : i32
      %dma_wait3A_81 = tpu.memref_slice %arg10[%mul3A_2, %dma_wait3A] : memref<10240x64xf32, #tpu.memory_space<vmem_shared>> -> memref<640x64xf32, #tpu.memory_space<vmem_shared>>
      %dma_wait3A_82 = arith.constant 0 : i32
      %dma_wait3A_83 = tpu.memref_slice %arg5[%mul3A_2, %dma_wait3A_82] : memref<10240x64xf32, #tpu.memory_space<hbm>> -> memref<640x64xf32, #tpu.memory_space<hbm>>
      tpu.wait_dma2 semaphore(%run_scoped3A : memref<!tpu.dma_semaphore, #tpu.memory_space<semaphore_mem>>) src(%dma_wait3A_83 : memref<640x64xf32, #tpu.memory_space<hbm>>) dst(%dma_wait3A_81 : memref<640x64xf32, #tpu.memory_space<vmem_shared>>)
      tpu.yield
    }) : () -> ()
    %barrier3A = arith.constant 0 : index
    tpu.barrier barrier_id(%barrier3A)
    %dma_start3A = arith.constant 0 : i32
    %dma_start3A_7 = arith.constant 0 : i32
    %dma_start3A_8 = arith.constant 0 : i32
    %dma_start3A_9 = arith.constant 0 : i32
    %dma_start3A_10 = tpu.memref_slice %arg9[%dma_start3A, %dma_start3A_8, %dma_start3A_9] : memref<5x80x64xf32, #tpu.memory_space<vmem>> -> memref<1x80x64xf32, #tpu.memory_space<vmem>>
    %dma_start3A_11 = tpu.memref_squeeze %dma_start3A_10 : memref<1x80x64xf32, #tpu.memory_space<vmem>> -> memref<80x64xf32, #tpu.memory_space<vmem>>
    %dma_start3A_12 = arith.constant 0 : i32
    %dma_start3A_13 = tpu.memref_slice %arg7[%dma_start3A_12] : memref<10000xi32, #tpu.memory_space<vmem>> -> memref<80xi32, #tpu.memory_space<vmem>>
    %dma_start3A_14 = arith.constant 0 : i32
    %dma_start3A_15 = arith.constant 0 : i32
    %dma_start3A_16 = tpu.memref_slice %arg2[%dma_start3A_14, %dma_start3A_15] : memref<10240x64xf32, #tpu.memory_space<hbm>> -> memref<10240x64xf32, #tpu.memory_space<hbm>>
    %dma_start3A_17 = tpu.memref_slice %arg11[%dma_start3A_7] : memref<5x!tpu.dma_semaphore, #tpu.memory_space<semaphore_mem>> -> memref<1x!tpu.dma_semaphore, #tpu.memory_space<semaphore_mem>>
    %dma_start3A_18 = tpu.memref_squeeze %dma_start3A_17 : memref<1x!tpu.dma_semaphore, #tpu.memory_space<semaphore_mem>> -> memref<!tpu.dma_semaphore, #tpu.memory_space<semaphore_mem>>
    tpu.enqueue_indirect_dma source(%dma_start3A_16 : memref<10240x64xf32, #tpu.memory_space<hbm>>) target(%dma_start3A_11 : memref<80x64xf32, #tpu.memory_space<vmem>>) offsets(%dma_start3A_13 : memref<80xi32, #tpu.memory_space<vmem>>) semaphore(%dma_start3A_18 : memref<!tpu.dma_semaphore, #tpu.memory_space<semaphore_mem>>)
    %dma_start3A_19 = arith.constant 1 : i32
    %dma_start3A_20 = arith.constant 1 : i32
    %dma_start3A_21 = arith.constant 0 : i32
    %dma_start3A_22 = arith.constant 0 : i32
    %dma_start3A_23 = tpu.memref_slice %arg9[%dma_start3A_19, %dma_start3A_21, %dma_start3A_22] : memref<5x80x64xf32, #tpu.memory_space<vmem>> -> memref<1x80x64xf32, #tpu.memory_space<vmem>>
    %dma_start3A_24 = tpu.memref_squeeze %dma_start3A_23 : memref<1x80x64xf32, #tpu.memory_space<vmem>> -> memref<80x64xf32, #tpu.memory_space<vmem>>
    %dma_start3A_25 = arith.constant 80 : i32
    %dma_start3A_26 = tpu.memref_slice %arg7[%dma_start3A_25] : memref<10000xi32, #tpu.memory_space<vmem>> -> memref<80xi32, #tpu.memory_space<vmem>>
    %dma_start3A_27 = arith.constant 0 : i32
    %dma_start3A_28 = arith.constant 0 : i32
    %dma_start3A_29 = tpu.memref_slice %arg2[%dma_start3A_27, %dma_start3A_28] : memref<10240x64xf32, #tpu.memory_space<hbm>> -> memref<10240x64xf32, #tpu.memory_space<hbm>>
    %dma_start3A_30 = tpu.memref_slice %arg11[%dma_start3A_20] : memref<5x!tpu.dma_semaphore, #tpu.memory_space<semaphore_mem>> -> memref<1x!tpu.dma_semaphore, #tpu.memory_space<semaphore_mem>>
    %dma_start3A_31 = tpu.memref_squeeze %dma_start3A_30 : memref<1x!tpu.dma_semaphore, #tpu.memory_space<semaphore_mem>> -> memref<!tpu.dma_semaphore, #tpu.memory_space<semaphore_mem>>
    tpu.enqueue_indirect_dma source(%dma_start3A_29 : memref<10240x64xf32, #tpu.memory_space<hbm>>) target(%dma_start3A_24 : memref<80x64xf32, #tpu.memory_space<vmem>>) offsets(%dma_start3A_26 : memref<80xi32, #tpu.memory_space<vmem>>) semaphore(%dma_start3A_31 : memref<!tpu.dma_semaphore, #tpu.memory_space<semaphore_mem>>)
    %dma_start3A_32 = arith.constant 2 : i32
    %dma_start3A_33 = arith.constant 2 : i32
    %dma_start3A_34 = arith.constant 0 : i32
    %dma_start3A_35 = arith.constant 0 : i32
    %dma_start3A_36 = tpu.memref_slice %arg9[%dma_start3A_32, %dma_start3A_34, %dma_start3A_35] : memref<5x80x64xf32, #tpu.memory_space<vmem>> -> memref<1x80x64xf32, #tpu.memory_space<vmem>>
    %dma_start3A_37 = tpu.memref_squeeze %dma_start3A_36 : memref<1x80x64xf32, #tpu.memory_space<vmem>> -> memref<80x64xf32, #tpu.memory_space<vmem>>
    %dma_start3A_38 = arith.constant 160 : i32
    %dma_start3A_39 = tpu.memref_slice %arg7[%dma_start3A_38] : memref<10000xi32, #tpu.memory_space<vmem>> -> memref<80xi32, #tpu.memory_space<vmem>>
    %dma_start3A_40 = arith.constant 0 : i32
    %dma_start3A_41 = arith.constant 0 : i32
    %dma_start3A_42 = tpu.memref_slice %arg2[%dma_start3A_40, %dma_start3A_41] : memref<10240x64xf32, #tpu.memory_space<hbm>> -> memref<10240x64xf32, #tpu.memory_space<hbm>>
    %dma_start3A_43 = tpu.memref_slice %arg11[%dma_start3A_33] : memref<5x!tpu.dma_semaphore, #tpu.memory_space<semaphore_mem>> -> memref<1x!tpu.dma_semaphore, #tpu.memory_space<semaphore_mem>>
    %dma_start3A_44 = tpu.memref_squeeze %dma_start3A_43 : memref<1x!tpu.dma_semaphore, #tpu.memory_space<semaphore_mem>> -> memref<!tpu.dma_semaphore, #tpu.memory_space<semaphore_mem>>
    tpu.enqueue_indirect_dma source(%dma_start3A_42 : memref<10240x64xf32, #tpu.memory_space<hbm>>) target(%dma_start3A_37 : memref<80x64xf32, #tpu.memory_space<vmem>>) offsets(%dma_start3A_39 : memref<80xi32, #tpu.memory_space<vmem>>) semaphore(%dma_start3A_44 : memref<!tpu.dma_semaphore, #tpu.memory_space<semaphore_mem>>)
    %dma_start3A_45 = arith.constant 3 : i32
    %dma_start3A_46 = arith.constant 3 : i32
    %dma_start3A_47 = arith.constant 0 : i32
    %dma_start3A_48 = arith.constant 0 : i32
    %dma_start3A_49 = tpu.memref_slice %arg9[%dma_start3A_45, %dma_start3A_47, %dma_start3A_48] : memref<5x80x64xf32, #tpu.memory_space<vmem>> -> memref<1x80x64xf32, #tpu.memory_space<vmem>>
    %dma_start3A_50 = tpu.memref_squeeze %dma_start3A_49 : memref<1x80x64xf32, #tpu.memory_space<vmem>> -> memref<80x64xf32, #tpu.memory_space<vmem>>
    %dma_start3A_51 = arith.constant 240 : i32
    %dma_start3A_52 = tpu.memref_slice %arg7[%dma_start3A_51] : memref<10000xi32, #tpu.memory_space<vmem>> -> memref<80xi32, #tpu.memory_space<vmem>>
    %dma_start3A_53 = arith.constant 0 : i32
    %dma_start3A_54 = arith.constant 0 : i32
    %dma_start3A_55 = tpu.memref_slice %arg2[%dma_start3A_53, %dma_start3A_54] : memref<10240x64xf32, #tpu.memory_space<hbm>> -> memref<10240x64xf32, #tpu.memory_space<hbm>>
    %dma_start3A_56 = tpu.memref_slice %arg11[%dma_start3A_46] : memref<5x!tpu.dma_semaphore, #tpu.memory_space<semaphore_mem>> -> memref<1x!tpu.dma_semaphore, #tpu.memory_space<semaphore_mem>>
    %dma_start3A_57 = tpu.memref_squeeze %dma_start3A_56 : memref<1x!tpu.dma_semaphore, #tpu.memory_space<semaphore_mem>> -> memref<!tpu.dma_semaphore, #tpu.memory_space<semaphore_mem>>
    tpu.enqueue_indirect_dma source(%dma_start3A_55 : memref<10240x64xf32, #tpu.memory_space<hbm>>) target(%dma_start3A_50 : memref<80x64xf32, #tpu.memory_space<vmem>>) offsets(%dma_start3A_52 : memref<80xi32, #tpu.memory_space<vmem>>) semaphore(%dma_start3A_57 : memref<!tpu.dma_semaphore, #tpu.memory_space<semaphore_mem>>)
    %dma_start3A_58 = arith.constant 4 : i32
    %dma_start3A_59 = arith.constant 4 : i32
    %dma_start3A_60 = arith.constant 0 : i32
    %dma_start3A_61 = arith.constant 0 : i32
    %dma_start3A_62 = tpu.memref_slice %arg9[%dma_start3A_58, %dma_start3A_60, %dma_start3A_61] : memref<5x80x64xf32, #tpu.memory_space<vmem>> -> memref<1x80x64xf32, #tpu.memory_space<vmem>>
    %dma_start3A_63 = tpu.memref_squeeze %dma_start3A_62 : memref<1x80x64xf32, #tpu.memory_space<vmem>> -> memref<80x64xf32, #tpu.memory_space<vmem>>
    %dma_start3A_64 = arith.constant 320 : i32
    %dma_start3A_65 = tpu.memref_slice %arg7[%dma_start3A_64] : memref<10000xi32, #tpu.memory_space<vmem>> -> memref<80xi32, #tpu.memory_space<vmem>>
    %dma_start3A_66 = arith.constant 0 : i32
    %dma_start3A_67 = arith.constant 0 : i32
    %dma_start3A_68 = tpu.memref_slice %arg2[%dma_start3A_66, %dma_start3A_67] : memref<10240x64xf32, #tpu.memory_space<hbm>> -> memref<10240x64xf32, #tpu.memory_space<hbm>>
    %dma_start3A_69 = tpu.memref_slice %arg11[%dma_start3A_59] : memref<5x!tpu.dma_semaphore, #tpu.memory_space<semaphore_mem>> -> memref<1x!tpu.dma_semaphore, #tpu.memory_space<semaphore_mem>>
    %dma_start3A_70 = tpu.memref_squeeze %dma_start3A_69 : memref<1x!tpu.dma_semaphore, #tpu.memory_space<semaphore_mem>> -> memref<!tpu.dma_semaphore, #tpu.memory_space<semaphore_mem>>
    tpu.enqueue_indirect_dma source(%dma_start3A_68 : memref<10240x64xf32, #tpu.memory_space<hbm>>) target(%dma_start3A_63 : memref<80x64xf32, #tpu.memory_space<vmem>>) offsets(%dma_start3A_65 : memref<80xi32, #tpu.memory_space<vmem>>) semaphore(%dma_start3A_70 : memref<!tpu.dma_semaphore, #tpu.memory_space<semaphore_mem>>)
    %scan3A = arith.constant 0 : i32
    %scan3A_71 = arith.constant 0 : i32
    %scan3A_72 = arith.constant 25 : i32
    %scan3A_73 = arith.addi %scan3A_71, %scan3A_72 : i32
    %scan3A_74 = arith.constant 1 : i32
    scf.for %scan3A_77 = %scan3A_71 to %scan3A_73 step %scan3A_74  : i32 {
      %mul3A_78 = arith.constant 5 : i32
      %mul3A_79 = arith.muli %scan3A_77, %mul3A_78 : i32
      %add3A_80 = arith.constant 0 : i32
      %add3A_81 = arith.addi %mul3A_79, %add3A_80 : i32
      %mul3A_82 = arith.constant 80 : i32
      %mul3A_83 = arith.muli %add3A_81, %mul3A_82 : i32
      %dma_wait3A = arith.constant 0 : i32
      %dma_wait3A_84 = arith.constant 0 : i32
      %dma_wait3A_85 = arith.constant 0 : i32
      %dma_wait3A_86 = arith.constant 0 : i32
      %dma_wait3A_87 = tpu.memref_slice %arg9[%dma_wait3A, %dma_wait3A_85, %dma_wait3A_86] : memref<5x80x64xf32, #tpu.memory_space<vmem>> -> memref<1x80x64xf32, #tpu.memory_space<vmem>>
      %dma_wait3A_88 = tpu.memref_squeeze %dma_wait3A_87 : memref<1x80x64xf32, #tpu.memory_space<vmem>> -> memref<80x64xf32, #tpu.memory_space<vmem>>
      %dma_wait3A_89 = tpu.memref_slice %arg7[%mul3A_83] : memref<10000xi32, #tpu.memory_space<vmem>> -> memref<80xi32, #tpu.memory_space<vmem>>
      %dma_wait3A_90 = arith.constant 0 : i32
      %dma_wait3A_91 = arith.constant 0 : i32
      %dma_wait3A_92 = tpu.memref_slice %arg2[%dma_wait3A_90, %dma_wait3A_91] : memref<10240x64xf32, #tpu.memory_space<hbm>> -> memref<10240x64xf32, #tpu.memory_space<hbm>>
      %dma_wait3A_93 = tpu.memref_slice %arg11[%dma_wait3A_84] : memref<5x!tpu.dma_semaphore, #tpu.memory_space<semaphore_mem>> -> memref<1x!tpu.dma_semaphore, #tpu.memory_space<semaphore_mem>>
      %dma_wait3A_94 = tpu.memref_squeeze %dma_wait3A_93 : memref<1x!tpu.dma_semaphore, #tpu.memory_space<semaphore_mem>> -> memref<!tpu.dma_semaphore, #tpu.memory_space<semaphore_mem>>
      tpu.wait_indirect_dma semaphore(%dma_wait3A_94 : memref<!tpu.dma_semaphore, #tpu.memory_space<semaphore_mem>>) src(%dma_wait3A_92 : memref<10240x64xf32, #tpu.memory_space<hbm>>) dst(%dma_wait3A_88 : memref<80x64xf32, #tpu.memory_space<vmem>>)
      %run_scoped3A = arith.constant 0 : i32
      "tpu.region"() ({
        %run_scoped3A_203 = tpu.sem_alloc : memref<!tpu.dma_semaphore, #tpu.memory_space<semaphore_mem>>
        %dma_start3A_204 = arith.constant 0 : i32
        %dma_start3A_205 = arith.constant 0 : i32
        %dma_start3A_206 = tpu.memref_slice %arg9[%run_scoped3A, %dma_start3A_204, %dma_start3A_205] : memref<5x80x64xf32, #tpu.memory_space<vmem>> -> memref<1x80x64xf32, #tpu.memory_space<vmem>>
        %dma_start3A_207 = tpu.memref_squeeze %dma_start3A_206 : memref<1x80x64xf32, #tpu.memory_space<vmem>> -> memref<80x64xf32, #tpu.memory_space<vmem>>
        %dma_start3A_208 = tpu.memref_slice %arg8[%mul3A_83] : memref<10000xi32, #tpu.memory_space<vmem>> -> memref<80xi32, #tpu.memory_space<vmem>>
        %dma_start3A_209 = arith.constant 0 : i32
        %dma_start3A_210 = arith.constant 0 : i32
        %dma_start3A_211 = tpu.memref_slice %arg10[%dma_start3A_209, %dma_start3A_210] : memref<10240x64xf32, #tpu.memory_space<vmem_shared>> -> memref<10240x64xf32, #tpu.memory_space<vmem_shared>>
        tpu.enqueue_indirect_dma source(%dma_start3A_207 : memref<80x64xf32, #tpu.memory_space<vmem>>) target(%dma_start3A_211 : memref<10240x64xf32, #tpu.memory_space<vmem_shared>>) offsets(%dma_start3A_208 : memref<80xi32, #tpu.memory_space<vmem>>) semaphore(%run_scoped3A_203 : memref<!tpu.dma_semaphore, #tpu.memory_space<semaphore_mem>>) {add = true}
        %dma_wait3A_212 = arith.constant 0 : i32
        %dma_wait3A_213 = arith.constant 0 : i32
        %dma_wait3A_214 = tpu.memref_slice %arg9[%run_scoped3A, %dma_wait3A_212, %dma_wait3A_213] : memref<5x80x64xf32, #tpu.memory_space<vmem>> -> memref<1x80x64xf32, #tpu.memory_space<vmem>>
        %dma_wait3A_215 = tpu.memref_squeeze %dma_wait3A_214 : memref<1x80x64xf32, #tpu.memory_space<vmem>> -> memref<80x64xf32, #tpu.memory_space<vmem>>
        %dma_wait3A_216 = tpu.memref_slice %arg8[%mul3A_83] : memref<10000xi32, #tpu.memory_space<vmem>> -> memref<80xi32, #tpu.memory_space<vmem>>
        %dma_wait3A_217 = arith.constant 0 : i32
        %dma_wait3A_218 = arith.constant 0 : i32
        %dma_wait3A_219 = tpu.memref_slice %arg10[%dma_wait3A_217, %dma_wait3A_218] : memref<10240x64xf32, #tpu.memory_space<vmem_shared>> -> memref<10240x64xf32, #tpu.memory_space<vmem_shared>>
        tpu.wait_indirect_dma semaphore(%run_scoped3A_203 : memref<!tpu.dma_semaphore, #tpu.memory_space<semaphore_mem>>) src(%dma_wait3A_215 : memref<80x64xf32, #tpu.memory_space<vmem>>) dst(%dma_wait3A_219 : memref<10240x64xf32, #tpu.memory_space<vmem_shared>>)
        tpu.yield
      }) : () -> ()
      %add3A_95 = arith.constant 400 : i32
      %add3A_96 = arith.addi %mul3A_83, %add3A_95 : i32
      %lt3A = arith.constant 10000 : i32
      %lt3A_97 = arith.cmpi slt, %add3A_96, %lt3A : i32
      %convert_element_type3A = arith.extui %lt3A_97 : i1 to i32
      %cond3A = arith.constant 0 : i32
      %cond3A_98 = arith.cmpi ne, %convert_element_type3A, %cond3A : i32
      scf.if %cond3A_98 {
        %dma_start3A_203 = arith.constant 0 : i32
        %dma_start3A_204 = arith.constant 0 : i32
        %dma_start3A_205 = arith.constant 0 : i32
        %dma_start3A_206 = arith.constant 0 : i32
        %dma_start3A_207 = tpu.memref_slice %arg9[%dma_start3A_203, %dma_start3A_205, %dma_start3A_206] : memref<5x80x64xf32, #tpu.memory_space<vmem>> -> memref<1x80x64xf32, #tpu.memory_space<vmem>>
        %dma_start3A_208 = tpu.memref_squeeze %dma_start3A_207 : memref<1x80x64xf32, #tpu.memory_space<vmem>> -> memref<80x64xf32, #tpu.memory_space<vmem>>
        %dma_start3A_209 = tpu.memref_slice %arg7[%add3A_96] : memref<10000xi32, #tpu.memory_space<vmem>> -> memref<80xi32, #tpu.memory_space<vmem>>
        %dma_start3A_210 = arith.constant 0 : i32
        %dma_start3A_211 = arith.constant 0 : i32
        %dma_start3A_212 = tpu.memref_slice %arg2[%dma_start3A_210, %dma_start3A_211] : memref<10240x64xf32, #tpu.memory_space<hbm>> -> memref<10240x64xf32, #tpu.memory_space<hbm>>
        %dma_start3A_213 = tpu.memref_slice %arg11[%dma_start3A_204] : memref<5x!tpu.dma_semaphore, #tpu.memory_space<semaphore_mem>> -> memref<1x!tpu.dma_semaphore, #tpu.memory_space<semaphore_mem>>
        %dma_start3A_214 = tpu.memref_squeeze %dma_start3A_213 : memref<1x!tpu.dma_semaphore, #tpu.memory_space<semaphore_mem>> -> memref<!tpu.dma_semaphore, #tpu.memory_space<semaphore_mem>>
        tpu.enqueue_indirect_dma source(%dma_start3A_212 : memref<10240x64xf32, #tpu.memory_space<hbm>>) target(%dma_start3A_208 : memref<80x64xf32, #tpu.memory_space<vmem>>) offsets(%dma_start3A_209 : memref<80xi32, #tpu.memory_space<vmem>>) semaphore(%dma_start3A_214 : memref<!tpu.dma_semaphore, #tpu.memory_space<semaphore_mem>>)
      } else {
      }
      %mul3A_99 = arith.constant 5 : i32
      %mul3A_100 = arith.muli %scan3A_77, %mul3A_99 : i32
      %add3A_101 = arith.constant 1 : i32
      %add3A_102 = arith.addi %mul3A_100, %add3A_101 : i32
      %mul3A_103 = arith.constant 80 : i32
      %mul3A_104 = arith.muli %add3A_102, %mul3A_103 : i32
      %dma_wait3A_105 = arith.constant 1 : i32
      %dma_wait3A_106 = arith.constant 1 : i32
      %dma_wait3A_107 = arith.constant 0 : i32
      %dma_wait3A_108 = arith.constant 0 : i32
      %dma_wait3A_109 = tpu.memref_slice %arg9[%dma_wait3A_105, %dma_wait3A_107, %dma_wait3A_108] : memref<5x80x64xf32, #tpu.memory_space<vmem>> -> memref<1x80x64xf32, #tpu.memory_space<vmem>>
      %dma_wait3A_110 = tpu.memref_squeeze %dma_wait3A_109 : memref<1x80x64xf32, #tpu.memory_space<vmem>> -> memref<80x64xf32, #tpu.memory_space<vmem>>
      %dma_wait3A_111 = tpu.memref_slice %arg7[%mul3A_104] : memref<10000xi32, #tpu.memory_space<vmem>> -> memref<80xi32, #tpu.memory_space<vmem>>
      %dma_wait3A_112 = arith.constant 0 : i32
      %dma_wait3A_113 = arith.constant 0 : i32
      %dma_wait3A_114 = tpu.memref_slice %arg2[%dma_wait3A_112, %dma_wait3A_113] : memref<10240x64xf32, #tpu.memory_space<hbm>> -> memref<10240x64xf32, #tpu.memory_space<hbm>>
      %dma_wait3A_115 = tpu.memref_slice %arg11[%dma_wait3A_106] : memref<5x!tpu.dma_semaphore, #tpu.memory_space<semaphore_mem>> -> memref<1x!tpu.dma_semaphore, #tpu.memory_space<semaphore_mem>>
      %dma_wait3A_116 = tpu.memref_squeeze %dma_wait3A_115 : memref<1x!tpu.dma_semaphore, #tpu.memory_space<semaphore_mem>> -> memref<!tpu.dma_semaphore, #tpu.memory_space<semaphore_mem>>
      tpu.wait_indirect_dma semaphore(%dma_wait3A_116 : memref<!tpu.dma_semaphore, #tpu.memory_space<semaphore_mem>>) src(%dma_wait3A_114 : memref<10240x64xf32, #tpu.memory_space<hbm>>) dst(%dma_wait3A_110 : memref<80x64xf32, #tpu.memory_space<vmem>>)
      %run_scoped3A_117 = arith.constant 1 : i32
      "tpu.region"() ({
        %run_scoped3A_203 = tpu.sem_alloc : memref<!tpu.dma_semaphore, #tpu.memory_space<semaphore_mem>>
        %dma_start3A_204 = arith.constant 0 : i32
        %dma_start3A_205 = arith.constant 0 : i32
        %dma_start3A_206 = tpu.memref_slice %arg9[%run_scoped3A_117, %dma_start3A_204, %dma_start3A_205] : memref<5x80x64xf32, #tpu.memory_space<vmem>> -> memref<1x80x64xf32, #tpu.memory_space<vmem>>
        %dma_start3A_207 = tpu.memref_squeeze %dma_start3A_206 : memref<1x80x64xf32, #tpu.memory_space<vmem>> -> memref<80x64xf32, #tpu.memory_space<vmem>>
        %dma_start3A_208 = tpu.memref_slice %arg8[%mul3A_104] : memref<10000xi32, #tpu.memory_space<vmem>> -> memref<80xi32, #tpu.memory_space<vmem>>
        %dma_start3A_209 = arith.constant 0 : i32
        %dma_start3A_210 = arith.constant 0 : i32
        %dma_start3A_211 = tpu.memref_slice %arg10[%dma_start3A_209, %dma_start3A_210] : memref<10240x64xf32, #tpu.memory_space<vmem_shared>> -> memref<10240x64xf32, #tpu.memory_space<vmem_shared>>
        tpu.enqueue_indirect_dma source(%dma_start3A_207 : memref<80x64xf32, #tpu.memory_space<vmem>>) target(%dma_start3A_211 : memref<10240x64xf32, #tpu.memory_space<vmem_shared>>) offsets(%dma_start3A_208 : memref<80xi32, #tpu.memory_space<vmem>>) semaphore(%run_scoped3A_203 : memref<!tpu.dma_semaphore, #tpu.memory_space<semaphore_mem>>) {add = true}
        %dma_wait3A_212 = arith.constant 0 : i32
        %dma_wait3A_213 = arith.constant 0 : i32
        %dma_wait3A_214 = tpu.memref_slice %arg9[%run_scoped3A_117, %dma_wait3A_212, %dma_wait3A_213] : memref<5x80x64xf32, #tpu.memory_space<vmem>> -> memref<1x80x64xf32, #tpu.memory_space<vmem>>
        %dma_wait3A_215 = tpu.memref_squeeze %dma_wait3A_214 : memref<1x80x64xf32, #tpu.memory_space<vmem>> -> memref<80x64xf32, #tpu.memory_space<vmem>>
        %dma_wait3A_216 = tpu.memref_slice %arg8[%mul3A_104] : memref<10000xi32, #tpu.memory_space<vmem>> -> memref<80xi32, #tpu.memory_space<vmem>>
        %dma_wait3A_217 = arith.constant 0 : i32
        %dma_wait3A_218 = arith.constant 0 : i32
        %dma_wait3A_219 = tpu.memref_slice %arg10[%dma_wait3A_217, %dma_wait3A_218] : memref<10240x64xf32, #tpu.memory_space<vmem_shared>> -> memref<10240x64xf32, #tpu.memory_space<vmem_shared>>
        tpu.wait_indirect_dma semaphore(%run_scoped3A_203 : memref<!tpu.dma_semaphore, #tpu.memory_space<semaphore_mem>>) src(%dma_wait3A_215 : memref<80x64xf32, #tpu.memory_space<vmem>>) dst(%dma_wait3A_219 : memref<10240x64xf32, #tpu.memory_space<vmem_shared>>)
        tpu.yield
      }) : () -> ()
      %add3A_118 = arith.constant 400 : i32
      %add3A_119 = arith.addi %mul3A_104, %add3A_118 : i32
      %lt3A_120 = arith.constant 10000 : i32
      %lt3A_121 = arith.cmpi slt, %add3A_119, %lt3A_120 : i32
      %convert_element_type3A_122 = arith.extui %lt3A_121 : i1 to i32
      %cond3A_123 = arith.constant 0 : i32
      %cond3A_124 = arith.cmpi ne, %convert_element_type3A_122, %cond3A_123 : i32
      scf.if %cond3A_124 {
        %dma_start3A_203 = arith.constant 1 : i32
        %dma_start3A_204 = arith.constant 1 : i32
        %dma_start3A_205 = arith.constant 0 : i32
        %dma_start3A_206 = arith.constant 0 : i32
        %dma_start3A_207 = tpu.memref_slice %arg9[%dma_start3A_203, %dma_start3A_205, %dma_start3A_206] : memref<5x80x64xf32, #tpu.memory_space<vmem>> -> memref<1x80x64xf32, #tpu.memory_space<vmem>>
        %dma_start3A_208 = tpu.memref_squeeze %dma_start3A_207 : memref<1x80x64xf32, #tpu.memory_space<vmem>> -> memref<80x64xf32, #tpu.memory_space<vmem>>
        %dma_start3A_209 = tpu.memref_slice %arg7[%add3A_119] : memref<10000xi32, #tpu.memory_space<vmem>> -> memref<80xi32, #tpu.memory_space<vmem>>
        %dma_start3A_210 = arith.constant 0 : i32
        %dma_start3A_211 = arith.constant 0 : i32
        %dma_start3A_212 = tpu.memref_slice %arg2[%dma_start3A_210, %dma_start3A_211] : memref<10240x64xf32, #tpu.memory_space<hbm>> -> memref<10240x64xf32, #tpu.memory_space<hbm>>
        %dma_start3A_213 = tpu.memref_slice %arg11[%dma_start3A_204] : memref<5x!tpu.dma_semaphore, #tpu.memory_space<semaphore_mem>> -> memref<1x!tpu.dma_semaphore, #tpu.memory_space<semaphore_mem>>
        %dma_start3A_214 = tpu.memref_squeeze %dma_start3A_213 : memref<1x!tpu.dma_semaphore, #tpu.memory_space<semaphore_mem>> -> memref<!tpu.dma_semaphore, #tpu.memory_space<semaphore_mem>>
        tpu.enqueue_indirect_dma source(%dma_start3A_212 : memref<10240x64xf32, #tpu.memory_space<hbm>>) target(%dma_start3A_208 : memref<80x64xf32, #tpu.memory_space<vmem>>) offsets(%dma_start3A_209 : memref<80xi32, #tpu.memory_space<vmem>>) semaphore(%dma_start3A_214 : memref<!tpu.dma_semaphore, #tpu.memory_space<semaphore_mem>>)
      } else {
      }
      %mul3A_125 = arith.constant 5 : i32
      %mul3A_126 = arith.muli %scan3A_77, %mul3A_125 : i32
      %add3A_127 = arith.constant 2 : i32
      %add3A_128 = arith.addi %mul3A_126, %add3A_127 : i32
      %mul3A_129 = arith.constant 80 : i32
      %mul3A_130 = arith.muli %add3A_128, %mul3A_129 : i32
      %dma_wait3A_131 = arith.constant 2 : i32
      %dma_wait3A_132 = arith.constant 2 : i32
      %dma_wait3A_133 = arith.constant 0 : i32
      %dma_wait3A_134 = arith.constant 0 : i32
      %dma_wait3A_135 = tpu.memref_slice %arg9[%dma_wait3A_131, %dma_wait3A_133, %dma_wait3A_134] : memref<5x80x64xf32, #tpu.memory_space<vmem>> -> memref<1x80x64xf32, #tpu.memory_space<vmem>>
      %dma_wait3A_136 = tpu.memref_squeeze %dma_wait3A_135 : memref<1x80x64xf32, #tpu.memory_space<vmem>> -> memref<80x64xf32, #tpu.memory_space<vmem>>
      %dma_wait3A_137 = tpu.memref_slice %arg7[%mul3A_130] : memref<10000xi32, #tpu.memory_space<vmem>> -> memref<80xi32, #tpu.memory_space<vmem>>
      %dma_wait3A_138 = arith.constant 0 : i32
      %dma_wait3A_139 = arith.constant 0 : i32
      %dma_wait3A_140 = tpu.memref_slice %arg2[%dma_wait3A_138, %dma_wait3A_139] : memref<10240x64xf32, #tpu.memory_space<hbm>> -> memref<10240x64xf32, #tpu.memory_space<hbm>>
      %dma_wait3A_141 = tpu.memref_slice %arg11[%dma_wait3A_132] : memref<5x!tpu.dma_semaphore, #tpu.memory_space<semaphore_mem>> -> memref<1x!tpu.dma_semaphore, #tpu.memory_space<semaphore_mem>>
      %dma_wait3A_142 = tpu.memref_squeeze %dma_wait3A_141 : memref<1x!tpu.dma_semaphore, #tpu.memory_space<semaphore_mem>> -> memref<!tpu.dma_semaphore, #tpu.memory_space<semaphore_mem>>
      tpu.wait_indirect_dma semaphore(%dma_wait3A_142 : memref<!tpu.dma_semaphore, #tpu.memory_space<semaphore_mem>>) src(%dma_wait3A_140 : memref<10240x64xf32, #tpu.memory_space<hbm>>) dst(%dma_wait3A_136 : memref<80x64xf32, #tpu.memory_space<vmem>>)
      %run_scoped3A_143 = arith.constant 2 : i32
      "tpu.region"() ({
        %run_scoped3A_203 = tpu.sem_alloc : memref<!tpu.dma_semaphore, #tpu.memory_space<semaphore_mem>>
        %dma_start3A_204 = arith.constant 0 : i32
        %dma_start3A_205 = arith.constant 0 : i32
        %dma_start3A_206 = tpu.memref_slice %arg9[%run_scoped3A_143, %dma_start3A_204, %dma_start3A_205] : memref<5x80x64xf32, #tpu.memory_space<vmem>> -> memref<1x80x64xf32, #tpu.memory_space<vmem>>
        %dma_start3A_207 = tpu.memref_squeeze %dma_start3A_206 : memref<1x80x64xf32, #tpu.memory_space<vmem>> -> memref<80x64xf32, #tpu.memory_space<vmem>>
        %dma_start3A_208 = tpu.memref_slice %arg8[%mul3A_130] : memref<10000xi32, #tpu.memory_space<vmem>> -> memref<80xi32, #tpu.memory_space<vmem>>
        %dma_start3A_209 = arith.constant 0 : i32
        %dma_start3A_210 = arith.constant 0 : i32
        %dma_start3A_211 = tpu.memref_slice %arg10[%dma_start3A_209, %dma_start3A_210] : memref<10240x64xf32, #tpu.memory_space<vmem_shared>> -> memref<10240x64xf32, #tpu.memory_space<vmem_shared>>
        tpu.enqueue_indirect_dma source(%dma_start3A_207 : memref<80x64xf32, #tpu.memory_space<vmem>>) target(%dma_start3A_211 : memref<10240x64xf32, #tpu.memory_space<vmem_shared>>) offsets(%dma_start3A_208 : memref<80xi32, #tpu.memory_space<vmem>>) semaphore(%run_scoped3A_203 : memref<!tpu.dma_semaphore, #tpu.memory_space<semaphore_mem>>) {add = true}
        %dma_wait3A_212 = arith.constant 0 : i32
        %dma_wait3A_213 = arith.constant 0 : i32
        %dma_wait3A_214 = tpu.memref_slice %arg9[%run_scoped3A_143, %dma_wait3A_212, %dma_wait3A_213] : memref<5x80x64xf32, #tpu.memory_space<vmem>> -> memref<1x80x64xf32, #tpu.memory_space<vmem>>
        %dma_wait3A_215 = tpu.memref_squeeze %dma_wait3A_214 : memref<1x80x64xf32, #tpu.memory_space<vmem>> -> memref<80x64xf32, #tpu.memory_space<vmem>>
        %dma_wait3A_216 = tpu.memref_slice %arg8[%mul3A_130] : memref<10000xi32, #tpu.memory_space<vmem>> -> memref<80xi32, #tpu.memory_space<vmem>>
        %dma_wait3A_217 = arith.constant 0 : i32
        %dma_wait3A_218 = arith.constant 0 : i32
        %dma_wait3A_219 = tpu.memref_slice %arg10[%dma_wait3A_217, %dma_wait3A_218] : memref<10240x64xf32, #tpu.memory_space<vmem_shared>> -> memref<10240x64xf32, #tpu.memory_space<vmem_shared>>
        tpu.wait_indirect_dma semaphore(%run_scoped3A_203 : memref<!tpu.dma_semaphore, #tpu.memory_space<semaphore_mem>>) src(%dma_wait3A_215 : memref<80x64xf32, #tpu.memory_space<vmem>>) dst(%dma_wait3A_219 : memref<10240x64xf32, #tpu.memory_space<vmem_shared>>)
        tpu.yield
      }) : () -> ()
      %add3A_144 = arith.constant 400 : i32
      %add3A_145 = arith.addi %mul3A_130, %add3A_144 : i32
      %lt3A_146 = arith.constant 10000 : i32
      %lt3A_147 = arith.cmpi slt, %add3A_145, %lt3A_146 : i32
      %convert_element_type3A_148 = arith.extui %lt3A_147 : i1 to i32
      %cond3A_149 = arith.constant 0 : i32
      %cond3A_150 = arith.cmpi ne, %convert_element_type3A_148, %cond3A_149 : i32
      scf.if %cond3A_150 {
        %dma_start3A_203 = arith.constant 2 : i32
        %dma_start3A_204 = arith.constant 2 : i32
        %dma_start3A_205 = arith.constant 0 : i32
        %dma_start3A_206 = arith.constant 0 : i32
        %dma_start3A_207 = tpu.memref_slice %arg9[%dma_start3A_203, %dma_start3A_205, %dma_start3A_206] : memref<5x80x64xf32, #tpu.memory_space<vmem>> -> memref<1x80x64xf32, #tpu.memory_space<vmem>>
        %dma_start3A_208 = tpu.memref_squeeze %dma_start3A_207 : memref<1x80x64xf32, #tpu.memory_space<vmem>> -> memref<80x64xf32, #tpu.memory_space<vmem>>
        %dma_start3A_209 = tpu.memref_slice %arg7[%add3A_145] : memref<10000xi32, #tpu.memory_space<vmem>> -> memref<80xi32, #tpu.memory_space<vmem>>
        %dma_start3A_210 = arith.constant 0 : i32
        %dma_start3A_211 = arith.constant 0 : i32
        %dma_start3A_212 = tpu.memref_slice %arg2[%dma_start3A_210, %dma_start3A_211] : memref<10240x64xf32, #tpu.memory_space<hbm>> -> memref<10240x64xf32, #tpu.memory_space<hbm>>
        %dma_start3A_213 = tpu.memref_slice %arg11[%dma_start3A_204] : memref<5x!tpu.dma_semaphore, #tpu.memory_space<semaphore_mem>> -> memref<1x!tpu.dma_semaphore, #tpu.memory_space<semaphore_mem>>
        %dma_start3A_214 = tpu.memref_squeeze %dma_start3A_213 : memref<1x!tpu.dma_semaphore, #tpu.memory_space<semaphore_mem>> -> memref<!tpu.dma_semaphore, #tpu.memory_space<semaphore_mem>>
        tpu.enqueue_indirect_dma source(%dma_start3A_212 : memref<10240x64xf32, #tpu.memory_space<hbm>>) target(%dma_start3A_208 : memref<80x64xf32, #tpu.memory_space<vmem>>) offsets(%dma_start3A_209 : memref<80xi32, #tpu.memory_space<vmem>>) semaphore(%dma_start3A_214 : memref<!tpu.dma_semaphore, #tpu.memory_space<semaphore_mem>>)
      } else {
      }
      %mul3A_151 = arith.constant 5 : i32
      %mul3A_152 = arith.muli %scan3A_77, %mul3A_151 : i32
      %add3A_153 = arith.constant 3 : i32
      %add3A_154 = arith.addi %mul3A_152, %add3A_153 : i32
      %mul3A_155 = arith.constant 80 : i32
      %mul3A_156 = arith.muli %add3A_154, %mul3A_155 : i32
      %dma_wait3A_157 = arith.constant 3 : i32
      %dma_wait3A_158 = arith.constant 3 : i32
      %dma_wait3A_159 = arith.constant 0 : i32
      %dma_wait3A_160 = arith.constant 0 : i32
      %dma_wait3A_161 = tpu.memref_slice %arg9[%dma_wait3A_157, %dma_wait3A_159, %dma_wait3A_160] : memref<5x80x64xf32, #tpu.memory_space<vmem>> -> memref<1x80x64xf32, #tpu.memory_space<vmem>>
      %dma_wait3A_162 = tpu.memref_squeeze %dma_wait3A_161 : memref<1x80x64xf32, #tpu.memory_space<vmem>> -> memref<80x64xf32, #tpu.memory_space<vmem>>
      %dma_wait3A_163 = tpu.memref_slice %arg7[%mul3A_156] : memref<10000xi32, #tpu.memory_space<vmem>> -> memref<80xi32, #tpu.memory_space<vmem>>
      %dma_wait3A_164 = arith.constant 0 : i32
      %dma_wait3A_165 = arith.constant 0 : i32
      %dma_wait3A_166 = tpu.memref_slice %arg2[%dma_wait3A_164, %dma_wait3A_165] : memref<10240x64xf32, #tpu.memory_space<hbm>> -> memref<10240x64xf32, #tpu.memory_space<hbm>>
      %dma_wait3A_167 = tpu.memref_slice %arg11[%dma_wait3A_158] : memref<5x!tpu.dma_semaphore, #tpu.memory_space<semaphore_mem>> -> memref<1x!tpu.dma_semaphore, #tpu.memory_space<semaphore_mem>>
      %dma_wait3A_168 = tpu.memref_squeeze %dma_wait3A_167 : memref<1x!tpu.dma_semaphore, #tpu.memory_space<semaphore_mem>> -> memref<!tpu.dma_semaphore, #tpu.memory_space<semaphore_mem>>
      tpu.wait_indirect_dma semaphore(%dma_wait3A_168 : memref<!tpu.dma_semaphore, #tpu.memory_space<semaphore_mem>>) src(%dma_wait3A_166 : memref<10240x64xf32, #tpu.memory_space<hbm>>) dst(%dma_wait3A_162 : memref<80x64xf32, #tpu.memory_space<vmem>>)
      %run_scoped3A_169 = arith.constant 3 : i32
      "tpu.region"() ({
        %run_scoped3A_203 = tpu.sem_alloc : memref<!tpu.dma_semaphore, #tpu.memory_space<semaphore_mem>>
        %dma_start3A_204 = arith.constant 0 : i32
        %dma_start3A_205 = arith.constant 0 : i32
        %dma_start3A_206 = tpu.memref_slice %arg9[%run_scoped3A_169, %dma_start3A_204, %dma_start3A_205] : memref<5x80x64xf32, #tpu.memory_space<vmem>> -> memref<1x80x64xf32, #tpu.memory_space<vmem>>
        %dma_start3A_207 = tpu.memref_squeeze %dma_start3A_206 : memref<1x80x64xf32, #tpu.memory_space<vmem>> -> memref<80x64xf32, #tpu.memory_space<vmem>>
        %dma_start3A_208 = tpu.memref_slice %arg8[%mul3A_156] : memref<10000xi32, #tpu.memory_space<vmem>> -> memref<80xi32, #tpu.memory_space<vmem>>
        %dma_start3A_209 = arith.constant 0 : i32
        %dma_start3A_210 = arith.constant 0 : i32
        %dma_start3A_211 = tpu.memref_slice %arg10[%dma_start3A_209, %dma_start3A_210] : memref<10240x64xf32, #tpu.memory_space<vmem_shared>> -> memref<10240x64xf32, #tpu.memory_space<vmem_shared>>
        tpu.enqueue_indirect_dma source(%dma_start3A_207 : memref<80x64xf32, #tpu.memory_space<vmem>>) target(%dma_start3A_211 : memref<10240x64xf32, #tpu.memory_space<vmem_shared>>) offsets(%dma_start3A_208 : memref<80xi32, #tpu.memory_space<vmem>>) semaphore(%run_scoped3A_203 : memref<!tpu.dma_semaphore, #tpu.memory_space<semaphore_mem>>) {add = true}
        %dma_wait3A_212 = arith.constant 0 : i32
        %dma_wait3A_213 = arith.constant 0 : i32
        %dma_wait3A_214 = tpu.memref_slice %arg9[%run_scoped3A_169, %dma_wait3A_212, %dma_wait3A_213] : memref<5x80x64xf32, #tpu.memory_space<vmem>> -> memref<1x80x64xf32, #tpu.memory_space<vmem>>
        %dma_wait3A_215 = tpu.memref_squeeze %dma_wait3A_214 : memref<1x80x64xf32, #tpu.memory_space<vmem>> -> memref<80x64xf32, #tpu.memory_space<vmem>>
        %dma_wait3A_216 = tpu.memref_slice %arg8[%mul3A_156] : memref<10000xi32, #tpu.memory_space<vmem>> -> memref<80xi32, #tpu.memory_space<vmem>>
        %dma_wait3A_217 = arith.constant 0 : i32
        %dma_wait3A_218 = arith.constant 0 : i32
        %dma_wait3A_219 = tpu.memref_slice %arg10[%dma_wait3A_217, %dma_wait3A_218] : memref<10240x64xf32, #tpu.memory_space<vmem_shared>> -> memref<10240x64xf32, #tpu.memory_space<vmem_shared>>
        tpu.wait_indirect_dma semaphore(%run_scoped3A_203 : memref<!tpu.dma_semaphore, #tpu.memory_space<semaphore_mem>>) src(%dma_wait3A_215 : memref<80x64xf32, #tpu.memory_space<vmem>>) dst(%dma_wait3A_219 : memref<10240x64xf32, #tpu.memory_space<vmem_shared>>)
        tpu.yield
      }) : () -> ()
      %add3A_170 = arith.constant 400 : i32
      %add3A_171 = arith.addi %mul3A_156, %add3A_170 : i32
      %lt3A_172 = arith.constant 10000 : i32
      %lt3A_173 = arith.cmpi slt, %add3A_171, %lt3A_172 : i32
      %convert_element_type3A_174 = arith.extui %lt3A_173 : i1 to i32
      %cond3A_175 = arith.constant 0 : i32
      %cond3A_176 = arith.cmpi ne, %convert_element_type3A_174, %cond3A_175 : i32
      scf.if %cond3A_176 {
        %dma_start3A_203 = arith.constant 3 : i32
        %dma_start3A_204 = arith.constant 3 : i32
        %dma_start3A_205 = arith.constant 0 : i32
        %dma_start3A_206 = arith.constant 0 : i32
        %dma_start3A_207 = tpu.memref_slice %arg9[%dma_start3A_203, %dma_start3A_205, %dma_start3A_206] : memref<5x80x64xf32, #tpu.memory_space<vmem>> -> memref<1x80x64xf32, #tpu.memory_space<vmem>>
        %dma_start3A_208 = tpu.memref_squeeze %dma_start3A_207 : memref<1x80x64xf32, #tpu.memory_space<vmem>> -> memref<80x64xf32, #tpu.memory_space<vmem>>
        %dma_start3A_209 = tpu.memref_slice %arg7[%add3A_171] : memref<10000xi32, #tpu.memory_space<vmem>> -> memref<80xi32, #tpu.memory_space<vmem>>
        %dma_start3A_210 = arith.constant 0 : i32
        %dma_start3A_211 = arith.constant 0 : i32
        %dma_start3A_212 = tpu.memref_slice %arg2[%dma_start3A_210, %dma_start3A_211] : memref<10240x64xf32, #tpu.memory_space<hbm>> -> memref<10240x64xf32, #tpu.memory_space<hbm>>
        %dma_start3A_213 = tpu.memref_slice %arg11[%dma_start3A_204] : memref<5x!tpu.dma_semaphore, #tpu.memory_space<semaphore_mem>> -> memref<1x!tpu.dma_semaphore, #tpu.memory_space<semaphore_mem>>
        %dma_start3A_214 = tpu.memref_squeeze %dma_start3A_213 : memref<1x!tpu.dma_semaphore, #tpu.memory_space<semaphore_mem>> -> memref<!tpu.dma_semaphore, #tpu.memory_space<semaphore_mem>>
        tpu.enqueue_indirect_dma source(%dma_start3A_212 : memref<10240x64xf32, #tpu.memory_space<hbm>>) target(%dma_start3A_208 : memref<80x64xf32, #tpu.memory_space<vmem>>) offsets(%dma_start3A_209 : memref<80xi32, #tpu.memory_space<vmem>>) semaphore(%dma_start3A_214 : memref<!tpu.dma_semaphore, #tpu.memory_space<semaphore_mem>>)
      } else {
      }
      %mul3A_177 = arith.constant 5 : i32
      %mul3A_178 = arith.muli %scan3A_77, %mul3A_177 : i32
      %add3A_179 = arith.constant 4 : i32
      %add3A_180 = arith.addi %mul3A_178, %add3A_179 : i32
      %mul3A_181 = arith.constant 80 : i32
      %mul3A_182 = arith.muli %add3A_180, %mul3A_181 : i32
      %dma_wait3A_183 = arith.constant 4 : i32
      %dma_wait3A_184 = arith.constant 4 : i32
      %dma_wait3A_185 = arith.constant 0 : i32
      %dma_wait3A_186 = arith.constant 0 : i32
      %dma_wait3A_187 = tpu.memref_slice %arg9[%dma_wait3A_183, %dma_wait3A_185, %dma_wait3A_186] : memref<5x80x64xf32, #tpu.memory_space<vmem>> -> memref<1x80x64xf32, #tpu.memory_space<vmem>>
      %dma_wait3A_188 = tpu.memref_squeeze %dma_wait3A_187 : memref<1x80x64xf32, #tpu.memory_space<vmem>> -> memref<80x64xf32, #tpu.memory_space<vmem>>
      %dma_wait3A_189 = tpu.memref_slice %arg7[%mul3A_182] : memref<10000xi32, #tpu.memory_space<vmem>> -> memref<80xi32, #tpu.memory_space<vmem>>
      %dma_wait3A_190 = arith.constant 0 : i32
      %dma_wait3A_191 = arith.constant 0 : i32
      %dma_wait3A_192 = tpu.memref_slice %arg2[%dma_wait3A_190, %dma_wait3A_191] : memref<10240x64xf32, #tpu.memory_space<hbm>> -> memref<10240x64xf32, #tpu.memory_space<hbm>>
      %dma_wait3A_193 = tpu.memref_slice %arg11[%dma_wait3A_184] : memref<5x!tpu.dma_semaphore, #tpu.memory_space<semaphore_mem>> -> memref<1x!tpu.dma_semaphore, #tpu.memory_space<semaphore_mem>>
      %dma_wait3A_194 = tpu.memref_squeeze %dma_wait3A_193 : memref<1x!tpu.dma_semaphore, #tpu.memory_space<semaphore_mem>> -> memref<!tpu.dma_semaphore, #tpu.memory_space<semaphore_mem>>
      tpu.wait_indirect_dma semaphore(%dma_wait3A_194 : memref<!tpu.dma_semaphore, #tpu.memory_space<semaphore_mem>>) src(%dma_wait3A_192 : memref<10240x64xf32, #tpu.memory_space<hbm>>) dst(%dma_wait3A_188 : memref<80x64xf32, #tpu.memory_space<vmem>>)
      %run_scoped3A_195 = arith.constant 4 : i32
      "tpu.region"() ({
        %run_scoped3A_203 = tpu.sem_alloc : memref<!tpu.dma_semaphore, #tpu.memory_space<semaphore_mem>>
        %dma_start3A_204 = arith.constant 0 : i32
        %dma_start3A_205 = arith.constant 0 : i32
        %dma_start3A_206 = tpu.memref_slice %arg9[%run_scoped3A_195, %dma_start3A_204, %dma_start3A_205] : memref<5x80x64xf32, #tpu.memory_space<vmem>> -> memref<1x80x64xf32, #tpu.memory_space<vmem>>
        %dma_start3A_207 = tpu.memref_squeeze %dma_start3A_206 : memref<1x80x64xf32, #tpu.memory_space<vmem>> -> memref<80x64xf32, #tpu.memory_space<vmem>>
        %dma_start3A_208 = tpu.memref_slice %arg8[%mul3A_182] : memref<10000xi32, #tpu.memory_space<vmem>> -> memref<80xi32, #tpu.memory_space<vmem>>
        %dma_start3A_209 = arith.constant 0 : i32
        %dma_start3A_210 = arith.constant 0 : i32
        %dma_start3A_211 = tpu.memref_slice %arg10[%dma_start3A_209, %dma_start3A_210] : memref<10240x64xf32, #tpu.memory_space<vmem_shared>> -> memref<10240x64xf32, #tpu.memory_space<vmem_shared>>
        tpu.enqueue_indirect_dma source(%dma_start3A_207 : memref<80x64xf32, #tpu.memory_space<vmem>>) target(%dma_start3A_211 : memref<10240x64xf32, #tpu.memory_space<vmem_shared>>) offsets(%dma_start3A_208 : memref<80xi32, #tpu.memory_space<vmem>>) semaphore(%run_scoped3A_203 : memref<!tpu.dma_semaphore, #tpu.memory_space<semaphore_mem>>) {add = true}
        %dma_wait3A_212 = arith.constant 0 : i32
        %dma_wait3A_213 = arith.constant 0 : i32
        %dma_wait3A_214 = tpu.memref_slice %arg9[%run_scoped3A_195, %dma_wait3A_212, %dma_wait3A_213] : memref<5x80x64xf32, #tpu.memory_space<vmem>> -> memref<1x80x64xf32, #tpu.memory_space<vmem>>
        %dma_wait3A_215 = tpu.memref_squeeze %dma_wait3A_214 : memref<1x80x64xf32, #tpu.memory_space<vmem>> -> memref<80x64xf32, #tpu.memory_space<vmem>>
        %dma_wait3A_216 = tpu.memref_slice %arg8[%mul3A_182] : memref<10000xi32, #tpu.memory_space<vmem>> -> memref<80xi32, #tpu.memory_space<vmem>>
        %dma_wait3A_217 = arith.constant 0 : i32
        %dma_wait3A_218 = arith.constant 0 : i32
        %dma_wait3A_219 = tpu.memref_slice %arg10[%dma_wait3A_217, %dma_wait3A_218] : memref<10240x64xf32, #tpu.memory_space<vmem_shared>> -> memref<10240x64xf32, #tpu.memory_space<vmem_shared>>
        tpu.wait_indirect_dma semaphore(%run_scoped3A_203 : memref<!tpu.dma_semaphore, #tpu.memory_space<semaphore_mem>>) src(%dma_wait3A_215 : memref<80x64xf32, #tpu.memory_space<vmem>>) dst(%dma_wait3A_219 : memref<10240x64xf32, #tpu.memory_space<vmem_shared>>)
        tpu.yield
      }) : () -> ()
      %add3A_196 = arith.constant 400 : i32
      %add3A_197 = arith.addi %mul3A_182, %add3A_196 : i32
      %lt3A_198 = arith.constant 10000 : i32
      %lt3A_199 = arith.cmpi slt, %add3A_197, %lt3A_198 : i32
      %convert_element_type3A_200 = arith.extui %lt3A_199 : i1 to i32
      %cond3A_201 = arith.constant 0 : i32
      %cond3A_202 = arith.cmpi ne, %convert_element_type3A_200, %cond3A_201 : i32
      scf.if %cond3A_202 {
        %dma_start3A_203 = arith.constant 4 : i32
        %dma_start3A_204 = arith.constant 4 : i32
        %dma_start3A_205 = arith.constant 0 : i32
        %dma_start3A_206 = arith.constant 0 : i32
        %dma_start3A_207 = tpu.memref_slice %arg9[%dma_start3A_203, %dma_start3A_205, %dma_start3A_206] : memref<5x80x64xf32, #tpu.memory_space<vmem>> -> memref<1x80x64xf32, #tpu.memory_space<vmem>>
        %dma_start3A_208 = tpu.memref_squeeze %dma_start3A_207 : memref<1x80x64xf32, #tpu.memory_space<vmem>> -> memref<80x64xf32, #tpu.memory_space<vmem>>
        %dma_start3A_209 = tpu.memref_slice %arg7[%add3A_197] : memref<10000xi32, #tpu.memory_space<vmem>> -> memref<80xi32, #tpu.memory_space<vmem>>
        %dma_start3A_210 = arith.constant 0 : i32
        %dma_start3A_211 = arith.constant 0 : i32
        %dma_start3A_212 = tpu.memref_slice %arg2[%dma_start3A_210, %dma_start3A_211] : memref<10240x64xf32, #tpu.memory_space<hbm>> -> memref<10240x64xf32, #tpu.memory_space<hbm>>
        %dma_start3A_213 = tpu.memref_slice %arg11[%dma_start3A_204] : memref<5x!tpu.dma_semaphore, #tpu.memory_space<semaphore_mem>> -> memref<1x!tpu.dma_semaphore, #tpu.memory_space<semaphore_mem>>
        %dma_start3A_214 = tpu.memref_squeeze %dma_start3A_213 : memref<1x!tpu.dma_semaphore, #tpu.memory_space<semaphore_mem>> -> memref<!tpu.dma_semaphore, #tpu.memory_space<semaphore_mem>>
        tpu.enqueue_indirect_dma source(%dma_start3A_212 : memref<10240x64xf32, #tpu.memory_space<hbm>>) target(%dma_start3A_208 : memref<80x64xf32, #tpu.memory_space<vmem>>) offsets(%dma_start3A_209 : memref<80xi32, #tpu.memory_space<vmem>>) semaphore(%dma_start3A_214 : memref<!tpu.dma_semaphore, #tpu.memory_space<semaphore_mem>>)
      } else {
      }
    }
    %scan3A_75 = arith.constant 25 : i32
    %barrier3A_76 = arith.constant 0 : index
    tpu.barrier barrier_id(%barrier3A_76)
    "tpu.region"() ({
      %run_scoped3A = tpu.sem_alloc : memref<!tpu.dma_semaphore, #tpu.memory_space<semaphore_mem>>
      %dma_start3A_77 = arith.constant 0 : i32
      %dma_start3A_78 = tpu.memref_slice %arg6[%arg0, %mul3A_2, %dma_start3A_77] : memref<2x10240x64xf32, #tpu.memory_space<hbm>> -> memref<1x640x64xf32, #tpu.memory_space<hbm>>
      %dma_start3A_79 = tpu.memref_squeeze %dma_start3A_78 : memref<1x640x64xf32, #tpu.memory_space<hbm>> -> memref<640x64xf32, #tpu.memory_space<hbm>>
      %dma_start3A_80 = arith.constant 0 : i32
      %dma_start3A_81 = tpu.memref_slice %arg10[%mul3A_2, %dma_start3A_80] : memref<10240x64xf32, #tpu.memory_space<vmem_shared>> -> memref<640x64xf32, #tpu.memory_space<vmem_shared>>
      tpu.enqueue_dma source(%dma_start3A_81 : memref<640x64xf32, #tpu.memory_space<vmem_shared>>) target(%dma_start3A_79 : memref<640x64xf32, #tpu.memory_space<hbm>>) target_semaphore(%run_scoped3A : memref<!tpu.dma_semaphore, #tpu.memory_space<semaphore_mem>>)
      %dma_wait3A = arith.constant 0 : i32
      %dma_wait3A_82 = tpu.memref_slice %arg6[%arg0, %mul3A_2, %dma_wait3A] : memref<2x10240x64xf32, #tpu.memory_space<hbm>> -> memref<1x640x64xf32, #tpu.memory_space<hbm>>
      %dma_wait3A_83 = tpu.memref_squeeze %dma_wait3A_82 : memref<1x640x64xf32, #tpu.memory_space<hbm>> -> memref<640x64xf32, #tpu.memory_space<hbm>>
      %dma_wait3A_84 = arith.constant 0 : i32
      %dma_wait3A_85 = tpu.memref_slice %arg10[%mul3A_2, %dma_wait3A_84] : memref<10240x64xf32, #tpu.memory_space<vmem_shared>> -> memref<640x64xf32, #tpu.memory_space<vmem_shared>>
      tpu.wait_dma2 semaphore(%run_scoped3A : memref<!tpu.dma_semaphore, #tpu.memory_space<semaphore_mem>>) src(%dma_wait3A_85 : memref<640x64xf32, #tpu.memory_space<vmem_shared>>) dst(%dma_wait3A_83 : memref<640x64xf32, #tpu.memory_space<hbm>>)
      tpu.yield
    }) : () -> ()
    return
  }
}

module attributes {stable_mosaic.version = 14 : i64} {
  func.func @_tc_split_body(%arg0: memref<2x320000xi32, #tpu.memory_space<vmem>>, %arg1: memref<320000xi32, #tpu.memory_space<vmem>>, %arg2: memref<320000xi32, #tpu.memory_space<vmem>>) attributes {dimension_semantics = [], scalar_prefetch = 0 : i64, scratch_operands = 0 : i64, tpu.core_type = #tpu.core_type<tc>} {
    %get3A = arith.constant 0 : index
    %get3A_0 = arith.constant 0 : index
    %get3A_1 = vector.load %arg0[%get3A, %get3A_0] : memref<2x320000xi32, #tpu.memory_space<vmem>>, vector<1x320000xi32>
    %get3A_2 = vector.shape_cast %get3A_1 : vector<1x320000xi32> to vector<320000xi32>
    %swap3A = arith.constant 0 : index
    %swap3A_3 = vector.load %arg1[%swap3A] : memref<320000xi32, #tpu.memory_space<vmem>>, vector<320000xi32>
    tpu.vector_store %arg1[%swap3A], %get3A_2 {strides = array<i32>} : memref<320000xi32, #tpu.memory_space<vmem>>, vector<320000xi32>,
    %get3A_4 = arith.constant 1 : index
    %get3A_5 = arith.constant 0 : index
    %get3A_6 = vector.load %arg0[%get3A_4, %get3A_5] : memref<2x320000xi32, #tpu.memory_space<vmem>>, vector<1x320000xi32>
    %get3A_7 = vector.shape_cast %get3A_6 : vector<1x320000xi32> to vector<320000xi32>
    %swap3A_8 = arith.constant 0 : index
    %swap3A_9 = vector.load %arg2[%swap3A_8] : memref<320000xi32, #tpu.memory_space<vmem>>, vector<320000xi32>
    tpu.vector_store %arg2[%swap3A_8], %get3A_7 {strides = array<i32>} : memref<320000xi32, #tpu.memory_space<vmem>>, vector<320000xi32>,
    return
  }
}

module attributes {stable_mosaic.version = 14 : i64} {
  func.func @_tc_pre_body(%arg0: i32, %arg1: memref<1000x256xf32, #tpu.memory_space<vmem>>, %arg2: memref<256x128xf32, #tpu.memory_space<vmem>>, %arg3: memref<1000x128xf32, #tpu.memory_space<vmem>>, %arg4: memref<1000x128xf32, #tpu.memory_space<vmem>>) attributes {dimension_semantics = [#tpu.dimension_semantics<arbitrary>], iteration_bounds = array<i64: 5>, scalar_prefetch = 0 : i64, scratch_operands = 0 : i64, tpu.core_type = #tpu.core_type<tc>, window_params = [{transform_indices = @transform_0, window_bounds = array<i64: 1000, 256>}, {pipeline_mode = #tpu.pipeline_mode<synchronous>, transform_indices = @transform_1, window_bounds = array<i64: 256, 128>}, {transform_indices = @transform_2, window_bounds = array<i64: 1000, 128>}, {transform_indices = @transform_3, window_bounds = array<i64: 1000, 128>}]} {
    %get3A = arith.constant 0 : index
    %get3A_0 = arith.constant 0 : index
    %get3A_1 = vector.load %arg1[%get3A, %get3A_0] : memref<1000x256xf32, #tpu.memory_space<vmem>>, vector<1000x256xf32>
    %get3A_2 = arith.constant 0 : index
    %get3A_3 = arith.constant 0 : index
    %get3A_4 = vector.load %arg2[%get3A_2, %get3A_3] : memref<256x128xf32, #tpu.memory_space<vmem>>, vector<256x128xf32>
    %dot_general3A = arith.constant dense<0.000000e+00> : vector<1000x128xf32>
    %dot_general3A_5 = tpu.matmul %get3A_1, %get3A_4, %dot_general3A {dimension_numbers = #tpu.dot_dimension_numbers<[1], [0], [0], [1], [0, 0, 1, 1], [], []>, transpose_lhs_hint = false} : vector<1000x256xf32>, vector<256x128xf32>, vector<1000x128xf32> -> vector<1000x128xf32>
    %get3A_6 = arith.constant 0 : index
    %get3A_7 = arith.constant 0 : index
    %get3A_8 = vector.load %arg3[%get3A_6, %get3A_7] : memref<1000x128xf32, #tpu.memory_space<vmem>>, vector<1000x128xf32>
    %mul3A = arith.mulf %dot_general3A_5, %get3A_8 : vector<1000x128xf32>
    %swap3A = arith.constant 0 : index
    %swap3A_9 = arith.constant 0 : index
    %swap3A_10 = vector.load %arg4[%swap3A, %swap3A_9] : memref<1000x128xf32, #tpu.memory_space<vmem>>, vector<1000x128xf32>
    tpu.vector_store %arg4[%swap3A, %swap3A_9], %mul3A {strides = array<i32>} : memref<1000x128xf32, #tpu.memory_space<vmem>>, vector<1000x128xf32>,
    return
  }
  func.func @transform_0(%arg0: i32) -> (i32, i32) {
    %c0_i32 = arith.constant 0 : i32
    %c0_i32_0 = arith.constant 0 : i32
    return %arg0, %c0_i32 : i32, i32
  }
  func.func @transform_1(%arg0: i32) -> (i32, i32) {
    %c0_i32 = arith.constant 0 : i32
    %c0_i32_0 = arith.constant 0 : i32
    %c0_i32_1 = arith.constant 0 : i32
    return %c0_i32, %c0_i32_0 : i32, i32
  }
  func.func @transform_2(%arg0: i32) -> (i32, i32) {
    %c0_i32 = arith.constant 0 : i32
    %c0_i32_0 = arith.constant 0 : i32
    return %arg0, %c0_i32 : i32, i32
  }
  func.func @transform_3(%arg0: i32) -> (i32, i32) {
    %c0_i32 = arith.constant 0 : i32
    %c0_i32_0 = arith.constant 0 : i32
    return %arg0, %c0_i32 : i32, i32
  }
}

module attributes {stable_mosaic.version = 14 : i64} {
  func.func @_tc_mid_body(%arg0: i32, %arg1: memref<2x1000x128xf32, #tpu.memory_space<vmem>>, %arg2: memref<1000x128xf32, #tpu.memory_space<vmem>>, %arg3: memref<1000x128xf32, #tpu.memory_space<vmem>>) attributes {dimension_semantics = [#tpu.dimension_semantics<arbitrary>], iteration_bounds = array<i64: 5>, scalar_prefetch = 0 : i64, scratch_operands = 0 : i64, tpu.core_type = #tpu.core_type<tc>, window_params = [{transform_indices = @transform_0, window_bounds = array<i64: 2, 1000, 128>}, {transform_indices = @transform_1, window_bounds = array<i64: 1000, 128>}, {transform_indices = @transform_2, window_bounds = array<i64: 1000, 128>}]} {
    %get3A = arith.constant 0 : index
    %get3A_0 = arith.constant 0 : index
    %get3A_1 = arith.constant 0 : index
    %get3A_2 = vector.load %arg1[%get3A, %get3A_0, %get3A_1] : memref<2x1000x128xf32, #tpu.memory_space<vmem>>, vector<1x1000x128xf32>
    %get3A_3 = vector.shape_cast %get3A_2 : vector<1x1000x128xf32> to vector<1000x128xf32>
    %get3A_4 = arith.constant 1 : index
    %get3A_5 = arith.constant 0 : index
    %get3A_6 = arith.constant 0 : index
    %get3A_7 = vector.load %arg1[%get3A_4, %get3A_5, %get3A_6] : memref<2x1000x128xf32, #tpu.memory_space<vmem>>, vector<1x1000x128xf32>
    %get3A_8 = vector.shape_cast %get3A_7 : vector<1x1000x128xf32> to vector<1000x128xf32>
    %add3A = arith.addf %get3A_3, %get3A_8 : vector<1000x128xf32>
    %max3A = arith.constant 0.000000e+00 : f32
    %max3A_9 = vector.broadcast %max3A : f32 to vector<1000x128xf32>
    %max3A_10 = arith.maximumf %add3A, %max3A_9 : vector<1000x128xf32>
    %get3A_11 = arith.constant 0 : index
    %get3A_12 = arith.constant 0 : index
    %get3A_13 = vector.load %arg2[%get3A_11, %get3A_12] : memref<1000x128xf32, #tpu.memory_space<vmem>>, vector<1000x128xf32>
    %mul3A = arith.mulf %max3A_10, %get3A_13 : vector<1000x128xf32>
    %swap3A = arith.constant 0 : index
    %swap3A_14 = arith.constant 0 : index
    %swap3A_15 = vector.load %arg3[%swap3A, %swap3A_14] : memref<1000x128xf32, #tpu.memory_space<vmem>>, vector<1000x128xf32>
    tpu.vector_store %arg3[%swap3A, %swap3A_14], %mul3A {strides = array<i32>} : memref<1000x128xf32, #tpu.memory_space<vmem>>, vector<1000x128xf32>,
    return
  }
  func.func @transform_0(%arg0: i32) -> (i32, i32, i32) {
    %c0_i32 = arith.constant 0 : i32
    %c0_i32_0 = arith.constant 0 : i32
    %c0_i32_1 = arith.constant 0 : i32
    return %c0_i32, %arg0, %c0_i32_0 : i32, i32, i32
  }
  func.func @transform_1(%arg0: i32) -> (i32, i32) {
    %c0_i32 = arith.constant 0 : i32
    %c0_i32_0 = arith.constant 0 : i32
    return %arg0, %c0_i32 : i32, i32
  }
  func.func @transform_2(%arg0: i32) -> (i32, i32) {
    %c0_i32 = arith.constant 0 : i32
    %c0_i32_0 = arith.constant 0 : i32
    return %arg0, %c0_i32 : i32, i32
  }
}

module attributes {stable_mosaic.version = 14 : i64} {
  func.func @_tc_post_body(%arg0: i32, %arg1: memref<2x1000x128xf32, #tpu.memory_space<vmem>>, %arg2: memref<1000x128xf32, #tpu.memory_space<vmem>>, %arg3: memref<128x256xf32, #tpu.memory_space<vmem>>, %arg4: memref<1000x256xf32, #tpu.memory_space<vmem>>) attributes {dimension_semantics = [#tpu.dimension_semantics<arbitrary>], iteration_bounds = array<i64: 5>, scalar_prefetch = 0 : i64, scratch_operands = 0 : i64, tpu.core_type = #tpu.core_type<tc>, window_params = [{transform_indices = @transform_0, window_bounds = array<i64: 2, 1000, 128>}, {transform_indices = @transform_1, window_bounds = array<i64: 1000, 128>}, {pipeline_mode = #tpu.pipeline_mode<synchronous>, transform_indices = @transform_2, window_bounds = array<i64: 128, 256>}, {transform_indices = @transform_3, window_bounds = array<i64: 1000, 256>}]} {
    %get3A = arith.constant 0 : index
    %get3A_0 = arith.constant 0 : index
    %get3A_1 = arith.constant 0 : index
    %get3A_2 = vector.load %arg1[%get3A, %get3A_0, %get3A_1] : memref<2x1000x128xf32, #tpu.memory_space<vmem>>, vector<1x1000x128xf32>
    %get3A_3 = vector.shape_cast %get3A_2 : vector<1x1000x128xf32> to vector<1000x128xf32>
    %get3A_4 = arith.constant 1 : index
    %get3A_5 = arith.constant 0 : index
    %get3A_6 = arith.constant 0 : index
    %get3A_7 = vector.load %arg1[%get3A_4, %get3A_5, %get3A_6] : memref<2x1000x128xf32, #tpu.memory_space<vmem>>, vector<1x1000x128xf32>
    %get3A_8 = vector.shape_cast %get3A_7 : vector<1x1000x128xf32> to vector<1000x128xf32>
    %add3A = arith.addf %get3A_3, %get3A_8 : vector<1000x128xf32>
    %get3A_9 = arith.constant 0 : index
    %get3A_10 = arith.constant 0 : index
    %get3A_11 = vector.load %arg2[%get3A_9, %get3A_10] : memref<1000x128xf32, #tpu.memory_space<vmem>>, vector<1000x128xf32>
    %mul3A = arith.mulf %add3A, %get3A_11 : vector<1000x128xf32>
    %get3A_12 = arith.constant 0 : index
    %get3A_13 = arith.constant 0 : index
    %get3A_14 = vector.load %arg3[%get3A_12, %get3A_13] : memref<128x256xf32, #tpu.memory_space<vmem>>, vector<128x256xf32>
    %dot_general3A = arith.constant dense<0.000000e+00> : vector<1000x256xf32>
    %dot_general3A_15 = tpu.matmul %mul3A, %get3A_14, %dot_general3A {dimension_numbers = #tpu.dot_dimension_numbers<[1], [0], [0], [1], [0, 0, 1, 1], [], []>, transpose_lhs_hint = false} : vector<1000x128xf32>, vector<128x256xf32>, vector<1000x256xf32> -> vector<1000x256xf32>
    %swap3A = arith.constant 0 : index
    %swap3A_16 = arith.constant 0 : index
    %swap3A_17 = vector.load %arg4[%swap3A, %swap3A_16] : memref<1000x256xf32, #tpu.memory_space<vmem>>, vector<1000x256xf32>
    tpu.vector_store %arg4[%swap3A, %swap3A_16], %dot_general3A_15 {strides = array<i32>} : memref<1000x256xf32, #tpu.memory_space<vmem>>, vector<1000x256xf32>,
    return
  }
  func.func @transform_0(%arg0: i32) -> (i32, i32, i32) {
    %c0_i32 = arith.constant 0 : i32
    %c0_i32_0 = arith.constant 0 : i32
    %c0_i32_1 = arith.constant 0 : i32
    return %c0_i32, %arg0, %c0_i32_0 : i32, i32, i32
  }
  func.func @transform_1(%arg0: i32) -> (i32, i32) {
    %c0_i32 = arith.constant 0 : i32
    %c0_i32_0 = arith.constant 0 : i32
    return %arg0, %c0_i32 : i32, i32
  }
  func.func @transform_2(%arg0: i32) -> (i32, i32) {
    %c0_i32 = arith.constant 0 : i32
    %c0_i32_0 = arith.constant 0 : i32
    %c0_i32_1 = arith.constant 0 : i32
    return %c0_i32, %c0_i32_0 : i32, i32
  }
  func.func @transform_3(%arg0: i32) -> (i32, i32) {
    %c0_i32 = arith.constant 0 : i32
    %c0_i32_0 = arith.constant 0 : i32
    return %arg0, %c0_i32 : i32, i32
  }
}

</mosaic_0001>

<sc_bundles>
// kernel: kernel.12.cloned.1.call-start
scs
__scs_entry_jumppad:
0x0: {  	(pc) =	sbr.rel $0x88, $3  }
0x1: {  	(tag) =	ssettag $0x0;
	lr =	simm.s32 $0x1  }
0x2: {  	[smem:$0x3F9C] =	sst lr;
	_ =	strace $0xD0000000  }
0x3: {  	_ = 	snop  }
0x4: {  	_ = 	snop  }
0x5: {  	_ = 	snop  }
0x6: {  	_ = 	snop  }
0x7: {  	_ = 	snop  }
__scs_overlays_trampoline_lowered:
0x8: {  	[smem:$0x3FAB] =	sst s0  }
0x9: {  	[smem:$0x3FAC] =	sst s1  }
0xa: {  	[smem:$0x3FAD] =	sst s2  }
0xb: {  	[smem:$0x3FAE] =	sst s3  }
0xc: {  	[smem:$0x3FAF] =	sst s4  }
0xd: {  	[smem:$0x3FB0] =	sst s5  }
0xe: {  	[smem:$0x3FB1] =	sst s6  }
0xf: {  	[smem:$0x3FB2] =	sst s7  }
0x10: {  	[smem:$0x3FB3] =	sst s8  }
0x11: {  	[smem:$0x3FB4] =	sst s9;
	s0 =	simm.s32 @!p0 $0x0  }
0x12: {  	s1 =	sld [smem:$0x3F9A];
	s0 =	simm.s32 @p0 $0x1  }
0x13: {  	[smem:$0x3FB5] =	sst s0;
	s0 =	simm.s32 @!p1 $0x0  }
0x14: {  	s2 =	sld [smem:$0x3F99];
	s0 =	simm.s32 @p1 $0x1  }
0x15: {  	[smem:$0x3FB6] =	sst s0;
	s0 =	simm.s32 @!p2 $0x0  }
0x16: {  	s3 =	sld [smem:$0x3FDB];
	s0 =	simm.s32 @p2 $0x1  }
0x17: {  	s4 =	simm.s32 $0x1BF5;
	[smem:$0x3FB8] =	sst s0  }
0x18: {  	s0 =	sld [smem:$0x3F9B];
	_ =	swait.ge [sflag:s4], $0x0  }
0x19: {  	s7 =	sld [smem:$0x3F9C]  }
0x1a: {  	s8 =	sadd.s32 $0xFFFFE003, lr  }
0x1b: {  	s9 =	sadd.s32 $0xFFFFFEF7, lr;
	s5 =	simm.s32 $0xFFFFFFFF;
	p2 =	slt.u32 s8, $0xFFFFF086  }
0x1c: {  	p1 =	slt.u32 s9, $0xF7A;
	s5 =	simm.s32 @!p2 $0x0  }
0x1d: {  	s5 =	simm.s32 @p1 $0x1;
	p0 =	seq.s32 s7, s2  }
0x1e: {  	s7 =	smul.u32 @!p0 $0xF7A, s2;
	p2 =	seq.s32 @!p0 s5, $0x0  }
0x1f: {  	s9 =	smul.u32 $0xF7A, s1;
	s8 =	simm.s32 @!p0 $0x1BF5;
	p2 =	por !p2, p0  }
0x20: {  	[sflag:s8] =	ssyncset.s32 @!p0 $0xFFFFF086;
	s6 =	sadd.s32 @!p0 s3, s7;
	s7 =	simm.s32 @!p0 $0x108  }
0x21: {  	s3 =	sadd.s32 s3, s9;
	s6 =	sadd.s32 @!p0 $0x88, s6;
	s7 =	simm.s32 @p2 $0x1082  }
0x22: {  	[simem:s7], [sflag:s8] =	dma.local @!p0 [hbm:s6], $0xF7A  }
0x23: {  	s9 =	sor.u32 $0xD0000000, s2;
	s6 =	simm.s32 $0x108;
	_ =	swait.ge @!p0 [sflag:s8], $0x0  }
0x24: {  	s3 =	sadd.s32 $0x88, s3;
	s6 =	simm.s32 @!p1 $0x1082;
	[sflag:s4] =	ssyncset.s32 $0xFFFFF086  }
0x25: {  	[simem:s6], [sflag:s4] =	dma.local [hbm:s3], $0xF7A  }
0x26: {  	[smem:$0x3F9C] =	sst s1;
	(tag) =	ssettag s2;
	_ =	strace s9  }
0x27: {  	s1 =	sld [smem:$0x3FAC]  }
0x28: {  	s2 =	sld [smem:$0x3FAD]  }
0x29: {  	s4 =	sld [smem:$0x3FAF]  }
0x2a: {  	p0 =	seq.s32 s5, $0x0;
	s5 =	sld [smem:$0x3FB0]  }
0x2b: {  	s6 =	sld [smem:$0x3FB1]  }
0x2c: {  	s7 =	sld [smem:$0x3FB2]  }
0x2d: {  	s3 =	simm.s32 $0x108;
	s8 =	sld [smem:$0x3FB3]  }
0x2e: {  	s3 =	simm.s32 @!p0 $0x1082;
	s9 =	sld [smem:$0x3FB4]  }
0x2f: {  	lr =	sadd.s32 s0, s3;
	s0 =	sld [smem:$0x3FAB]  }
0x30: {  	s3 =	sld [smem:$0x3FAE]  }
0x31: {  	[smem:$0x3FB7] =	sst s10  }
0x32: {  	s10 =	sld [smem:$0x3FB5];
	_ =	sdelay $0x3  }
0x33: {  	p0 =	seq.s32 s10, $0x1;
	s10 =	sld [smem:$0x3FB7];
	_ =	sdelay $0x3  }
0x34: {  	[smem:$0x3FB7] =	sst s10  }
0x35: {  	s10 =	sld [smem:$0x3FB6];
	_ =	sdelay $0x3  }
0x36: {  	p1 =	seq.s32 s10, $0x1;
	s10 =	sld [smem:$0x3FB7];
	_ =	sdelay $0x3  }
0x37: {  	[smem:$0x3FB7] =	sst s10  }
0x38: {  	s10 =	sld [smem:$0x3FB8]  }
0x39: {  	_ = 	snop;
	(pc) =	sbr.ind lr, $3  }
0x3a: {  	_ = 	snop  }
0x3b: {  	_ = 	snop  }
0x3c: {  	p2 =	seq.s32 s10, $0x1;
	s10 =	sld [smem:$0x3FB7]  }
0x3d: {  	_ =	shalt  }
0x3e: {  	_ =	shalt  }
0x3f: {  	_ =	shalt  }
0x40: {  	_ =	shalt  }
0x41: {  	_ =	shalt  }
0x42: {  	_ =	shalt  }
0x43: {  	_ =	shalt  }
0x44: {  	_ =	shalt  }
0x45: {  	_ =	shalt  }
0x46: {  	_ =	shalt  }
0x47: {  	_ =	shalt  }
0x48: {  	_ =	shalt  }
0x49: {  	_ =	shalt  }
0x4a: {  	_ =	shalt  }
0x4b: {  	_ =	shalt  }
0x4c: {  	_ =	shalt  }
0x4d: {  	_ =	shalt  }
0x4e: {  	_ =	shalt  }
0x4f: {  	_ =	shalt  }
0x50: {  	_ =	shalt  }
0x51: {  	_ =	shalt  }
0x52: {  	_ =	shalt  }
0x53: {  	_ =	shalt  }
0x54: {  	_ =	shalt  }
0x55: {  	_ =	shalt  }
0x56: {  	_ =	shalt  }
0x57: {  	_ =	shalt  }
0x58: {  	_ =	shalt  }
0x59: {  	_ =	shalt  }
0x5a: {  	_ =	shalt  }
0x5b: {  	_ =	shalt  }
0x5c: {  	_ =	shalt  }
0x5d: {  	_ =	shalt  }
0x5e: {  	_ =	shalt  }
0x5f: {  	_ =	shalt  }
0x60: {  	_ =	shalt  }
0x61: {  	_ =	shalt  }
0x62: {  	_ =	shalt  }
0x63: {  	_ =	shalt  }
0x64: {  	_ =	shalt  }
0x65: {  	_ =	shalt  }
0x66: {  	_ =	shalt  }
0x67: {  	_ =	shalt  }
0x68: {  	_ =	shalt  }
0x69: {  	_ =	shalt  }
0x6a: {  	_ =	shalt  }
0x6b: {  	_ =	shalt  }
0x6c: {  	_ =	shalt  }
0x6d: {  	_ =	shalt  }
0x6e: {  	_ =	shalt  }
0x6f: {  	_ =	shalt  }
0x70: {  	_ =	shalt  }
0x71: {  	_ =	shalt  }
0x72: {  	_ =	shalt  }
0x73: {  	_ =	shalt  }
0x74: {  	_ =	shalt  }
0x75: {  	_ =	shalt  }
0x76: {  	_ =	shalt  }
0x77: {  	_ =	shalt  }
0x78: {  	_ =	shalt  }
0x79: {  	_ =	shalt  }
0x7a: {  	_ =	shalt  }
0x7b: {  	_ =	shalt  }
0x7c: {  	_ =	shalt  }
0x7d: {  	_ =	shalt  }
0x7e: {  	_ =	shalt  }
0x7f: {  	_ =	shalt  }
0x80: {  	_ =	shalt  }
0x81: {  	_ =	shalt  }
0x82: {  	_ =	shalt  }
0x83: {  	_ =	shalt  }
0x84: {  	_ =	shalt  }
0x85: {  	_ =	shalt  }
0x86: {  	_ =	shalt  }
0x87: {  	_ =	shalt  }
.Lfunc_end0:
.L_simem_size_0:
called_computation.1_lowered:
.L_overlay_start_0:
0x88: {  	s2 =	sld [smem:$0x3FD9]  }
0x89: {  	s3 =	sld [smem:$0x3FFE];
	_ =	sdelay $0x1  }
0x8a: {  	s1 =	srdreg.scid  }
0x8b: {  	s0 =	sand.u32 $0x1, s1  }
0x8c: {  	s17 =	sshll.u32 s0, $0xA;
	s2 =	sadd.s32 s3, s2  }
0x8d: {  	s2 =	sadd.s32 s2, s17  }
0x8e: {  	[smem:$0x3FC3] =	sst s2  }
0x8f: {  	_ = 	snop  }
0x90: {  	s2 =	sld [smem:$0x3FD0];
	(tm) =	ssettm $0x1  }
0x91: {  	s18 =	sld [smem:$0x3FFB];
	_ =	sdelay $0x3  }
0x92: {  	_ =	strace s18  }
0x93: {  	s3 =	sld [smem:$0x3FFC];
	_ =	sdelay $0x3  }
0x94: {  	_ =	strace s3  }
0x95: {  	s3 =	sld [smem:$0x3FFD];
	_ =	sdelay $0x3  }
0x96: {  	_ =	strace s3  }
0x97: {  	_ =	strace $0x8FFFFFFF  }
0x98: {  	s19 =	sld [smem:$0x3FDB];
	_ =	sdelay $0x1  }
0x99: {  	s4 =	simm.s32 $_scs_section_size  }
0x9a: {  	s5 =	simm.s32 $_size__tile_overlayer_lowered;
	s6 =	simm.s32 $_tile_overlayer_lowered  }
0x9b: {  	s22 =	simm.s32 $0x1BFF;
	s21 =	sshll.u32 s6, $0x1;
	s3 =	sadd.s32 s4, s19  }
0x9c: {  	s7 =	simm.s32 $0x0;
	s20 =	sshll.u32 s5, $0x1;
	s5 =	sadd.s32 s21, s3  }
0x9d: {  	[timem:s7], [sflag:s22] =	dma.local [hbm:s5], s20  }
0x9e: {  	_ =	swait.ge [sflag:s22], s20  }
0x9f: {  	s4 =	ssub.s32 $0x0, s20;
	[sflag:s22] =	ssyncset.done $0x0  }
0xa0: {  	[sflag:s22] =	ssyncadd.s32 s4;
	_ =	sdelay $0x1  }
0xa1: {  	s23 =	simm.s32 $0x1B8B  }
0xa2: {  	_ =	swait.ge [sflag:s23], $0x1  }
0xa3: {  	[sflag:s23] =	ssyncset.done $0x0  }
0xa4: {  	s25 =	simm.s32 $0x1B8E;
	s24 =	sld [smem:$0x3FFE];
	[sflag:s23] =	ssyncadd.s32 $0xFFFFFFFF  }
0xa5: {  	s26 =	simm.s32 $execute0_lowered;
	[smem:$0x3FD2] =	sst s25  }
0xa6: {  	s5 =	sshll.u32 s26, $0x1;
	_ =	strace $0x80000049;
	[dreg:$0x1] =	wrdreg $0xFFFFFFFF  }
0xa7: {  	s28 =	simm.s32 $_size_execute0_lowered;
	s3 =	sadd.s32 s3, s5;
	[dreg:$0x0] =	wrdreg $0x0  }
0xa8: {  	s5 =	sshll.u32 s28, $0x1;
	[dreg:$0x2] =	wrdreg s3  }
0xa9: {  	[dreg:$0x3] =	wrdreg s5  }
0xaa: {  	[dreg:$0x4] =	wrdreg $0xC0  }
0xab: {  	_ =	task [dreg:s7], $0x5FFFF  }
0xac: {  	[dreg:$0x1] =	wrdreg $0xFFFFFFFF  }
0xad: {  	[dreg:$0x0] =	wrdreg $0x60  }
0xae: {  	[dreg:$0x2] =	wrdreg s24  }
0xaf: {  	[dreg:$0x3] =	wrdreg s2  }
0xb0: {  	[dreg:$0x4] =	wrdreg $0xB2200  }
0xb1: {  	[dreg:$0x5] =	wrdreg $0x9  }
0xb2: {  	_ =	task.clear_ibuf [dreg:s7], $0x6FFFF;
	_ =	strace $0x90000049  }
0xb3: {  	s29 =	simm.s32 $0x9;
	_ =	strace $0x8000004B  }
0xb4: {  	_ =	swait.ge [sflag:s29], $0x1  }
0xb5: {  	[sflag:s29] =	ssyncadd.s32 $0xFFFFFFFF  }
0xb6: {  	_ =	strace $0x9000004B  }
0xb7: {  	_ =	sfence  }
0xb8: {  	s30 =	sld [smem:$0x0];
	_ =	sdelay $0x2  }
0xb9: {  	s31 =	sshll.u32 s1, $0xD;
	s1 =	sshrl.u32 s1, $0x2  }
0xba: {  	s3 =	sand.u32 $0x4000, s31;
	s1 =	sadd.s32 s1, s30  }
0xbb: {  	s0 =	sor.u32 s3, s0;
	s1 =	sshll.u32 s1, $0x11  }
0xbc: {  	s0 =	sor.u32 s1, s0  }
0xbd: {  	s0 =	sadd.s32 $0x8F2B, s0  }
0xbe: {  	[sflag:s0] =	ssyncadd.remote.s32 $0x1  }
0xbf: {  	_ =	sfence.sel $0xFFFF  }
0xc0: {  	[dreg:$0x0] =	wrdreg $0xFFFFFFFF;
	(pc) =	sbr.abs _section_cstart, $3  }
0xc1: {  	[dreg:$0x1] =	wrdreg $0xFFFFFFFF  }
0xc2: {  	_ =	task.clear_ibuf [dreg:s7], $0x2FFFF;
	_ =	strace $0x9FFFFFFF  }
0xc3: {  	(tm) =	ssettm $0x7FFFFFFF  }
tec
execute0_lowered:
.L_overlay_start_1:
0x0: {  	(tag) =	ssettag $0x1  }
0x1: {  	s0 =	srdreg.scid  }
0x2: {  	s12 =	stileid.u32;
	s1 =	rddreg [dreg:$0x0]  }
0x3: {  	s5 =	rddreg [dreg:$0x1];
	s14 =	simm.s32 $0x50;
	s15 =	simm.s32 $0x4E20  }
0x4: {  	s16 =	simm.s32 $0x6220;
	s18 =	simm.s32 $0x7620;
	s20 =	simm.s32 $0x8A20  }
0x5: {  	s22 =	simm.s32 $0x9E20;
	s23 =	simm.s32 $0x1;
	s24 =	simm.s32 $0x2  }
0x6: {  	s28 =	simm.s32 $0x5;
	s29 =	simm.s32 $0x4C90;
	s30 =	simm.s32 $0x4CE0  }
0x7: {  	s31 =	simm.s32 $0x4D30;
	s0 =	sand.u32 $0x1, s0;
	s2 =	sshll.u32 s12, $0x1  }
0x8: {  	s7 =	smul.u32 $0xA000, s12;
	s4 =	sadd.s32 $0xBE00, s1;
	s26 =	sshll.u32 s12, $0x6  }
0x9: {  	s3 =	sor.u32 s0, s2;
	s2 =	rddreg [dreg:$0x2];
	s8 =	smul.u32 $0xA0000, s0  }
0xa: {  	s0 =	ssub.s32 $0x2, s0;
	s12 =	sor.u32 $0x1C06, s26;
	s26 =	simm.s32 $0x4  }
0xb: {  	s6 =	smul.u32 $0x4E2, s3;
	s3 =	simm.s32 $0x0;
	s10 =	sshrl.u32 s7, $0x3  }
0xc: {  	s11 =	sshrl.u32 s0, $0x1;
	s25 =	sadd.s32 s7, s2;
	[smem:$0x7FF] =	sst s3  }
0xd: {  	s8 =	sadd.s32 s7, s8;
	s10 =	sadd.s32 s10, s1;
	s0 =	ssub.s32 s0, s11  }
0xe: {  	s13 =	sshrl.u32 s25, $0x3;
	s25 =	simm.s32 $0x3;
	s11 =	simm.s32 $0x0  }
0xf: {  	_ =	strace $0x8000004A;
	s9 =	sadd.s32 s6, s1;
	s8 =	sshrl.u32 s8, $0x3  }
0x10: {  	s5 =	sadd.s32 s5, s6;
	s7 =	sadd.s32 $0x1FE00, s10;
	s10 =	simm.s32 $0x6  }
0x11: {  	s1 =	sadd.s32 s8, s1;
	s6 =	sadd.s32 $0x2000, s9;
	s9 =	smax.u32 s0, $0x1  }
0x12: {  	s0 =	simm.s32 $0x4DD0;
	s8 =	sadd.s32 $0x33E00, s1;
	s1 =	simm.s32 $0x4D80  }
.LBB2_1:
0x13: {  	[tilespmem:s3], [sflag:$0x6] =	stream.linear.gather [hbm4b:s5+s3], $0x2710, $0x38;
	[tilespmem:$0x15220] =	vst v63  }
0x14: {  	_ =	swait.ge [sflag:s10], $0x2710  }
0x15: {  	[sflag:s10] =	ssyncset.done $0x0  }
0x16: {  	s17 =	simm.s32 $0x2710;
	[sflag:s10] =	ssyncadd.s32 $0xFFFFD8F0  }
0x17: {  	[tilespmem:s17], [sflag:$0x6] =	stream.linear.gather [hbm4b:s6+s3], $0x2710, $0x38;
	[tilespmem:$0x15220] =	vst v63  }
0x18: {  	_ =	swait.ge [sflag:s10], $0x2710  }
0x19: {  	[sflag:s10] =	ssyncset.done $0x0  }
0x1a: {  	[sflag:s10] =	ssyncadd.s32 $0xFFFFD8F0  }
0x1b: {  	[spmem:s13], [sflag:s12] =	dma.local [hbm:s7], $0x1400  }
0x1c: {  	_ =	swait.ge [sflag:s10], $0x1400  }
0x1d: {  	[sflag:s10] =	ssyncset.done $0x0  }
0x1e: {  	[sflag:s10] =	ssyncadd.s32 $0xFFFFEC00  }
0x1f: {  	[bflag:$0x0] =	sbarrier.arrive $0xFFFF  }
0x20: {  	[tilespmem:s15], [sflag:$0x1] =	stream.indirect.gather [hbm4b:s4+s14], $0x40, s3, s14, $0xb8;
	[tilespmem:$0x15220] =	vst v63  }
0x21: {  	_ = 	snop  }
0x22: {  	[tilespmem:s16], [sflag:$0x2] =	stream.indirect.gather [hbm4b:s4+s14], $0x40, s14, s14, $0xb8;
	[tilespmem:$0x15220] =	vst v63  }
0x23: {  	s19 =	simm.s32 $0xA0  }
0x24: {  	[tilespmem:s18], [sflag:$0x3] =	stream.indirect.gather [hbm4b:s4+s14], $0x40, s19, s14, $0xb8;
	[tilespmem:$0x15220] =	vst v63  }
0x25: {  	s21 =	simm.s32 $0xF0  }
0x26: {  	[tilespmem:s20], [sflag:$0x4] =	stream.indirect.gather [hbm4b:s4+s14], $0x40, s21, s14, $0xb8;
	[tilespmem:$0x15220] =	vst v63  }
0x27: {  	s19 =	simm.s32 $0x140  }
0x28: {  	[tilespmem:s22], [sflag:$0x5] =	stream.indirect.gather [hbm4b:s4+s14], $0x40, s19, s14, $0xb8;
	[tilespmem:$0x15220] =	vst v63  }
0x29: {  	_ =	swait.ge [sflag:s23], $0x1400  }
0x2a: {  	[sflag:s23] =	ssyncset.done $0x0  }
0x2b: {  	s21 =	simm.s32 $0x2710;
	[sflag:s23] =	ssyncadd.s32 $0xFFFFEC00  }
0x2c: {  	[spmem:s2] =	stream.indirect.scatter.add.f32 [tilespmem:s15], [sflag:$0x6], $0x40, s21, s14, $0xb8;
	[tilespmem:$0x15220] =	vst v63  }
0x2d: {  	_ =	swait.ge [sflag:s10], $0x1400  }
0x2e: {  	[sflag:s10] =	ssyncset.done $0x0  }
0x2f: {  	s19 =	simm.s32 $0x190;
	[sflag:s10] =	ssyncadd.s32 $0xFFFFEC00  }
0x30: {  	[tilespmem:s15], [sflag:$0x1] =	stream.indirect.gather [hbm4b:s4+s14], $0x40, s19, s14, $0xb8;
	[tilespmem:$0x15220] =	vst v63  }
0x31: {  	_ =	swait.ge [sflag:s24], $0x1400  }
0x32: {  	[sflag:s24] =	ssyncset.done $0x0  }
0x33: {  	s21 =	simm.s32 $0x2760;
	[sflag:s24] =	ssyncadd.s32 $0xFFFFEC00  }
0x34: {  	[spmem:s2] =	stream.indirect.scatter.add.f32 [tilespmem:s16], [sflag:$0x6], $0x40, s21, s14, $0xb8;
	[tilespmem:$0x15220] =	vst v63  }
0x35: {  	_ =	swait.ge [sflag:s10], $0x1400  }
0x36: {  	[sflag:s10] =	ssyncset.done $0x0  }
0x37: {  	s19 =	simm.s32 $0x1E0;
	[sflag:s10] =	ssyncadd.s32 $0xFFFFEC00  }
0x38: {  	[tilespmem:s16], [sflag:$0x2] =	stream.indirect.gather [hbm4b:s4+s14], $0x40, s19, s14, $0xb8;
	[tilespmem:$0x15220] =	vst v63  }
0x39: {  	_ =	swait.ge [sflag:s25], $0x1400  }
0x3a: {  	[sflag:s25] =	ssyncset.done $0x0  }
0x3b: {  	s21 =	simm.s32 $0x27B0;
	[sflag:s25] =	ssyncadd.s32 $0xFFFFEC00  }
0x3c: {  	[spmem:s2] =	stream.indirect.scatter.add.f32 [tilespmem:s18], [sflag:$0x6], $0x40, s21, s14, $0xb8;
	[tilespmem:$0x15220] =	vst v63  }
0x3d: {  	_ =	swait.ge [sflag:s10], $0x1400  }
0x3e: {  	[sflag:s10] =	ssyncset.done $0x0  }
0x3f: {  	s19 =	simm.s32 $0x230;
	[sflag:s10] =	ssyncadd.s32 $0xFFFFEC00  }
0x40: {  	[tilespmem:s18], [sflag:$0x3] =	stream.indirect.gather [hbm4b:s4+s14], $0x40, s19, s14, $0xb8;
	[tilespmem:$0x15220] =	vst v63  }
0x41: {  	_ =	swait.ge [sflag:s26], $0x1400  }
0x42: {  	[sflag:s26] =	ssyncset.done $0x0  }
0x43: {  	s21 =	simm.s32 $0x2800;
	[sflag:s26] =	ssyncadd.s32 $0xFFFFEC00  }
0x44: {  	[spmem:s2] =	stream.indirect.scatter.add.f32 [tilespmem:s20], [sflag:$0x6], $0x40, s21, s14, $0xb8;
	[tilespmem:$0x15220] =	vst v63  }
0x45: {  	_ =	swait.ge [sflag:s10], $0x1400  }
0x46: {  	[sflag:s10] =	ssyncset.done $0x0  }
0x47: {  	s19 =	simm.s32 $0x280;
	[sflag:s10] =	ssyncadd.s32 $0xFFFFEC00  }
0x48: {  	[tilespmem:s20], [sflag:$0x4] =	stream.indirect.gather [hbm4b:s4+s14], $0x40, s19, s14, $0xb8;
	[tilespmem:$0x15220] =	vst v63  }
0x49: {  	_ =	swait.ge [sflag:s28], $0x1400  }
0x4a: {  	[sflag:s28] =	ssyncset.done $0x0  }
0x4b: {  	s21 =	simm.s32 $0x2850;
	[sflag:s28] =	ssyncadd.s32 $0xFFFFEC00  }
0x4c: {  	[spmem:s2] =	stream.indirect.scatter.add.f32 [tilespmem:s22], [sflag:$0x6], $0x40, s21, s14, $0xb8;
	[tilespmem:$0x15220] =	vst v63  }
0x4d: {  	_ =	swait.ge [sflag:s10], $0x1400  }
0x4e: {  	[sflag:s10] =	ssyncset.done $0x0  }
0x4f: {  	s17 =	simm.s32 $0x640;
	s19 =	simm.s32 $0x2D0;
	[sflag:s10] =	ssyncadd.s32 $0xFFFFEC00  }
.LBB2_2:
0x50: {  	[tilespmem:s22], [sflag:$0x5] =	stream.indirect.gather [hbm4b:s4+s14], $0x40, s19, s14, $0xb8;
	[tilespmem:$0x15220] =	vst v63  }
0x51: {  	s19 =	smov.u32 s17  }
0x52: {  	p0 =	sne.s32 s17, $0x8FC0;
	s17 =	sadd.s32 $0x640, s17;
	_ =	swait.ge [sflag:s23], $0x1400  }
0x53: {  	s19 =	sshra.s32 s19, $0x2;
	[sflag:s23] =	ssyncset.done $0x0  }
0x54: {  	s21 =	sadd.s32 $0x2710, s19;
	[sflag:s23] =	ssyncadd.s32 $0xFFFFEC00  }
0x55: {  	[spmem:s2] =	stream.indirect.scatter.add.f32 [tilespmem:s15], [sflag:$0x6], $0x40, s21, s14, $0xb8;
	[tilespmem:$0x15220] =	vst v63  }
0x56: {  	_ =	swait.ge [sflag:s10], $0x1400  }
0x57: {  	[sflag:s10] =	ssyncset.done $0x0  }
0x58: {  	s21 =	sadd.s32 $0x190, s19;
	[sflag:s10] =	ssyncadd.s32 $0xFFFFEC00  }
0x59: {  	[tilespmem:s15], [sflag:$0x1] =	stream.indirect.gather [hbm4b:s4+s14], $0x40, s21, s14, $0xb8;
	[tilespmem:$0x15220] =	vst v63  }
0x5a: {  	_ =	swait.ge [sflag:s24], $0x1400  }
0x5b: {  	[sflag:s24] =	ssyncset.done $0x0  }
0x5c: {  	s21 =	sadd.s32 $0x2760, s19;
	[sflag:s24] =	ssyncadd.s32 $0xFFFFEC00  }
0x5d: {  	[spmem:s2] =	stream.indirect.scatter.add.f32 [tilespmem:s16], [sflag:$0x6], $0x40, s21, s14, $0xb8;
	[tilespmem:$0x15220] =	vst v63  }
0x5e: {  	_ =	swait.ge [sflag:s10], $0x1400  }
0x5f: {  	[sflag:s10] =	ssyncset.done $0x0  }
0x60: {  	s21 =	sadd.s32 $0x1E0, s19;
	[sflag:s10] =	ssyncadd.s32 $0xFFFFEC00  }
0x61: {  	[tilespmem:s16], [sflag:$0x2] =	stream.indirect.gather [hbm4b:s4+s14], $0x40, s21, s14, $0xb8;
	[tilespmem:$0x15220] =	vst v63  }
0x62: {  	_ =	swait.ge [sflag:s25], $0x1400  }
0x63: {  	[sflag:s25] =	ssyncset.done $0x0  }
0x64: {  	s21 =	sadd.s32 $0x27B0, s19;
	[sflag:s25] =	ssyncadd.s32 $0xFFFFEC00  }
0x65: {  	[spmem:s2] =	stream.indirect.scatter.add.f32 [tilespmem:s18], [sflag:$0x6], $0x40, s21, s14, $0xb8;
	[tilespmem:$0x15220] =	vst v63  }
0x66: {  	_ =	swait.ge [sflag:s10], $0x1400  }
0x67: {  	[sflag:s10] =	ssyncset.done $0x0  }
0x68: {  	s21 =	sadd.s32 $0x230, s19;
	[sflag:s10] =	ssyncadd.s32 $0xFFFFEC00  }
0x69: {  	[tilespmem:s18], [sflag:$0x3] =	stream.indirect.gather [hbm4b:s4+s14], $0x40, s21, s14, $0xb8;
	[tilespmem:$0x15220] =	vst v63  }
0x6a: {  	_ =	swait.ge [sflag:s26], $0x1400  }
0x6b: {  	[sflag:s26] =	ssyncset.done $0x0  }
0x6c: {  	s21 =	sadd.s32 $0x2800, s19;
	[sflag:s26] =	ssyncadd.s32 $0xFFFFEC00  }
0x6d: {  	[spmem:s2] =	stream.indirect.scatter.add.f32 [tilespmem:s20], [sflag:$0x6], $0x40, s21, s14, $0xb8;
	[tilespmem:$0x15220] =	vst v63  }
0x6e: {  	_ =	swait.ge [sflag:s10], $0x1400  }
0x6f: {  	[sflag:s10] =	ssyncset.done $0x0  }
0x70: {  	s21 =	sadd.s32 $0x280, s19;
	[sflag:s10] =	ssyncadd.s32 $0xFFFFEC00  }
0x71: {  	[tilespmem:s20], [sflag:$0x4] =	stream.indirect.gather [hbm4b:s4+s14], $0x40, s21, s14, $0xb8;
	[tilespmem:$0x15220] =	vst v63  }
0x72: {  	_ =	swait.ge [sflag:s28], $0x1400  }
0x73: {  	[sflag:s28] =	ssyncset.done $0x0  }
.Ltmp0:
0x74: {  	s21 =	sadd.s32 $0x2850, s19;
	[sflag:s28] =	ssyncadd.s32 $0xFFFFEC00;
	(pc) =	sbr.rel @p0 .LBB2_2-.Ltmp0, $4  }
0x75: {  	[spmem:s2] =	stream.indirect.scatter.add.f32 [tilespmem:s22], [sflag:$0x6], $0x40, s21, s14, $0xb8;
	[tilespmem:$0x15220] =	vst v63  }
0x76: {  	_ =	swait.ge [sflag:s10], $0x1400  }
0x77: {  	[sflag:s10] =	ssyncset.done $0x0  }
0x78: {  	s19 =	sadd.s32 $0x2D0, s19;
	[sflag:s10] =	ssyncadd.s32 $0xFFFFEC00  }
0x79: {  	[tilespmem:s22], [sflag:$0x5] =	stream.indirect.gather [hbm4b:s4+s14], $0x40, s19, s14, $0xb8;
	[tilespmem:$0x15220] =	vst v63  }
0x7a: {  	_ =	swait.ge [sflag:s23], $0x1400  }
0x7b: {  	[sflag:s23] =	ssyncset.done $0x0  }
0x7c: {  	[sflag:s23] =	ssyncadd.s32 $0xFFFFEC00  }
0x7d: {  	[spmem:s2] =	stream.indirect.scatter.add.f32 [tilespmem:s15], [sflag:$0x6], $0x40, s29, s14, $0xb8;
	[tilespmem:$0x15220] =	vst v63  }
0x7e: {  	_ =	swait.ge [sflag:s10], $0x1400  }
0x7f: {  	[sflag:s10] =	ssyncset.done $0x0  }
0x80: {  	[sflag:s10] =	ssyncadd.s32 $0xFFFFEC00  }
0x81: {  	_ =	swait.ge [sflag:s24], $0x1400  }
0x82: {  	[sflag:s24] =	ssyncset.done $0x0  }
0x83: {  	[sflag:s24] =	ssyncadd.s32 $0xFFFFEC00  }
0x84: {  	[spmem:s2] =	stream.indirect.scatter.add.f32 [tilespmem:s16], [sflag:$0x6], $0x40, s30, s14, $0xb8;
	[tilespmem:$0x15220] =	vst v63  }
0x85: {  	_ =	swait.ge [sflag:s10], $0x1400  }
0x86: {  	[sflag:s10] =	ssyncset.done $0x0  }
0x87: {  	[sflag:s10] =	ssyncadd.s32 $0xFFFFEC00  }
0x88: {  	_ =	swait.ge [sflag:s25], $0x1400  }
0x89: {  	[sflag:s25] =	ssyncset.done $0x0  }
0x8a: {  	[sflag:s25] =	ssyncadd.s32 $0xFFFFEC00  }
0x8b: {  	[spmem:s2] =	stream.indirect.scatter.add.f32 [tilespmem:s18], [sflag:$0x6], $0x40, s31, s14, $0xb8;
	[tilespmem:$0x15220] =	vst v63  }
0x8c: {  	_ =	swait.ge [sflag:s10], $0x1400  }
0x8d: {  	[sflag:s10] =	ssyncset.done $0x0  }
0x8e: {  	[sflag:s10] =	ssyncadd.s32 $0xFFFFEC00  }
0x8f: {  	_ =	swait.ge [sflag:s26], $0x1400  }
0x90: {  	[sflag:s26] =	ssyncset.done $0x0  }
0x91: {  	[sflag:s26] =	ssyncadd.s32 $0xFFFFEC00  }
0x92: {  	[spmem:s2] =	stream.indirect.scatter.add.f32 [tilespmem:s20], [sflag:$0x6], $0x40, s1, s14, $0xb8;
	[tilespmem:$0x15220] =	vst v63  }
0x93: {  	_ =	swait.ge [sflag:s10], $0x1400  }
0x94: {  	[sflag:s10] =	ssyncset.done $0x0  }
0x95: {  	[sflag:s10] =	ssyncadd.s32 $0xFFFFEC00  }
0x96: {  	_ =	swait.ge [sflag:s28], $0x1400  }
0x97: {  	[sflag:s28] =	ssyncset.done $0x0  }
0x98: {  	[sflag:s28] =	ssyncadd.s32 $0xFFFFEC00  }
0x99: {  	[spmem:s2] =	stream.indirect.scatter.add.f32 [tilespmem:s22], [sflag:$0x6], $0x40, s0, s14, $0xb8;
	[tilespmem:$0x15220] =	vst v63  }
0x9a: {  	_ =	swait.ge [sflag:s10], $0x1400  }
0x9b: {  	s11 =	sadd.s32 $0x1, s11;
	[sflag:s10] =	ssyncset.done $0x0  }
0x9c: {  	p0 =	sne.s32 s11, s9;
	[sflag:s10] =	ssyncadd.s32 $0xFFFFEC00  }
.Ltmp1:
0x9d: {  	[bflag:$0x0] =	sbarrier.arrive $0xFFFF;
	(pc) =	sbr.rel @p0 .LBB2_1-.Ltmp1, $4  }
0x9e: {  	[hbm:s8], [sflag:s12] =	dma.local [spmem:s13], $0x1400  }
0x9f: {  	_ =	swait.ge [sflag:s10], $0x1400  }
0xa0: {  	[sflag:s10] =	ssyncset.done $0x0  }
0xa1: {  	[sflag:s10] =	ssyncadd.s32 $0xFFFFEC00  }
0xa2: {  	_ =	sfence.sel $0x180000  }
0xa3: {  	[bflag:$0x0] =	sbarrier.arrive $0xFFFF  }
0xa4: {  	_ =	strace $0x9000004A  }
0xa5: {  	s0 =	stileid.u32;
	[bflag:$0x2] =	sbarrier.arrive $0xFFFF  }
0xa6: {  	p0 =	sne.s32 s0, $0x0;
	s0 =	rddreg [dreg:$0x3]  }
0xa7: {  	s0 =	sadd.s32 @!p0 $0x100000, s0  }
0xa8: {  	[sflag:s0] =	ssyncadd.tile.s32 @!p0 $0x1;
	_ =	shalt  }
.Lfunc_end2:
_tile_overlayer_lowered:
.L_overlay_start_2:
0xa9: {  	(tag) =	ssettag $0x2  }
0xaa: {  	s0 =	rddreg [dreg:$0x0];
	s2 =	stileid.u32  }
0xab: {  	s1 =	rddreg [dreg:$0x1];
	p0 =	sne.s32 s2, $0x0  }
0xac: {  	s3 =	rddreg [dreg:$0x2];
	[bflag:$0x3] =	sbarrier.arrive $0xFFFF;
	s2 =	simm.s32 @!p0 $0x1C06  }
0xad: {  	[timem:s3], [sflag:s2] =	dma.local @!p0 [hbm:s0], s1  }
0xae: {  	s0 =	simm.s32 @!p0 $0x6  }
0xaf: {  	_ =	swait.ge @!p0 [sflag:s0], s1  }
0xb0: {  	s1 =	ssub.s32 @!p0 $0x0, s1;
	[sflag:s0] =	ssyncset.done @!p0 $0x0  }
0xb1: {  	[sflag:s0] =	ssyncadd.s32 @!p0 s1  }
0xb2: {  	[bflag:$0x3] =	sbarrier.arrive $0xFFFF  }
0xb3: {  	_ =	shalt  }

// kernel: kernel.15.cloned.1.call-start
scs
__scs_entry_jumppad:
0x0: {  	(pc) =	sbr.rel $0x88, $3  }
0x1: {  	(tag) =	ssettag $0x0;
	lr =	simm.s32 $0x1  }
0x2: {  	[smem:$0x3F9C] =	sst lr;
	_ =	strace $0xD0000000  }
0x3: {  	_ = 	snop  }
0x4: {  	_ = 	snop  }
0x5: {  	_ = 	snop  }
0x6: {  	_ = 	snop  }
0x7: {  	_ = 	snop  }
__scs_overlays_trampoline_lowered:
0x8: {  	[smem:$0x3FAB] =	sst s0  }
0x9: {  	[smem:$0x3FAC] =	sst s1  }
0xa: {  	[smem:$0x3FAD] =	sst s2  }
0xb: {  	[smem:$0x3FAE] =	sst s3  }
0xc: {  	[smem:$0x3FAF] =	sst s4  }
0xd: {  	[smem:$0x3FB0] =	sst s5  }
0xe: {  	[smem:$0x3FB1] =	sst s6  }
0xf: {  	[smem:$0x3FB2] =	sst s7  }
0x10: {  	[smem:$0x3FB3] =	sst s8  }
0x11: {  	[smem:$0x3FB4] =	sst s9;
	s0 =	simm.s32 @!p0 $0x0  }
0x12: {  	s1 =	sld [smem:$0x3F9A];
	s0 =	simm.s32 @p0 $0x1  }
0x13: {  	[smem:$0x3FB5] =	sst s0;
	s0 =	simm.s32 @!p1 $0x0  }
0x14: {  	s2 =	sld [smem:$0x3F99];
	s0 =	simm.s32 @p1 $0x1  }
0x15: {  	[smem:$0x3FB6] =	sst s0;
	s0 =	simm.s32 @!p2 $0x0  }
0x16: {  	s3 =	sld [smem:$0x3FDB];
	s0 =	simm.s32 @p2 $0x1  }
0x17: {  	s4 =	simm.s32 $0x1BF5;
	[smem:$0x3FB8] =	sst s0  }
0x18: {  	s0 =	sld [smem:$0x3F9B];
	_ =	swait.ge [sflag:s4], $0x0  }
0x19: {  	s7 =	sld [smem:$0x3F9C]  }
0x1a: {  	s8 =	sadd.s32 $0xFFFFE003, lr  }
0x1b: {  	s9 =	sadd.s32 $0xFFFFFEF7, lr;
	s5 =	simm.s32 $0xFFFFFFFF;
	p2 =	slt.u32 s8, $0xFFFFF086  }
0x1c: {  	p1 =	slt.u32 s9, $0xF7A;
	s5 =	simm.s32 @!p2 $0x0  }
0x1d: {  	s5 =	simm.s32 @p1 $0x1;
	p0 =	seq.s32 s7, s2  }
0x1e: {  	s7 =	smul.u32 @!p0 $0xF7A, s2;
	p2 =	seq.s32 @!p0 s5, $0x0  }
0x1f: {  	s9 =	smul.u32 $0xF7A, s1;
	s8 =	simm.s32 @!p0 $0x1BF5;
	p2 =	por !p2, p0  }
0x20: {  	[sflag:s8] =	ssyncset.s32 @!p0 $0xFFFFF086;
	s6 =	sadd.s32 @!p0 s3, s7;
	s7 =	simm.s32 @!p0 $0x108  }
0x21: {  	s3 =	sadd.s32 s3, s9;
	s6 =	sadd.s32 @!p0 $0x88, s6;
	s7 =	simm.s32 @p2 $0x1082  }
0x22: {  	[simem:s7], [sflag:s8] =	dma.local @!p0 [hbm:s6], $0xF7A  }
0x23: {  	s9 =	sor.u32 $0xD0000000, s2;
	s6 =	simm.s32 $0x108;
	_ =	swait.ge @!p0 [sflag:s8], $0x0  }
0x24: {  	s3 =	sadd.s32 $0x88, s3;
	s6 =	simm.s32 @!p1 $0x1082;
	[sflag:s4] =	ssyncset.s32 $0xFFFFF086  }
0x25: {  	[simem:s6], [sflag:s4] =	dma.local [hbm:s3], $0xF7A  }
0x26: {  	[smem:$0x3F9C] =	sst s1;
	(tag) =	ssettag s2;
	_ =	strace s9  }
0x27: {  	s1 =	sld [smem:$0x3FAC]  }
0x28: {  	s2 =	sld [smem:$0x3FAD]  }
0x29: {  	s4 =	sld [smem:$0x3FAF]  }
0x2a: {  	p0 =	seq.s32 s5, $0x0;
	s5 =	sld [smem:$0x3FB0]  }
0x2b: {  	s6 =	sld [smem:$0x3FB1]  }
0x2c: {  	s7 =	sld [smem:$0x3FB2]  }
0x2d: {  	s3 =	simm.s32 $0x108;
	s8 =	sld [smem:$0x3FB3]  }
0x2e: {  	s3 =	simm.s32 @!p0 $0x1082;
	s9 =	sld [smem:$0x3FB4]  }
0x2f: {  	lr =	sadd.s32 s0, s3;
	s0 =	sld [smem:$0x3FAB]  }
0x30: {  	s3 =	sld [smem:$0x3FAE]  }
0x31: {  	[smem:$0x3FB7] =	sst s10  }
0x32: {  	s10 =	sld [smem:$0x3FB5];
	_ =	sdelay $0x3  }
0x33: {  	p0 =	seq.s32 s10, $0x1;
	s10 =	sld [smem:$0x3FB7];
	_ =	sdelay $0x3  }
0x34: {  	[smem:$0x3FB7] =	sst s10  }
0x35: {  	s10 =	sld [smem:$0x3FB6];
	_ =	sdelay $0x3  }
0x36: {  	p1 =	seq.s32 s10, $0x1;
	s10 =	sld [smem:$0x3FB7];
	_ =	sdelay $0x3  }
0x37: {  	[smem:$0x3FB7] =	sst s10  }
0x38: {  	s10 =	sld [smem:$0x3FB8]  }
0x39: {  	_ = 	snop;
	(pc) =	sbr.ind lr, $3  }
0x3a: {  	_ = 	snop  }
0x3b: {  	_ = 	snop  }
0x3c: {  	p2 =	seq.s32 s10, $0x1;
	s10 =	sld [smem:$0x3FB7]  }
0x3d: {  	_ =	shalt  }
0x3e: {  	_ =	shalt  }
0x3f: {  	_ =	shalt  }
0x40: {  	_ =	shalt  }
0x41: {  	_ =	shalt  }
0x42: {  	_ =	shalt  }
0x43: {  	_ =	shalt  }
0x44: {  	_ =	shalt  }
0x45: {  	_ =	shalt  }
0x46: {  	_ =	shalt  }
0x47: {  	_ =	shalt  }
0x48: {  	_ =	shalt  }
0x49: {  	_ =	shalt  }
0x4a: {  	_ =	shalt  }
0x4b: {  	_ =	shalt  }
0x4c: {  	_ =	shalt  }
0x4d: {  	_ =	shalt  }
0x4e: {  	_ =	shalt  }
0x4f: {  	_ =	shalt  }
0x50: {  	_ =	shalt  }
0x51: {  	_ =	shalt  }
0x52: {  	_ =	shalt  }
0x53: {  	_ =	shalt  }
0x54: {  	_ =	shalt  }
0x55: {  	_ =	shalt  }
0x56: {  	_ =	shalt  }
0x57: {  	_ =	shalt  }
0x58: {  	_ =	shalt  }
0x59: {  	_ =	shalt  }
0x5a: {  	_ =	shalt  }
0x5b: {  	_ =	shalt  }
0x5c: {  	_ =	shalt  }
0x5d: {  	_ =	shalt  }
0x5e: {  	_ =	shalt  }
0x5f: {  	_ =	shalt  }
0x60: {  	_ =	shalt  }
0x61: {  	_ =	shalt  }
0x62: {  	_ =	shalt  }
0x63: {  	_ =	shalt  }
0x64: {  	_ =	shalt  }
0x65: {  	_ =	shalt  }
0x66: {  	_ =	shalt  }
0x67: {  	_ =	shalt  }
0x68: {  	_ =	shalt  }
0x69: {  	_ =	shalt  }
0x6a: {  	_ =	shalt  }
0x6b: {  	_ =	shalt  }
0x6c: {  	_ =	shalt  }
0x6d: {  	_ =	shalt  }
0x6e: {  	_ =	shalt  }
0x6f: {  	_ =	shalt  }
0x70: {  	_ =	shalt  }
0x71: {  	_ =	shalt  }
0x72: {  	_ =	shalt  }
0x73: {  	_ =	shalt  }
0x74: {  	_ =	shalt  }
0x75: {  	_ =	shalt  }
0x76: {  	_ =	shalt  }
0x77: {  	_ =	shalt  }
0x78: {  	_ =	shalt  }
0x79: {  	_ =	shalt  }
0x7a: {  	_ =	shalt  }
0x7b: {  	_ =	shalt  }
0x7c: {  	_ =	shalt  }
0x7d: {  	_ =	shalt  }
0x7e: {  	_ =	shalt  }
0x7f: {  	_ =	shalt  }
0x80: {  	_ =	shalt  }
0x81: {  	_ =	shalt  }
0x82: {  	_ =	shalt  }
0x83: {  	_ =	shalt  }
0x84: {  	_ =	shalt  }
0x85: {  	_ =	shalt  }
0x86: {  	_ =	shalt  }
0x87: {  	_ =	shalt  }
.Lfunc_end0:
.L_simem_size_0:
called_computation.2_lowered:
.L_overlay_start_0:
0x88: {  	s2 =	sld [smem:$0x3FD9]  }
0x89: {  	s3 =	sld [smem:$0x3FFE];
	_ =	sdelay $0x1  }
0x8a: {  	s1 =	srdreg.scid  }
0x8b: {  	s0 =	sand.u32 $0x1, s1  }
0x8c: {  	s17 =	sshll.u32 s0, $0xA;
	s2 =	sadd.s32 s3, s2  }
0x8d: {  	s2 =	sadd.s32 s2, s17  }
0x8e: {  	[smem:$0x3FC3] =	sst s2  }
0x8f: {  	_ = 	snop  }
0x90: {  	s2 =	sld [smem:$0x3FD0];
	(tm) =	ssettm $0x1  }
0x91: {  	s18 =	sld [smem:$0x3FFB];
	_ =	sdelay $0x3  }
0x92: {  	_ =	strace s18  }
0x93: {  	s3 =	sld [smem:$0x3FFC];
	_ =	sdelay $0x3  }
0x94: {  	_ =	strace s3  }
0x95: {  	s3 =	sld [smem:$0x3FFD];
	_ =	sdelay $0x3  }
0x96: {  	_ =	strace s3  }
0x97: {  	_ =	strace $0x8FFFFFFF  }
0x98: {  	s19 =	sld [smem:$0x3FDB];
	_ =	sdelay $0x1  }
0x99: {  	s4 =	simm.s32 $_scs_section_size  }
0x9a: {  	s5 =	simm.s32 $_size__tile_overlayer_lowered;
	s6 =	simm.s32 $_tile_overlayer_lowered  }
0x9b: {  	s22 =	simm.s32 $0x1BFF;
	s21 =	sshll.u32 s6, $0x1;
	s3 =	sadd.s32 s4, s19  }
0x9c: {  	s7 =	simm.s32 $0x0;
	s20 =	sshll.u32 s5, $0x1;
	s5 =	sadd.s32 s21, s3  }
0x9d: {  	[timem:s7], [sflag:s22] =	dma.local [hbm:s5], s20  }
0x9e: {  	_ =	swait.ge [sflag:s22], s20  }
0x9f: {  	s4 =	ssub.s32 $0x0, s20;
	[sflag:s22] =	ssyncset.done $0x0  }
0xa0: {  	[sflag:s22] =	ssyncadd.s32 s4;
	_ =	sdelay $0x1  }
0xa1: {  	s23 =	simm.s32 $0x1B8B  }
0xa2: {  	_ =	swait.ge [sflag:s23], $0x1  }
0xa3: {  	[sflag:s23] =	ssyncset.done $0x0  }
0xa4: {  	s25 =	simm.s32 $0x1B8E;
	s24 =	sld [smem:$0x3FFE];
	[sflag:s23] =	ssyncadd.s32 $0xFFFFFFFF  }
0xa5: {  	s26 =	simm.s32 $execute0_lowered;
	[smem:$0x3FD2] =	sst s25  }
0xa6: {  	s5 =	sshll.u32 s26, $0x1;
	_ =	strace $0x8000004C;
	[dreg:$0x1] =	wrdreg $0xFFFFFFFF  }
0xa7: {  	s28 =	simm.s32 $_size_execute0_lowered;
	s3 =	sadd.s32 s3, s5;
	[dreg:$0x0] =	wrdreg $0x0  }
0xa8: {  	s5 =	sshll.u32 s28, $0x1;
	[dreg:$0x2] =	wrdreg s3  }
0xa9: {  	[dreg:$0x3] =	wrdreg s5  }
0xaa: {  	[dreg:$0x4] =	wrdreg $0xC0  }
0xab: {  	_ =	task [dreg:s7], $0x5FFFF  }
0xac: {  	[dreg:$0x1] =	wrdreg $0xFFFFFFFF  }
0xad: {  	[dreg:$0x0] =	wrdreg $0x60  }
0xae: {  	[dreg:$0x2] =	wrdreg s24  }
0xaf: {  	[dreg:$0x3] =	wrdreg s2  }
0xb0: {  	[dreg:$0x4] =	wrdreg $0xB2200  }
0xb1: {  	[dreg:$0x5] =	wrdreg $0x9  }
0xb2: {  	_ =	task.clear_ibuf [dreg:s7], $0x6FFFF;
	_ =	strace $0x9000004C  }
0xb3: {  	s29 =	simm.s32 $0x9;
	_ =	strace $0x8000004E  }
0xb4: {  	_ =	swait.ge [sflag:s29], $0x1  }
0xb5: {  	[sflag:s29] =	ssyncadd.s32 $0xFFFFFFFF  }
0xb6: {  	_ =	strace $0x9000004E  }
0xb7: {  	_ =	sfence  }
0xb8: {  	s30 =	sld [smem:$0x0];
	_ =	sdelay $0x2  }
0xb9: {  	s31 =	sshll.u32 s1, $0xD;
	s1 =	sshrl.u32 s1, $0x2  }
0xba: {  	s3 =	sand.u32 $0x4000, s31;
	s1 =	sadd.s32 s1, s30  }
0xbb: {  	s0 =	sor.u32 s3, s0;
	s1 =	sshll.u32 s1, $0x11  }
0xbc: {  	s0 =	sor.u32 s1, s0  }
0xbd: {  	s0 =	sadd.s32 $0x8F2B, s0  }
0xbe: {  	[sflag:s0] =	ssyncadd.remote.s32 $0x1  }
0xbf: {  	_ =	sfence.sel $0xFFFF  }
0xc0: {  	[dreg:$0x0] =	wrdreg $0xFFFFFFFF;
	(pc) =	sbr.abs _section_cstart, $3  }
0xc1: {  	[dreg:$0x1] =	wrdreg $0xFFFFFFFF  }
0xc2: {  	_ =	task.clear_ibuf [dreg:s7], $0x2FFFF;
	_ =	strace $0x9FFFFFFF  }
0xc3: {  	(tm) =	ssettm $0x7FFFFFFF  }
tec
execute0_lowered:
.L_overlay_start_1:
0x0: {  	(tag) =	ssettag $0x1  }
0x1: {  	s0 =	srdreg.scid  }
0x2: {  	s12 =	stileid.u32;
	s1 =	rddreg [dreg:$0x0]  }
0x3: {  	s5 =	rddreg [dreg:$0x1];
	s14 =	simm.s32 $0x50;
	s15 =	simm.s32 $0x4E20  }
0x4: {  	s16 =	simm.s32 $0x6220;
	s18 =	simm.s32 $0x7620;
	s20 =	simm.s32 $0x8A20  }
0x5: {  	s22 =	simm.s32 $0x9E20;
	s23 =	simm.s32 $0x1;
	s24 =	simm.s32 $0x2  }
0x6: {  	s28 =	simm.s32 $0x5;
	s29 =	simm.s32 $0x4C90;
	s30 =	simm.s32 $0x4CE0  }
0x7: {  	s31 =	simm.s32 $0x4D30;
	s0 =	sand.u32 $0x1, s0;
	s2 =	sshll.u32 s12, $0x1  }
0x8: {  	s7 =	smul.u32 $0xA000, s12;
	s4 =	sadd.s32 $0xBE00, s1;
	s26 =	sshll.u32 s12, $0x6  }
0x9: {  	s3 =	sor.u32 s0, s2;
	s2 =	rddreg [dreg:$0x2];
	s8 =	smul.u32 $0xA0000, s0  }
0xa: {  	s0 =	ssub.s32 $0x2, s0;
	s12 =	sor.u32 $0x1C06, s26;
	s26 =	simm.s32 $0x4  }
0xb: {  	s6 =	smul.u32 $0x4E2, s3;
	s3 =	simm.s32 $0x0;
	s10 =	sshrl.u32 s7, $0x3  }
0xc: {  	s11 =	sshrl.u32 s0, $0x1;
	s25 =	sadd.s32 s7, s2;
	[smem:$0x7FF] =	sst s3  }
0xd: {  	s8 =	sadd.s32 s7, s8;
	s10 =	sadd.s32 s10, s1;
	s0 =	ssub.s32 s0, s11  }
0xe: {  	s13 =	sshrl.u32 s25, $0x3;
	s25 =	simm.s32 $0x3;
	s11 =	simm.s32 $0x0  }
0xf: {  	_ =	strace $0x8000004D;
	s9 =	sadd.s32 s6, s1;
	s8 =	sshrl.u32 s8, $0x3  }
0x10: {  	s5 =	sadd.s32 s5, s6;
	s7 =	sadd.s32 $0x1FE00, s10;
	s10 =	simm.s32 $0x6  }
0x11: {  	s1 =	sadd.s32 s8, s1;
	s6 =	sadd.s32 $0x2000, s9;
	s9 =	smax.u32 s0, $0x1  }
0x12: {  	s0 =	simm.s32 $0x4DD0;
	s8 =	sadd.s32 $0x33E00, s1;
	s1 =	simm.s32 $0x4D80  }
.LBB2_1:
0x13: {  	[tilespmem:s3], [sflag:$0x6] =	stream.linear.gather [hbm4b:s5+s3], $0x2710, $0x38;
	[tilespmem:$0x15220] =	vst v63  }
0x14: {  	_ =	swait.ge [sflag:s10], $0x2710  }
0x15: {  	[sflag:s10] =	ssyncset.done $0x0  }
0x16: {  	s17 =	simm.s32 $0x2710;
	[sflag:s10] =	ssyncadd.s32 $0xFFFFD8F0  }
0x17: {  	[tilespmem:s17], [sflag:$0x6] =	stream.linear.gather [hbm4b:s6+s3], $0x2710, $0x38;
	[tilespmem:$0x15220] =	vst v63  }
0x18: {  	_ =	swait.ge [sflag:s10], $0x2710  }
0x19: {  	[sflag:s10] =	ssyncset.done $0x0  }
0x1a: {  	[sflag:s10] =	ssyncadd.s32 $0xFFFFD8F0  }
0x1b: {  	[spmem:s13], [sflag:s12] =	dma.local [hbm:s7], $0x1400  }
0x1c: {  	_ =	swait.ge [sflag:s10], $0x1400  }
0x1d: {  	[sflag:s10] =	ssyncset.done $0x0  }
0x1e: {  	[sflag:s10] =	ssyncadd.s32 $0xFFFFEC00  }
0x1f: {  	[bflag:$0x0] =	sbarrier.arrive $0xFFFF  }
0x20: {  	[tilespmem:s15], [sflag:$0x1] =	stream.indirect.gather [hbm4b:s4+s14], $0x40, s3, s14, $0xb8;
	[tilespmem:$0x15220] =	vst v63  }
0x21: {  	_ = 	snop  }
0x22: {  	[tilespmem:s16], [sflag:$0x2] =	stream.indirect.gather [hbm4b:s4+s14], $0x40, s14, s14, $0xb8;
	[tilespmem:$0x15220] =	vst v63  }
0x23: {  	s19 =	simm.s32 $0xA0  }
0x24: {  	[tilespmem:s18], [sflag:$0x3] =	stream.indirect.gather [hbm4b:s4+s14], $0x40, s19, s14, $0xb8;
	[tilespmem:$0x15220] =	vst v63  }
0x25: {  	s21 =	simm.s32 $0xF0  }
0x26: {  	[tilespmem:s20], [sflag:$0x4] =	stream.indirect.gather [hbm4b:s4+s14], $0x40, s21, s14, $0xb8;
	[tilespmem:$0x15220] =	vst v63  }
0x27: {  	s19 =	simm.s32 $0x140  }
0x28: {  	[tilespmem:s22], [sflag:$0x5] =	stream.indirect.gather [hbm4b:s4+s14], $0x40, s19, s14, $0xb8;
	[tilespmem:$0x15220] =	vst v63  }
0x29: {  	_ =	swait.ge [sflag:s23], $0x1400  }
0x2a: {  	[sflag:s23] =	ssyncset.done $0x0  }
0x2b: {  	s21 =	simm.s32 $0x2710;
	[sflag:s23] =	ssyncadd.s32 $0xFFFFEC00  }
0x2c: {  	[spmem:s2] =	stream.indirect.scatter.add.f32 [tilespmem:s15], [sflag:$0x6], $0x40, s21, s14, $0xb8;
	[tilespmem:$0x15220] =	vst v63  }
0x2d: {  	_ =	swait.ge [sflag:s10], $0x1400  }
0x2e: {  	[sflag:s10] =	ssyncset.done $0x0  }
0x2f: {  	s19 =	simm.s32 $0x190;
	[sflag:s10] =	ssyncadd.s32 $0xFFFFEC00  }
0x30: {  	[tilespmem:s15], [sflag:$0x1] =	stream.indirect.gather [hbm4b:s4+s14], $0x40, s19, s14, $0xb8;
	[tilespmem:$0x15220] =	vst v63  }
0x31: {  	_ =	swait.ge [sflag:s24], $0x1400  }
0x32: {  	[sflag:s24] =	ssyncset.done $0x0  }
0x33: {  	s21 =	simm.s32 $0x2760;
	[sflag:s24] =	ssyncadd.s32 $0xFFFFEC00  }
0x34: {  	[spmem:s2] =	stream.indirect.scatter.add.f32 [tilespmem:s16], [sflag:$0x6], $0x40, s21, s14, $0xb8;
	[tilespmem:$0x15220] =	vst v63  }
0x35: {  	_ =	swait.ge [sflag:s10], $0x1400  }
0x36: {  	[sflag:s10] =	ssyncset.done $0x0  }
0x37: {  	s19 =	simm.s32 $0x1E0;
	[sflag:s10] =	ssyncadd.s32 $0xFFFFEC00  }
0x38: {  	[tilespmem:s16], [sflag:$0x2] =	stream.indirect.gather [hbm4b:s4+s14], $0x40, s19, s14, $0xb8;
	[tilespmem:$0x15220] =	vst v63  }
0x39: {  	_ =	swait.ge [sflag:s25], $0x1400  }
0x3a: {  	[sflag:s25] =	ssyncset.done $0x0  }
0x3b: {  	s21 =	simm.s32 $0x27B0;
	[sflag:s25] =	ssyncadd.s32 $0xFFFFEC00  }
0x3c: {  	[spmem:s2] =	stream.indirect.scatter.add.f32 [tilespmem:s18], [sflag:$0x6], $0x40, s21, s14, $0xb8;
	[tilespmem:$0x15220] =	vst v63  }
0x3d: {  	_ =	swait.ge [sflag:s10], $0x1400  }
0x3e: {  	[sflag:s10] =	ssyncset.done $0x0  }
0x3f: {  	s19 =	simm.s32 $0x230;
	[sflag:s10] =	ssyncadd.s32 $0xFFFFEC00  }
0x40: {  	[tilespmem:s18], [sflag:$0x3] =	stream.indirect.gather [hbm4b:s4+s14], $0x40, s19, s14, $0xb8;
	[tilespmem:$0x15220] =	vst v63  }
0x41: {  	_ =	swait.ge [sflag:s26], $0x1400  }
0x42: {  	[sflag:s26] =	ssyncset.done $0x0  }
0x43: {  	s21 =	simm.s32 $0x2800;
	[sflag:s26] =	ssyncadd.s32 $0xFFFFEC00  }
0x44: {  	[spmem:s2] =	stream.indirect.scatter.add.f32 [tilespmem:s20], [sflag:$0x6], $0x40, s21, s14, $0xb8;
	[tilespmem:$0x15220] =	vst v63  }
0x45: {  	_ =	swait.ge [sflag:s10], $0x1400  }
0x46: {  	[sflag:s10] =	ssyncset.done $0x0  }
0x47: {  	s19 =	simm.s32 $0x280;
	[sflag:s10] =	ssyncadd.s32 $0xFFFFEC00  }
0x48: {  	[tilespmem:s20], [sflag:$0x4] =	stream.indirect.gather [hbm4b:s4+s14], $0x40, s19, s14, $0xb8;
	[tilespmem:$0x15220] =	vst v63  }
0x49: {  	_ =	swait.ge [sflag:s28], $0x1400  }
0x4a: {  	[sflag:s28] =	ssyncset.done $0x0  }
0x4b: {  	s21 =	simm.s32 $0x2850;
	[sflag:s28] =	ssyncadd.s32 $0xFFFFEC00  }
0x4c: {  	[spmem:s2] =	stream.indirect.scatter.add.f32 [tilespmem:s22], [sflag:$0x6], $0x40, s21, s14, $0xb8;
	[tilespmem:$0x15220] =	vst v63  }
0x4d: {  	_ =	swait.ge [sflag:s10], $0x1400  }
0x4e: {  	[sflag:s10] =	ssyncset.done $0x0  }
0x4f: {  	s17 =	simm.s32 $0x640;
	s19 =	simm.s32 $0x2D0;
	[sflag:s10] =	ssyncadd.s32 $0xFFFFEC00  }
.LBB2_2:
0x50: {  	[tilespmem:s22], [sflag:$0x5] =	stream.indirect.gather [hbm4b:s4+s14], $0x40, s19, s14, $0xb8;
	[tilespmem:$0x15220] =	vst v63  }
0x51: {  	s19 =	smov.u32 s17  }
0x52: {  	p0 =	sne.s32 s17, $0x8FC0;
	s17 =	sadd.s32 $0x640, s17;
	_ =	swait.ge [sflag:s23], $0x1400  }
0x53: {  	s19 =	sshra.s32 s19, $0x2;
	[sflag:s23] =	ssyncset.done $0x0  }
0x54: {  	s21 =	sadd.s32 $0x2710, s19;
	[sflag:s23] =	ssyncadd.s32 $0xFFFFEC00  }
0x55: {  	[spmem:s2] =	stream.indirect.scatter.add.f32 [tilespmem:s15], [sflag:$0x6], $0x40, s21, s14, $0xb8;
	[tilespmem:$0x15220] =	vst v63  }
0x56: {  	_ =	swait.ge [sflag:s10], $0x1400  }
0x57: {  	[sflag:s10] =	ssyncset.done $0x0  }
0x58: {  	s21 =	sadd.s32 $0x190, s19;
	[sflag:s10] =	ssyncadd.s32 $0xFFFFEC00  }
0x59: {  	[tilespmem:s15], [sflag:$0x1] =	stream.indirect.gather [hbm4b:s4+s14], $0x40, s21, s14, $0xb8;
	[tilespmem:$0x15220] =	vst v63  }
0x5a: {  	_ =	swait.ge [sflag:s24], $0x1400  }
0x5b: {  	[sflag:s24] =	ssyncset.done $0x0  }
0x5c: {  	s21 =	sadd.s32 $0x2760, s19;
	[sflag:s24] =	ssyncadd.s32 $0xFFFFEC00  }
0x5d: {  	[spmem:s2] =	stream.indirect.scatter.add.f32 [tilespmem:s16], [sflag:$0x6], $0x40, s21, s14, $0xb8;
	[tilespmem:$0x15220] =	vst v63  }
0x5e: {  	_ =	swait.ge [sflag:s10], $0x1400  }
0x5f: {  	[sflag:s10] =	ssyncset.done $0x0  }
0x60: {  	s21 =	sadd.s32 $0x1E0, s19;
	[sflag:s10] =	ssyncadd.s32 $0xFFFFEC00  }
0x61: {  	[tilespmem:s16], [sflag:$0x2] =	stream.indirect.gather [hbm4b:s4+s14], $0x40, s21, s14, $0xb8;
	[tilespmem:$0x15220] =	vst v63  }
0x62: {  	_ =	swait.ge [sflag:s25], $0x1400  }
0x63: {  	[sflag:s25] =	ssyncset.done $0x0  }
0x64: {  	s21 =	sadd.s32 $0x27B0, s19;
	[sflag:s25] =	ssyncadd.s32 $0xFFFFEC00  }
0x65: {  	[spmem:s2] =	stream.indirect.scatter.add.f32 [tilespmem:s18], [sflag:$0x6], $0x40, s21, s14, $0xb8;
	[tilespmem:$0x15220] =	vst v63  }
0x66: {  	_ =	swait.ge [sflag:s10], $0x1400  }
0x67: {  	[sflag:s10] =	ssyncset.done $0x0  }
0x68: {  	s21 =	sadd.s32 $0x230, s19;
	[sflag:s10] =	ssyncadd.s32 $0xFFFFEC00  }
0x69: {  	[tilespmem:s18], [sflag:$0x3] =	stream.indirect.gather [hbm4b:s4+s14], $0x40, s21, s14, $0xb8;
	[tilespmem:$0x15220] =	vst v63  }
0x6a: {  	_ =	swait.ge [sflag:s26], $0x1400  }
0x6b: {  	[sflag:s26] =	ssyncset.done $0x0  }
0x6c: {  	s21 =	sadd.s32 $0x2800, s19;
	[sflag:s26] =	ssyncadd.s32 $0xFFFFEC00  }
0x6d: {  	[spmem:s2] =	stream.indirect.scatter.add.f32 [tilespmem:s20], [sflag:$0x6], $0x40, s21, s14, $0xb8;
	[tilespmem:$0x15220] =	vst v63  }
0x6e: {  	_ =	swait.ge [sflag:s10], $0x1400  }
0x6f: {  	[sflag:s10] =	ssyncset.done $0x0  }
0x70: {  	s21 =	sadd.s32 $0x280, s19;
	[sflag:s10] =	ssyncadd.s32 $0xFFFFEC00  }
0x71: {  	[tilespmem:s20], [sflag:$0x4] =	stream.indirect.gather [hbm4b:s4+s14], $0x40, s21, s14, $0xb8;
	[tilespmem:$0x15220] =	vst v63  }
0x72: {  	_ =	swait.ge [sflag:s28], $0x1400  }
0x73: {  	[sflag:s28] =	ssyncset.done $0x0  }
.Ltmp0:
0x74: {  	s21 =	sadd.s32 $0x2850, s19;
	[sflag:s28] =	ssyncadd.s32 $0xFFFFEC00;
	(pc) =	sbr.rel @p0 .LBB2_2-.Ltmp0, $4  }
0x75: {  	[spmem:s2] =	stream.indirect.scatter.add.f32 [tilespmem:s22], [sflag:$0x6], $0x40, s21, s14, $0xb8;
	[tilespmem:$0x15220] =	vst v63  }
0x76: {  	_ =	swait.ge [sflag:s10], $0x1400  }
0x77: {  	[sflag:s10] =	ssyncset.done $0x0  }
0x78: {  	s19 =	sadd.s32 $0x2D0, s19;
	[sflag:s10] =	ssyncadd.s32 $0xFFFFEC00  }
0x79: {  	[tilespmem:s22], [sflag:$0x5] =	stream.indirect.gather [hbm4b:s4+s14], $0x40, s19, s14, $0xb8;
	[tilespmem:$0x15220] =	vst v63  }
0x7a: {  	_ =	swait.ge [sflag:s23], $0x1400  }
0x7b: {  	[sflag:s23] =	ssyncset.done $0x0  }
0x7c: {  	[sflag:s23] =	ssyncadd.s32 $0xFFFFEC00  }
0x7d: {  	[spmem:s2] =	stream.indirect.scatter.add.f32 [tilespmem:s15], [sflag:$0x6], $0x40, s29, s14, $0xb8;
	[tilespmem:$0x15220] =	vst v63  }
0x7e: {  	_ =	swait.ge [sflag:s10], $0x1400  }
0x7f: {  	[sflag:s10] =	ssyncset.done $0x0  }
0x80: {  	[sflag:s10] =	ssyncadd.s32 $0xFFFFEC00  }
0x81: {  	_ =	swait.ge [sflag:s24], $0x1400  }
0x82: {  	[sflag:s24] =	ssyncset.done $0x0  }
0x83: {  	[sflag:s24] =	ssyncadd.s32 $0xFFFFEC00  }
0x84: {  	[spmem:s2] =	stream.indirect.scatter.add.f32 [tilespmem:s16], [sflag:$0x6], $0x40, s30, s14, $0xb8;
	[tilespmem:$0x15220] =	vst v63  }
0x85: {  	_ =	swait.ge [sflag:s10], $0x1400  }
0x86: {  	[sflag:s10] =	ssyncset.done $0x0  }
0x87: {  	[sflag:s10] =	ssyncadd.s32 $0xFFFFEC00  }
0x88: {  	_ =	swait.ge [sflag:s25], $0x1400  }
0x89: {  	[sflag:s25] =	ssyncset.done $0x0  }
0x8a: {  	[sflag:s25] =	ssyncadd.s32 $0xFFFFEC00  }
0x8b: {  	[spmem:s2] =	stream.indirect.scatter.add.f32 [tilespmem:s18], [sflag:$0x6], $0x40, s31, s14, $0xb8;
	[tilespmem:$0x15220] =	vst v63  }
0x8c: {  	_ =	swait.ge [sflag:s10], $0x1400  }
0x8d: {  	[sflag:s10] =	ssyncset.done $0x0  }
0x8e: {  	[sflag:s10] =	ssyncadd.s32 $0xFFFFEC00  }
0x8f: {  	_ =	swait.ge [sflag:s26], $0x1400  }
0x90: {  	[sflag:s26] =	ssyncset.done $0x0  }
0x91: {  	[sflag:s26] =	ssyncadd.s32 $0xFFFFEC00  }
0x92: {  	[spmem:s2] =	stream.indirect.scatter.add.f32 [tilespmem:s20], [sflag:$0x6], $0x40, s1, s14, $0xb8;
	[tilespmem:$0x15220] =	vst v63  }
0x93: {  	_ =	swait.ge [sflag:s10], $0x1400  }
0x94: {  	[sflag:s10] =	ssyncset.done $0x0  }
0x95: {  	[sflag:s10] =	ssyncadd.s32 $0xFFFFEC00  }
0x96: {  	_ =	swait.ge [sflag:s28], $0x1400  }
0x97: {  	[sflag:s28] =	ssyncset.done $0x0  }
0x98: {  	[sflag:s28] =	ssyncadd.s32 $0xFFFFEC00  }
0x99: {  	[spmem:s2] =	stream.indirect.scatter.add.f32 [tilespmem:s22], [sflag:$0x6], $0x40, s0, s14, $0xb8;
	[tilespmem:$0x15220] =	vst v63  }
0x9a: {  	_ =	swait.ge [sflag:s10], $0x1400  }
0x9b: {  	s11 =	sadd.s32 $0x1, s11;
	[sflag:s10] =	ssyncset.done $0x0  }
0x9c: {  	p0 =	sne.s32 s11, s9;
	[sflag:s10] =	ssyncadd.s32 $0xFFFFEC00  }
.Ltmp1:
0x9d: {  	[bflag:$0x0] =	sbarrier.arrive $0xFFFF;
	(pc) =	sbr.rel @p0 .LBB2_1-.Ltmp1, $4  }
0x9e: {  	[hbm:s8], [sflag:s12] =	dma.local [spmem:s13], $0x1400  }
0x9f: {  	_ =	swait.ge [sflag:s10], $0x1400  }
0xa0: {  	[sflag:s10] =	ssyncset.done $0x0  }
0xa1: {  	[sflag:s10] =	ssyncadd.s32 $0xFFFFEC00  }
0xa2: {  	_ =	sfence.sel $0x180000  }
0xa3: {  	[bflag:$0x0] =	sbarrier.arrive $0xFFFF  }
0xa4: {  	_ =	strace $0x9000004D  }
0xa5: {  	s0 =	stileid.u32;
	[bflag:$0x2] =	sbarrier.arrive $0xFFFF  }
0xa6: {  	p0 =	sne.s32 s0, $0x0;
	s0 =	rddreg [dreg:$0x3]  }
0xa7: {  	s0 =	sadd.s32 @!p0 $0x100000, s0  }
0xa8: {  	[sflag:s0] =	ssyncadd.tile.s32 @!p0 $0x1;
	_ =	shalt  }
.Lfunc_end2:
_tile_overlayer_lowered:
.L_overlay_start_2:
0xa9: {  	(tag) =	ssettag $0x2  }
0xaa: {  	s0 =	rddreg [dreg:$0x0];
	s2 =	stileid.u32  }
0xab: {  	s1 =	rddreg [dreg:$0x1];
	p0 =	sne.s32 s2, $0x0  }
0xac: {  	s3 =	rddreg [dreg:$0x2];
	[bflag:$0x3] =	sbarrier.arrive $0xFFFF;
	s2 =	simm.s32 @!p0 $0x1C06  }
0xad: {  	[timem:s3], [sflag:s2] =	dma.local @!p0 [hbm:s0], s1  }
0xae: {  	s0 =	simm.s32 @!p0 $0x6  }
0xaf: {  	_ =	swait.ge @!p0 [sflag:s0], s1  }
0xb0: {  	s1 =	ssub.s32 @!p0 $0x0, s1;
	[sflag:s0] =	ssyncset.done @!p0 $0x0  }
0xb1: {  	[sflag:s0] =	ssyncadd.s32 @!p0 s1  }
0xb2: {  	[bflag:$0x3] =	sbarrier.arrive $0xFFFF  }
0xb3: {  	_ =	shalt  }

// kernel: kernel.9.cloned.1.call-start
scs
__scs_entry_jumppad:
0x0: {  	(pc) =	sbr.rel $0x88, $3  }
0x1: {  	(tag) =	ssettag $0x0;
	lr =	simm.s32 $0x1  }
0x2: {  	[smem:$0x3F9C] =	sst lr;
	_ =	strace $0xD0000000  }
0x3: {  	_ = 	snop  }
0x4: {  	_ = 	snop  }
0x5: {  	_ = 	snop  }
0x6: {  	_ = 	snop  }
0x7: {  	_ = 	snop  }
__scs_overlays_trampoline_lowered:
0x8: {  	[smem:$0x3FAB] =	sst s0  }
0x9: {  	[smem:$0x3FAC] =	sst s1  }
0xa: {  	[smem:$0x3FAD] =	sst s2  }
0xb: {  	[smem:$0x3FAE] =	sst s3  }
0xc: {  	[smem:$0x3FAF] =	sst s4  }
0xd: {  	[smem:$0x3FB0] =	sst s5  }
0xe: {  	[smem:$0x3FB1] =	sst s6  }
0xf: {  	[smem:$0x3FB2] =	sst s7  }
0x10: {  	[smem:$0x3FB3] =	sst s8  }
0x11: {  	[smem:$0x3FB4] =	sst s9;
	s0 =	simm.s32 @!p0 $0x0  }
0x12: {  	s1 =	sld [smem:$0x3F9A];
	s0 =	simm.s32 @p0 $0x1  }
0x13: {  	[smem:$0x3FB5] =	sst s0;
	s0 =	simm.s32 @!p1 $0x0  }
0x14: {  	s2 =	sld [smem:$0x3F99];
	s0 =	simm.s32 @p1 $0x1  }
0x15: {  	[smem:$0x3FB6] =	sst s0;
	s0 =	simm.s32 @!p2 $0x0  }
0x16: {  	s3 =	sld [smem:$0x3FDB];
	s0 =	simm.s32 @p2 $0x1  }
0x17: {  	s4 =	simm.s32 $0x1BF5;
	[smem:$0x3FB8] =	sst s0  }
0x18: {  	s0 =	sld [smem:$0x3F9B];
	_ =	swait.ge [sflag:s4], $0x0  }
0x19: {  	s7 =	sld [smem:$0x3F9C]  }
0x1a: {  	s8 =	sadd.s32 $0xFFFFE003, lr  }
0x1b: {  	s9 =	sadd.s32 $0xFFFFFEF7, lr;
	s5 =	simm.s32 $0xFFFFFFFF;
	p2 =	slt.u32 s8, $0xFFFFF086  }
0x1c: {  	p1 =	slt.u32 s9, $0xF7A;
	s5 =	simm.s32 @!p2 $0x0  }
0x1d: {  	s5 =	simm.s32 @p1 $0x1;
	p0 =	seq.s32 s7, s2  }
0x1e: {  	s7 =	smul.u32 @!p0 $0xF7A, s2;
	p2 =	seq.s32 @!p0 s5, $0x0  }
0x1f: {  	s9 =	smul.u32 $0xF7A, s1;
	s8 =	simm.s32 @!p0 $0x1BF5;
	p2 =	por !p2, p0  }
0x20: {  	[sflag:s8] =	ssyncset.s32 @!p0 $0xFFFFF086;
	s6 =	sadd.s32 @!p0 s3, s7;
	s7 =	simm.s32 @!p0 $0x108  }
0x21: {  	s3 =	sadd.s32 s3, s9;
	s6 =	sadd.s32 @!p0 $0x88, s6;
	s7 =	simm.s32 @p2 $0x1082  }
0x22: {  	[simem:s7], [sflag:s8] =	dma.local @!p0 [hbm:s6], $0xF7A  }
0x23: {  	s9 =	sor.u32 $0xD0000000, s2;
	s6 =	simm.s32 $0x108;
	_ =	swait.ge @!p0 [sflag:s8], $0x0  }
0x24: {  	s3 =	sadd.s32 $0x88, s3;
	s6 =	simm.s32 @!p1 $0x1082;
	[sflag:s4] =	ssyncset.s32 $0xFFFFF086  }
0x25: {  	[simem:s6], [sflag:s4] =	dma.local [hbm:s3], $0xF7A  }
0x26: {  	[smem:$0x3F9C] =	sst s1;
	(tag) =	ssettag s2;
	_ =	strace s9  }
0x27: {  	s1 =	sld [smem:$0x3FAC]  }
0x28: {  	s2 =	sld [smem:$0x3FAD]  }
0x29: {  	s4 =	sld [smem:$0x3FAF]  }
0x2a: {  	p0 =	seq.s32 s5, $0x0;
	s5 =	sld [smem:$0x3FB0]  }
0x2b: {  	s6 =	sld [smem:$0x3FB1]  }
0x2c: {  	s7 =	sld [smem:$0x3FB2]  }
0x2d: {  	s3 =	simm.s32 $0x108;
	s8 =	sld [smem:$0x3FB3]  }
0x2e: {  	s3 =	simm.s32 @!p0 $0x1082;
	s9 =	sld [smem:$0x3FB4]  }
0x2f: {  	lr =	sadd.s32 s0, s3;
	s0 =	sld [smem:$0x3FAB]  }
0x30: {  	s3 =	sld [smem:$0x3FAE]  }
0x31: {  	[smem:$0x3FB7] =	sst s10  }
0x32: {  	s10 =	sld [smem:$0x3FB5];
	_ =	sdelay $0x3  }
0x33: {  	p0 =	seq.s32 s10, $0x1;
	s10 =	sld [smem:$0x3FB7];
	_ =	sdelay $0x3  }
0x34: {  	[smem:$0x3FB7] =	sst s10  }
0x35: {  	s10 =	sld [smem:$0x3FB6];
	_ =	sdelay $0x3  }
0x36: {  	p1 =	seq.s32 s10, $0x1;
	s10 =	sld [smem:$0x3FB7];
	_ =	sdelay $0x3  }
0x37: {  	[smem:$0x3FB7] =	sst s10  }
0x38: {  	s10 =	sld [smem:$0x3FB8]  }
0x39: {  	_ = 	snop;
	(pc) =	sbr.ind lr, $3  }
0x3a: {  	_ = 	snop  }
0x3b: {  	_ = 	snop  }
0x3c: {  	p2 =	seq.s32 s10, $0x1;
	s10 =	sld [smem:$0x3FB7]  }
0x3d: {  	_ =	shalt  }
0x3e: {  	_ =	shalt  }
0x3f: {  	_ =	shalt  }
0x40: {  	_ =	shalt  }
0x41: {  	_ =	shalt  }
0x42: {  	_ =	shalt  }
0x43: {  	_ =	shalt  }
0x44: {  	_ =	shalt  }
0x45: {  	_ =	shalt  }
0x46: {  	_ =	shalt  }
0x47: {  	_ =	shalt  }
0x48: {  	_ =	shalt  }
0x49: {  	_ =	shalt  }
0x4a: {  	_ =	shalt  }
0x4b: {  	_ =	shalt  }
0x4c: {  	_ =	shalt  }
0x4d: {  	_ =	shalt  }
0x4e: {  	_ =	shalt  }
0x4f: {  	_ =	shalt  }
0x50: {  	_ =	shalt  }
0x51: {  	_ =	shalt  }
0x52: {  	_ =	shalt  }
0x53: {  	_ =	shalt  }
0x54: {  	_ =	shalt  }
0x55: {  	_ =	shalt  }
0x56: {  	_ =	shalt  }
0x57: {  	_ =	shalt  }
0x58: {  	_ =	shalt  }
0x59: {  	_ =	shalt  }
0x5a: {  	_ =	shalt  }
0x5b: {  	_ =	shalt  }
0x5c: {  	_ =	shalt  }
0x5d: {  	_ =	shalt  }
0x5e: {  	_ =	shalt  }
0x5f: {  	_ =	shalt  }
0x60: {  	_ =	shalt  }
0x61: {  	_ =	shalt  }
0x62: {  	_ =	shalt  }
0x63: {  	_ =	shalt  }
0x64: {  	_ =	shalt  }
0x65: {  	_ =	shalt  }
0x66: {  	_ =	shalt  }
0x67: {  	_ =	shalt  }
0x68: {  	_ =	shalt  }
0x69: {  	_ =	shalt  }
0x6a: {  	_ =	shalt  }
0x6b: {  	_ =	shalt  }
0x6c: {  	_ =	shalt  }
0x6d: {  	_ =	shalt  }
0x6e: {  	_ =	shalt  }
0x6f: {  	_ =	shalt  }
0x70: {  	_ =	shalt  }
0x71: {  	_ =	shalt  }
0x72: {  	_ =	shalt  }
0x73: {  	_ =	shalt  }
0x74: {  	_ =	shalt  }
0x75: {  	_ =	shalt  }
0x76: {  	_ =	shalt  }
0x77: {  	_ =	shalt  }
0x78: {  	_ =	shalt  }
0x79: {  	_ =	shalt  }
0x7a: {  	_ =	shalt  }
0x7b: {  	_ =	shalt  }
0x7c: {  	_ =	shalt  }
0x7d: {  	_ =	shalt  }
0x7e: {  	_ =	shalt  }
0x7f: {  	_ =	shalt  }
0x80: {  	_ =	shalt  }
0x81: {  	_ =	shalt  }
0x82: {  	_ =	shalt  }
0x83: {  	_ =	shalt  }
0x84: {  	_ =	shalt  }
0x85: {  	_ =	shalt  }
0x86: {  	_ =	shalt  }
0x87: {  	_ =	shalt  }
.Lfunc_end0:
.L_simem_size_0:
called_computation_lowered:
.L_overlay_start_0:
0x88: {  	s2 =	sld [smem:$0x3FD9]  }
0x89: {  	s3 =	sld [smem:$0x3FFE];
	_ =	sdelay $0x1  }
0x8a: {  	s1 =	srdreg.scid  }
0x8b: {  	s0 =	sand.u32 $0x1, s1  }
0x8c: {  	s17 =	sshll.u32 s0, $0xA;
	s2 =	sadd.s32 s3, s2  }
0x8d: {  	s2 =	sadd.s32 s2, s17  }
0x8e: {  	[smem:$0x3FC3] =	sst s2  }
0x8f: {  	_ = 	snop  }
0x90: {  	s2 =	sld [smem:$0x3FD0];
	(tm) =	ssettm $0x1  }
0x91: {  	s18 =	sld [smem:$0x3FFB];
	_ =	sdelay $0x3  }
0x92: {  	_ =	strace s18  }
0x93: {  	s3 =	sld [smem:$0x3FFC];
	_ =	sdelay $0x3  }
0x94: {  	_ =	strace s3  }
0x95: {  	s3 =	sld [smem:$0x3FFD];
	_ =	sdelay $0x3  }
0x96: {  	_ =	strace s3  }
0x97: {  	_ =	strace $0x8FFFFFFF  }
0x98: {  	s19 =	sld [smem:$0x3FDB];
	_ =	sdelay $0x1  }
0x99: {  	s4 =	simm.s32 $_scs_section_size  }
0x9a: {  	s5 =	simm.s32 $_size__tile_overlayer_lowered;
	s6 =	simm.s32 $_tile_overlayer_lowered  }
0x9b: {  	s22 =	simm.s32 $0x1BFF;
	s21 =	sshll.u32 s6, $0x1;
	s3 =	sadd.s32 s4, s19  }
0x9c: {  	s7 =	simm.s32 $0x0;
	s20 =	sshll.u32 s5, $0x1;
	s5 =	sadd.s32 s21, s3  }
0x9d: {  	[timem:s7], [sflag:s22] =	dma.local [hbm:s5], s20  }
0x9e: {  	_ =	swait.ge [sflag:s22], s20  }
0x9f: {  	s4 =	ssub.s32 $0x0, s20;
	[sflag:s22] =	ssyncset.done $0x0  }
0xa0: {  	[sflag:s22] =	ssyncadd.s32 s4;
	_ =	sdelay $0x1  }
0xa1: {  	s23 =	simm.s32 $0x1B8B  }
0xa2: {  	_ =	swait.ge [sflag:s23], $0x1  }
0xa3: {  	[sflag:s23] =	ssyncset.done $0x0  }
0xa4: {  	s25 =	simm.s32 $0x1B8E;
	s24 =	sld [smem:$0x3FFE];
	[sflag:s23] =	ssyncadd.s32 $0xFFFFFFFF  }
0xa5: {  	s26 =	simm.s32 $execute0_lowered;
	[smem:$0x3FD2] =	sst s25  }
0xa6: {  	s5 =	sshll.u32 s26, $0x1;
	_ =	strace $0x80000046;
	[dreg:$0x1] =	wrdreg $0xFFFFFFFF  }
0xa7: {  	s28 =	simm.s32 $_size_execute0_lowered;
	s3 =	sadd.s32 s3, s5;
	[dreg:$0x0] =	wrdreg $0x0  }
0xa8: {  	s5 =	sshll.u32 s28, $0x1;
	[dreg:$0x2] =	wrdreg s3  }
0xa9: {  	[dreg:$0x3] =	wrdreg s5  }
0xaa: {  	[dreg:$0x4] =	wrdreg $0xC0  }
0xab: {  	_ =	task [dreg:s7], $0x5FFFF  }
0xac: {  	[dreg:$0x1] =	wrdreg $0xFFFFFFFF  }
0xad: {  	[dreg:$0x0] =	wrdreg $0x60  }
0xae: {  	[dreg:$0x2] =	wrdreg s2  }
0xaf: {  	[dreg:$0x3] =	wrdreg s24  }
0xb0: {  	[dreg:$0x4] =	wrdreg $0x4E700  }
0xb1: {  	[dreg:$0x5] =	wrdreg $0x9  }
0xb2: {  	_ =	task.clear_ibuf [dreg:s7], $0x6FFFF;
	_ =	strace $0x90000046  }
0xb3: {  	s29 =	simm.s32 $0x9;
	_ =	strace $0x80000048  }
0xb4: {  	_ =	swait.ge [sflag:s29], $0x1  }
0xb5: {  	[sflag:s29] =	ssyncadd.s32 $0xFFFFFFFF  }
0xb6: {  	_ =	strace $0x90000048  }
0xb7: {  	_ =	sfence  }
0xb8: {  	s30 =	sld [smem:$0x0];
	_ =	sdelay $0x2  }
0xb9: {  	s31 =	sshll.u32 s1, $0xD;
	s1 =	sshrl.u32 s1, $0x2  }
0xba: {  	s3 =	sand.u32 $0x4000, s31;
	s1 =	sadd.s32 s1, s30  }
0xbb: {  	s0 =	sor.u32 s3, s0;
	s1 =	sshll.u32 s1, $0x11  }
0xbc: {  	s0 =	sor.u32 s1, s0  }
0xbd: {  	s0 =	sadd.s32 $0x8F2B, s0  }
0xbe: {  	[sflag:s0] =	ssyncadd.remote.s32 $0x1  }
0xbf: {  	_ =	sfence.sel $0xFFFF  }
0xc0: {  	[dreg:$0x0] =	wrdreg $0xFFFFFFFF;
	(pc) =	sbr.abs _section_cstart, $3  }
0xc1: {  	[dreg:$0x1] =	wrdreg $0xFFFFFFFF  }
0xc2: {  	_ =	task.clear_ibuf [dreg:s7], $0x2FFFF;
	_ =	strace $0x9FFFFFFF  }
0xc3: {  	(tm) =	ssettm $0x7FFFFFFF  }
tec
execute0_lowered:
.L_overlay_start_1:
0x0: {  	(tag) =	ssettag $0x1  }
0x1: {  	s7 =	rddreg [dreg:$0x0]  }
0x2: {  	s4 =	rddreg [dreg:$0x1]  }
0x3: {  	s2 =	rddreg [dreg:$0x2]  }
0x4: {  	s0 =	rddreg [dreg:$0x3]  }
0x5: {  	s1 =	stileid.u32;
	s5 =	srdreg.scid;
	s3 =	simm.s32 $0x0  }
0x6: {  	s14 =	simm.s32 $0x0;
	s6 =	smul.u32 $0x280, s1;
	s5 =	sand.u32 $0x1, s5  }
0x7: {  	[smem:$0x7FF] =	sst s3;
	s9 =	sadd.s32 $0x2000, s4;
	s30 =	smul.u32 $0x9C4, s1  }
0x8: {  	s31 =	sshll.u32 s1, $0x6;
	s8 =	smul.u32 $0x2800, s5;
	_ =	strace $0x80000047  }
0x9: {  	s11 =	ssub.s32 $0x2, s5;
	p0 =	seq.s32 s5, $0x1;
	s10 =	sshrl.u32 s6, $0x3  }
0xa: {  	s12 =	sshrl.u32 s11, $0x1;
	s13 =	sadd.s32 s6, s2;
	s9 =	smov.u32 @p0 s7  }
0xb: {  	s8 =	sadd.s32 s6, s8;
	s10 =	sadd.s32 s10, s4;
	s11 =	ssub.s32 s11, s12  }
0xc: {  	s7 =	sadd.s32 s9, s30;
	s9 =	sor.u32 $0x1C02, s31;
	s12 =	simm.s32 $0x4E20  }
0xd: {  	s8 =	sshrl.u32 s8, $0x3;
	s6 =	smax.u32 s11, $0x1;
	s11 =	simm.s32 $0x50  }
0xe: {  	s8 =	sadd.s32 s8, s4;
	s4 =	sadd.s32 $0xBE00, s10;
	s10 =	sshrl.u32 s13, $0x3  }
0xf: {  	v0 =	vimm.f32 $1.000000000e+00;
	s13 =	simm.s32 $0x1;
	s5 =	sadd.s32 $0xC400, s8;
	s8 =	simm.s32 $0x2  }
.LBB2_1:
0x10: {  	[tilespmem:s3], [sflag:$0x2] =	stream.linear.gather [hbm4b:s7+s3], $0x4E20, $0x38;
	[tilespmem:$0x50F0] =	vst v63  }
0x11: {  	_ =	swait.ge [sflag:s8], $0x4E20  }
0x12: {  	[sflag:s8] =	ssyncset.done $0x0  }
0x13: {  	[sflag:s8] =	ssyncadd.s32 $0xFFFFB1E0  }
0x14: {  	[tilespmem:$0x4E20] =	vst v0  }
0x15: {  	[tilespmem:$0x4E30] =	vst v0  }
0x16: {  	[tilespmem:$0x4E40] =	vst v0  }
0x17: {  	[tilespmem:$0x4E50] =	vst v0  }
0x18: {  	[tilespmem:$0x4E60] =	vst v0  }
0x19: {  	[spmem:s10], [sflag:s9] =	dma.local [hbm:s4], $0x50  }
0x1a: {  	_ =	swait.ge [sflag:s8], $0x50  }
0x1b: {  	[sflag:s8] =	ssyncset.done $0x0  }
0x1c: {  	[sflag:s8] =	ssyncadd.s32 $0xFFFFFFB0  }
0x1d: {  	s15 =	simm.s32 $0x0;
	[bflag:$0x0] =	sbarrier.arrive $0xFFFF  }
0x1e: {  	[spmem:s2] =	stream.indirect.scatter.add.f32 [tilespmem:s12], [sflag:$0x1], $0x1, s15, s11, $0xb8;
	[tilespmem:$0x50F0] =	vst v63  }
0x1f: {  	s22 =	simm.s32 $0x50  }
0x20: {  	[spmem:s2] =	stream.indirect.scatter.add.f32 [tilespmem:s12], [sflag:$0x1], $0x1, s22, s11, $0xb8;
	[tilespmem:$0x50F0] =	vst v63  }
0x21: {  	s23 =	simm.s32 $0xA0  }
0x22: {  	[spmem:s2] =	stream.indirect.scatter.add.f32 [tilespmem:s12], [sflag:$0x1], $0x1, s23, s11, $0xb8;
	[tilespmem:$0x50F0] =	vst v63  }
0x23: {  	s24 =	simm.s32 $0xF0  }
0x24: {  	[spmem:s2] =	stream.indirect.scatter.add.f32 [tilespmem:s12], [sflag:$0x1], $0x1, s24, s11, $0xb8;
	[tilespmem:$0x50F0] =	vst v63  }
0x25: {  	s25 =	simm.s32 $0x140  }
0x26: {  	[spmem:s2] =	stream.indirect.scatter.add.f32 [tilespmem:s12], [sflag:$0x1], $0x1, s25, s11, $0xb8;
	[tilespmem:$0x50F0] =	vst v63  }
0x27: {  	s26 =	simm.s32 $0x190  }
0x28: {  	[spmem:s2] =	stream.indirect.scatter.add.f32 [tilespmem:s12], [sflag:$0x1], $0x1, s26, s11, $0xb8;
	[tilespmem:$0x50F0] =	vst v63  }
0x29: {  	s28 =	simm.s32 $0x1E0  }
0x2a: {  	[spmem:s2] =	stream.indirect.scatter.add.f32 [tilespmem:s12], [sflag:$0x1], $0x1, s28, s11, $0xb8;
	[tilespmem:$0x50F0] =	vst v63  }
0x2b: {  	s29 =	simm.s32 $0x230  }
0x2c: {  	[spmem:s2] =	stream.indirect.scatter.add.f32 [tilespmem:s12], [sflag:$0x1], $0x1, s29, s11, $0xb8;
	[tilespmem:$0x50F0] =	vst v63  }
0x2d: {  	s30 =	simm.s32 $0x280  }
0x2e: {  	[spmem:s2] =	stream.indirect.scatter.add.f32 [tilespmem:s12], [sflag:$0x1], $0x1, s30, s11, $0xb8;
	[tilespmem:$0x50F0] =	vst v63  }
0x2f: {  	s31 =	simm.s32 $0x2D0  }
0x30: {  	[spmem:s2] =	stream.indirect.scatter.add.f32 [tilespmem:s12], [sflag:$0x1], $0x1, s31, s11, $0xb8;
	[tilespmem:$0x50F0] =	vst v63  }
0x31: {  	_ =	swait.ge [sflag:s13], $0x50  }
0x32: {  	[sflag:s13] =	ssyncset.done $0x0  }
0x33: {  	[sflag:s13] =	ssyncadd.s32 $0xFFFFFFB0  }
0x34: {  	_ =	swait.ge [sflag:s13], $0x50  }
0x35: {  	[sflag:s13] =	ssyncset.done $0x0  }
0x36: {  	[sflag:s13] =	ssyncadd.s32 $0xFFFFFFB0  }
0x37: {  	_ =	swait.ge [sflag:s13], $0x50  }
0x38: {  	[sflag:s13] =	ssyncset.done $0x0  }
0x39: {  	[sflag:s13] =	ssyncadd.s32 $0xFFFFFFB0  }
0x3a: {  	_ =	swait.ge [sflag:s13], $0x50  }
0x3b: {  	[sflag:s13] =	ssyncset.done $0x0  }
0x3c: {  	[sflag:s13] =	ssyncadd.s32 $0xFFFFFFB0  }
0x3d: {  	_ =	swait.ge [sflag:s13], $0x50  }
0x3e: {  	[sflag:s13] =	ssyncset.done $0x0  }
0x3f: {  	[sflag:s13] =	ssyncadd.s32 $0xFFFFFFB0  }
0x40: {  	_ =	swait.ge [sflag:s13], $0x50  }
0x41: {  	[sflag:s13] =	ssyncset.done $0x0  }
0x42: {  	[sflag:s13] =	ssyncadd.s32 $0xFFFFFFB0  }
0x43: {  	_ =	swait.ge [sflag:s13], $0x50  }
0x44: {  	[sflag:s13] =	ssyncset.done $0x0  }
0x45: {  	[sflag:s13] =	ssyncadd.s32 $0xFFFFFFB0  }
0x46: {  	_ =	swait.ge [sflag:s13], $0x50  }
0x47: {  	[sflag:s13] =	ssyncset.done $0x0  }
0x48: {  	[sflag:s13] =	ssyncadd.s32 $0xFFFFFFB0  }
0x49: {  	_ =	swait.ge [sflag:s13], $0x50  }
0x4a: {  	[sflag:s13] =	ssyncset.done $0x0  }
0x4b: {  	[sflag:s13] =	ssyncadd.s32 $0xFFFFFFB0  }
0x4c: {  	_ =	swait.ge [sflag:s13], $0x50  }
0x4d: {  	s17 =	simm.s32 $0x1900;
	s15 =	simm.s32 $0xC80;
	[sflag:s13] =	ssyncset.done $0x0  }
.LBB2_2:
0x4e: {  	s18 =	sshra.s32 s15, $0x2  }
0x4f: {  	[sflag:s13] =	ssyncadd.s32 $0xFFFFFFB0;
	s15 =	smov.u32 s17;
	s16 =	sadd.s32 $0xC80, s17  }
0x50: {  	[spmem:s2] =	stream.indirect.scatter.add.f32 [tilespmem:s12], [sflag:$0x1], $0x1, s18, s11, $0xb8;
	[tilespmem:$0x50F0] =	vst v63  }
0x51: {  	p0 =	sne.s32 s17, $0x12C00;
	s17 =	sadd.s32 $0x50, s18  }
0x52: {  	[spmem:s2] =	stream.indirect.scatter.add.f32 [tilespmem:s12], [sflag:$0x1], $0x1, s17, s11, $0xb8;
	[tilespmem:$0x50F0] =	vst v63  }
0x53: {  	s17 =	sadd.s32 $0xA0, s18  }
0x54: {  	[spmem:s2] =	stream.indirect.scatter.add.f32 [tilespmem:s12], [sflag:$0x1], $0x1, s17, s11, $0xb8;
	[tilespmem:$0x50F0] =	vst v63  }
0x55: {  	s17 =	sadd.s32 $0xF0, s18  }
0x56: {  	[spmem:s2] =	stream.indirect.scatter.add.f32 [tilespmem:s12], [sflag:$0x1], $0x1, s17, s11, $0xb8;
	[tilespmem:$0x50F0] =	vst v63  }
0x57: {  	s17 =	sadd.s32 $0x140, s18  }
0x58: {  	[spmem:s2] =	stream.indirect.scatter.add.f32 [tilespmem:s12], [sflag:$0x1], $0x1, s17, s11, $0xb8;
	[tilespmem:$0x50F0] =	vst v63  }
0x59: {  	s17 =	sadd.s32 $0x190, s18  }
0x5a: {  	[spmem:s2] =	stream.indirect.scatter.add.f32 [tilespmem:s12], [sflag:$0x1], $0x1, s17, s11, $0xb8;
	[tilespmem:$0x50F0] =	vst v63  }
0x5b: {  	s17 =	sadd.s32 $0x1E0, s18  }
0x5c: {  	[spmem:s2] =	stream.indirect.scatter.add.f32 [tilespmem:s12], [sflag:$0x1], $0x1, s17, s11, $0xb8;
	[tilespmem:$0x50F0] =	vst v63  }
0x5d: {  	s17 =	sadd.s32 $0x230, s18  }
0x5e: {  	[spmem:s2] =	stream.indirect.scatter.add.f32 [tilespmem:s12], [sflag:$0x1], $0x1, s17, s11, $0xb8;
	[tilespmem:$0x50F0] =	vst v63  }
0x5f: {  	s17 =	sadd.s32 $0x280, s18  }
0x60: {  	[spmem:s2] =	stream.indirect.scatter.add.f32 [tilespmem:s12], [sflag:$0x1], $0x1, s17, s11, $0xb8;
	[tilespmem:$0x50F0] =	vst v63  }
0x61: {  	s17 =	sadd.s32 $0x2D0, s18  }
0x62: {  	[spmem:s2] =	stream.indirect.scatter.add.f32 [tilespmem:s12], [sflag:$0x1], $0x1, s17, s11, $0xb8;
	[tilespmem:$0x50F0] =	vst v63  }
0x63: {  	_ =	swait.ge [sflag:s13], $0x50  }
0x64: {  	[sflag:s13] =	ssyncset.done $0x0  }
0x65: {  	[sflag:s13] =	ssyncadd.s32 $0xFFFFFFB0  }
0x66: {  	_ =	swait.ge [sflag:s13], $0x50  }
0x67: {  	[sflag:s13] =	ssyncset.done $0x0  }
0x68: {  	[sflag:s13] =	ssyncadd.s32 $0xFFFFFFB0  }
0x69: {  	_ =	swait.ge [sflag:s13], $0x50  }
0x6a: {  	[sflag:s13] =	ssyncset.done $0x0  }
0x6b: {  	[sflag:s13] =	ssyncadd.s32 $0xFFFFFFB0  }
0x6c: {  	_ =	swait.ge [sflag:s13], $0x50  }
0x6d: {  	[sflag:s13] =	ssyncset.done $0x0  }
0x6e: {  	[sflag:s13] =	ssyncadd.s32 $0xFFFFFFB0  }
0x6f: {  	_ =	swait.ge [sflag:s13], $0x50  }
0x70: {  	[sflag:s13] =	ssyncset.done $0x0  }
0x71: {  	[sflag:s13] =	ssyncadd.s32 $0xFFFFFFB0  }
0x72: {  	_ =	swait.ge [sflag:s13], $0x50  }
0x73: {  	[sflag:s13] =	ssyncset.done $0x0  }
0x74: {  	[sflag:s13] =	ssyncadd.s32 $0xFFFFFFB0  }
0x75: {  	_ =	swait.ge [sflag:s13], $0x50  }
0x76: {  	[sflag:s13] =	ssyncset.done $0x0  }
0x77: {  	[sflag:s13] =	ssyncadd.s32 $0xFFFFFFB0  }
0x78: {  	_ =	swait.ge [sflag:s13], $0x50  }
0x79: {  	[sflag:s13] =	ssyncset.done $0x0  }
0x7a: {  	[sflag:s13] =	ssyncadd.s32 $0xFFFFFFB0  }
.Ltmp0:
0x7b: {  	_ =	swait.ge [sflag:s13], $0x50;
	(pc) =	sbr.rel @p0 .LBB2_2-.Ltmp0, $4  }
0x7c: {  	[sflag:s13] =	ssyncset.done $0x0  }
0x7d: {  	[sflag:s13] =	ssyncadd.s32 $0xFFFFFFB0  }
0x7e: {  	_ =	swait.ge [sflag:s13], $0x50  }
0x7f: {  	s17 =	smov.u32 s16;
	[sflag:s13] =	ssyncset.done $0x0  }
0x80: {  	s15 =	sshra.s32 s15, $0x2;
	[sflag:s13] =	ssyncadd.s32 $0xFFFFFFB0  }
0x81: {  	[spmem:s2] =	stream.indirect.scatter.add.f32 [tilespmem:s12], [sflag:$0x1], $0x1, s15, s11, $0xb8;
	[tilespmem:$0x50F0] =	vst v63  }
0x82: {  	s16 =	sadd.s32 $0x50, s15  }
0x83: {  	[spmem:s2] =	stream.indirect.scatter.add.f32 [tilespmem:s12], [sflag:$0x1], $0x1, s16, s11, $0xb8;
	[tilespmem:$0x50F0] =	vst v63  }
0x84: {  	s24 =	sadd.s32 $0xA0, s15  }
0x85: {  	[spmem:s2] =	stream.indirect.scatter.add.f32 [tilespmem:s12], [sflag:$0x1], $0x1, s24, s11, $0xb8;
	[tilespmem:$0x50F0] =	vst v63  }
0x86: {  	s25 =	sadd.s32 $0xF0, s15  }
0x87: {  	[spmem:s2] =	stream.indirect.scatter.add.f32 [tilespmem:s12], [sflag:$0x1], $0x1, s25, s11, $0xb8;
	[tilespmem:$0x50F0] =	vst v63  }
0x88: {  	s26 =	sadd.s32 $0x140, s15  }
0x89: {  	[spmem:s2] =	stream.indirect.scatter.add.f32 [tilespmem:s12], [sflag:$0x1], $0x1, s26, s11, $0xb8;
	[tilespmem:$0x50F0] =	vst v63  }
0x8a: {  	s28 =	sadd.s32 $0x190, s15  }
0x8b: {  	[spmem:s2] =	stream.indirect.scatter.add.f32 [tilespmem:s12], [sflag:$0x1], $0x1, s28, s11, $0xb8;
	[tilespmem:$0x50F0] =	vst v63  }
0x8c: {  	s29 =	sadd.s32 $0x1E0, s15  }
0x8d: {  	[spmem:s2] =	stream.indirect.scatter.add.f32 [tilespmem:s12], [sflag:$0x1], $0x1, s29, s11, $0xb8;
	[tilespmem:$0x50F0] =	vst v63  }
0x8e: {  	s30 =	sadd.s32 $0x230, s15  }
0x8f: {  	[spmem:s2] =	stream.indirect.scatter.add.f32 [tilespmem:s12], [sflag:$0x1], $0x1, s30, s11, $0xb8;
	[tilespmem:$0x50F0] =	vst v63  }
0x90: {  	s31 =	sadd.s32 $0x280, s15  }
0x91: {  	[spmem:s2] =	stream.indirect.scatter.add.f32 [tilespmem:s12], [sflag:$0x1], $0x1, s31, s11, $0xb8;
	[tilespmem:$0x50F0] =	vst v63  }
0x92: {  	s15 =	sadd.s32 $0x2D0, s15  }
0x93: {  	[spmem:s2] =	stream.indirect.scatter.add.f32 [tilespmem:s12], [sflag:$0x1], $0x1, s15, s11, $0xb8;
	[tilespmem:$0x50F0] =	vst v63  }
0x94: {  	_ =	swait.ge [sflag:s13], $0x50  }
0x95: {  	[sflag:s13] =	ssyncset.done $0x0  }
0x96: {  	[sflag:s13] =	ssyncadd.s32 $0xFFFFFFB0  }
0x97: {  	_ =	swait.ge [sflag:s13], $0x50  }
0x98: {  	[sflag:s13] =	ssyncset.done $0x0  }
0x99: {  	[sflag:s13] =	ssyncadd.s32 $0xFFFFFFB0  }
0x9a: {  	_ =	swait.ge [sflag:s13], $0x50  }
0x9b: {  	[sflag:s13] =	ssyncset.done $0x0  }
0x9c: {  	[sflag:s13] =	ssyncadd.s32 $0xFFFFFFB0  }
0x9d: {  	_ =	swait.ge [sflag:s13], $0x50  }
0x9e: {  	[sflag:s13] =	ssyncset.done $0x0  }
0x9f: {  	[sflag:s13] =	ssyncadd.s32 $0xFFFFFFB0  }
0xa0: {  	_ =	swait.ge [sflag:s13], $0x50  }
0xa1: {  	[sflag:s13] =	ssyncset.done $0x0  }
0xa2: {  	[sflag:s13] =	ssyncadd.s32 $0xFFFFFFB0  }
0xa3: {  	_ =	swait.ge [sflag:s13], $0x50  }
0xa4: {  	[sflag:s13] =	ssyncset.done $0x0  }
0xa5: {  	[sflag:s13] =	ssyncadd.s32 $0xFFFFFFB0  }
0xa6: {  	_ =	swait.ge [sflag:s13], $0x50  }
0xa7: {  	[sflag:s13] =	ssyncset.done $0x0  }
0xa8: {  	[sflag:s13] =	ssyncadd.s32 $0xFFFFFFB0  }
0xa9: {  	_ =	swait.ge [sflag:s13], $0x50  }
0xaa: {  	[sflag:s13] =	ssyncset.done $0x0  }
0xab: {  	[sflag:s13] =	ssyncadd.s32 $0xFFFFFFB0  }
0xac: {  	_ =	swait.ge [sflag:s13], $0x50  }
0xad: {  	[sflag:s13] =	ssyncset.done $0x0  }
0xae: {  	[sflag:s13] =	ssyncadd.s32 $0xFFFFFFB0  }
0xaf: {  	_ =	swait.ge [sflag:s13], $0x50  }
0xb0: {  	s14 =	sadd.s32 $0x1, s14;
	[sflag:s13] =	ssyncset.done $0x0  }
0xb1: {  	p0 =	sne.s32 s14, s6;
	[sflag:s13] =	ssyncadd.s32 $0xFFFFFFB0  }
.Ltmp1:
0xb2: {  	[bflag:$0x0] =	sbarrier.arrive $0xFFFF;
	(pc) =	sbr.rel @p0 .LBB2_1-.Ltmp1, $4  }
0xb3: {  	[hbm:s5], [sflag:s9] =	dma.local [spmem:s10], $0x50  }
0xb4: {  	_ =	swait.ge [sflag:s8], $0x50  }
0xb5: {  	[sflag:s8] =	ssyncset.done $0x0  }
0xb6: {  	[sflag:s8] =	ssyncadd.s32 $0xFFFFFFB0  }
0xb7: {  	_ =	sfence.sel $0x180000  }
0xb8: {  	[bflag:$0x0] =	sbarrier.arrive $0xFFFF  }
0xb9: {  	p0 =	sne.s32 s1, $0x0;
	_ =	strace $0x90000047  }
0xba: {  	s0 =	sadd.s32 @!p0 $0x100000, s0;
	[bflag:$0x2] =	sbarrier.arrive $0xFFFF  }
0xbb: {  	[sflag:s0] =	ssyncadd.tile.s32 @!p0 $0x1;
	_ =	shalt  }
.Lfunc_end2:
_tile_overlayer_lowered:
.L_overlay_start_2:
0xbc: {  	(tag) =	ssettag $0x2  }
0xbd: {  	s0 =	rddreg [dreg:$0x0];
	s2 =	stileid.u32  }
0xbe: {  	s1 =	rddreg [dreg:$0x1];
	p0 =	sne.s32 s2, $0x0  }
0xbf: {  	s3 =	rddreg [dreg:$0x2];
	[bflag:$0x3] =	sbarrier.arrive $0xFFFF;
	s2 =	simm.s32 @!p0 $0x1C02  }
0xc0: {  	[timem:s3], [sflag:s2] =	dma.local @!p0 [hbm:s0], s1  }
0xc1: {  	s0 =	simm.s32 @!p0 $0x2  }
0xc2: {  	_ =	swait.ge @!p0 [sflag:s0], s1  }
0xc3: {  	s1 =	ssub.s32 @!p0 $0x0, s1;
	[sflag:s0] =	ssyncset.done @!p0 $0x0  }
0xc4: {  	[sflag:s0] =	ssyncadd.s32 @!p0 s1  }
0xc5: {  	[bflag:$0x3] =	sbarrier.arrive $0xFFFF  }
0xc6: {  	_ =	shalt  }

</sc_bundles>
